<compile_context>
chip_gen: v7x
topology: tpu7x:2x2x1
jax: 0.10.2.dev20260603
libtpu: 0.0.44.dev20260713+nightly
codegen_flags: <defaults>
</compile_context>

<pallas_src>
import functools

import jax
import jax.numpy as jnp
from jax import lax
from jax.experimental import pallas as pl
from jax.experimental.pallas import tpu as pltpu
from jax.experimental.pallas import tpu_sc as plsc

N = 10000
E = 320000
D = 128
DH = D // 2

NC = 2
NS = 16
CLEN = 80
FCHUNKS = E // (NS * CLEN)
DCHUNKS = FCHUNKS // 2
VECS = CLEN // 16
TROWS = 624
TAIL0 = TROWS * NS
TAILN = N - TAIL0

_MESH = plsc.VectorSubcoreMesh(core_axis_name="c", subcore_axis_name="s")


@functools.partial(
    pl.kernel,
    mesh=_MESH,
    compiler_params=pltpu.CompilerParams(use_tc_tiling_on_sc=False),
    out_type=jax.ShapeDtypeStruct((NC, 2, N, 16), jnp.float32),
    scratch_types=[
        pltpu.VMEM((DCHUNKS, CLEN), jnp.int32),
        pltpu.VMEM((DCHUNKS, CLEN), jnp.int32),
        pltpu.VMEM((CLEN, 16), jnp.float32),
        pltpu.VMEM_SHARED((N, 16), jnp.float32),
        pltpu.VMEM_SHARED((N, 16), jnp.float32),
        pltpu.SemaphoreType.DMA,
    ],
)
def _sc_degrees(src_hbm, dst_hbm, ones_hbm, zeros_hbm, out_hbm,
                src_v, dst_v, ones_v, acc_s, acc_d, ssem):
    c = lax.axis_index("c")
    s = lax.axis_index("s")
    pltpu.sync_copy(src_hbm.at[s, pl.ds(c * DCHUNKS, DCHUNKS)], src_v)
    pltpu.sync_copy(dst_hbm.at[s, pl.ds(c * DCHUNKS, DCHUNKS)], dst_v)
    pltpu.sync_copy(ones_hbm, ones_v)
    row0 = s * TROWS
    pltpu.sync_copy(zeros_hbm, acc_s.at[pl.ds(row0, TROWS)])
    pltpu.sync_copy(zeros_hbm, acc_d.at[pl.ds(row0, TROWS)])

    @pl.when(s == 0)
    def _():
        pltpu.sync_copy(zeros_hbm.at[pl.ds(0, TAILN)],
                        acc_s.at[pl.ds(TAIL0, TAILN)])
        pltpu.sync_copy(zeros_hbm.at[pl.ds(0, TAILN)],
                        acc_d.at[pl.ds(TAIL0, TAILN)])

    plsc.subcore_barrier()

    def body(j, carry):
        pltpu.async_copy(ones_v, acc_s.at[src_v.at[j]], ssem, add=True)
        pltpu.async_copy(ones_v, acc_d.at[dst_v.at[j]], ssem, add=True)
        return carry

    lax.fori_loop(0, DCHUNKS, body, 0)

    def drain(j, carry):
        pltpu.make_async_copy(ones_v, acc_s.at[src_v.at[j]], ssem).wait()
        pltpu.make_async_copy(ones_v, acc_d.at[dst_v.at[j]], ssem).wait()
        return carry

    lax.fori_loop(0, DCHUNKS, drain, 0)
    plsc.subcore_barrier()
    pltpu.sync_copy(acc_s.at[pl.ds(row0, TROWS)],
                    out_hbm.at[c, 0, pl.ds(row0, TROWS)])
    pltpu.sync_copy(acc_d.at[pl.ds(row0, TROWS)],
                    out_hbm.at[c, 1, pl.ds(row0, TROWS)])

    @pl.when(s == 0)
    def _():
        pltpu.sync_copy(acc_s.at[pl.ds(TAIL0, TAILN)],
                        out_hbm.at[c, 0, pl.ds(TAIL0, TAILN)])
        pltpu.sync_copy(acc_d.at[pl.ds(TAIL0, TAILN)],
                        out_hbm.at[c, 1, pl.ds(TAIL0, TAILN)])


@functools.partial(
    pl.kernel,
    mesh=_MESH,
    compiler_params=pltpu.CompilerParams(use_tc_tiling_on_sc=False),
    out_type=jax.ShapeDtypeStruct((NC, N, DH), jnp.float32),
    scratch_types=[
        pltpu.VMEM((FCHUNKS, CLEN), jnp.int32),
        pltpu.VMEM((FCHUNKS, CLEN), jnp.int32),
        pltpu.VMEM((4, CLEN, DH), jnp.float32),
        pltpu.VMEM_SHARED((N, DH), jnp.float32),
        pltpu.SemaphoreType.DMA,
        pltpu.SemaphoreType.DMA,
    ],
)
def _sc_aggregate(h_hbm, src_hbm, dst_hbm, zeros_hbm, out_hbm,
                  src_v, dst_v, rows_v, acc, gsem, ssem):
    c = lax.axis_index("c")
    s = lax.axis_index("s")
    pltpu.sync_copy(src_hbm.at[s], src_v)
    pltpu.sync_copy(dst_hbm.at[s], dst_v)
    row0 = s * TROWS
    pltpu.sync_copy(zeros_hbm, acc.at[pl.ds(row0, TROWS)])

    @pl.when(s == 0)
    def _():
        pltpu.sync_copy(zeros_hbm.at[pl.ds(0, TAILN)],
                        acc.at[pl.ds(TAIL0, TAILN)])

    plsc.subcore_barrier()

    hbm = h_hbm.at[c]

    def gather(f, b):
        pltpu.async_copy(hbm.at[src_v.at[f]], rows_v.at[b], gsem)

    def gather_wait(f, b):
        pltpu.make_async_copy(hbm.at[src_v.at[f]], rows_v.at[b], gsem).wait()

    def scatter(f, b):
        pltpu.async_copy(rows_v.at[b], acc.at[dst_v.at[f]], ssem, add=True)

    def scatter_wait(f, b):
        pltpu.make_async_copy(rows_v.at[b], acc.at[dst_v.at[f]], ssem).wait()

    gather(0, 0)
    gather(1, 1)

    def body(j, carry):
        for u in range(4):
            f = 4 * j + u
            gather_wait(f, u)
            scatter(f, u)
            if u < 2:
                @pl.when(j >= 1)
                def _():
                    scatter_wait(f - 2, (u + 2) % 4)
            else:
                scatter_wait(f - 2, (u + 2) % 4)
            gather(f + 2, (u + 2) % 4)
        return carry

    lax.fori_loop(0, (FCHUNKS - 2) // 4, body, 0)
    gather_wait(FCHUNKS - 2, 0)
    scatter(FCHUNKS - 2, 0)
    scatter_wait(FCHUNKS - 4, 2)
    gather_wait(FCHUNKS - 1, 1)
    scatter(FCHUNKS - 1, 1)
    scatter_wait(FCHUNKS - 3, 3)
    scatter_wait(FCHUNKS - 2, 0)
    scatter_wait(FCHUNKS - 1, 1)

    plsc.subcore_barrier()
    pltpu.sync_copy(acc.at[pl.ds(row0, TROWS)],
                    out_hbm.at[c, pl.ds(row0, TROWS)])

    @pl.when(s == 0)
    def _():
        pltpu.sync_copy(acc.at[pl.ds(TAIL0, TAILN)],
                        out_hbm.at[c, pl.ds(TAIL0, TAILN)])


_BLK = 2000
_GRID = N // _BLK


def _tc_norms_scale_body(p_ref, x_ref, h_ref, no_ref, ni_ref):
    deg_o = p_ref[0, 0, :, 0:1] + p_ref[1, 0, :, 0:1]
    deg_i = p_ref[0, 1, :, 0:1] + p_ref[1, 1, :, 0:1]
    norm_o = jnp.where(deg_o > 0, lax.rsqrt(jnp.maximum(deg_o, 1.0)), 0.0)
    norm_i = jnp.where(deg_i > 0, lax.rsqrt(jnp.maximum(deg_i, 1.0)), 0.0)
    scaled = x_ref[...] * norm_o
    h_ref[0] = scaled[:, :DH]
    h_ref[1] = scaled[:, DH:]
    no_ref[...] = norm_o
    ni_ref[...] = norm_i


def _tc_norms_scale(p, x):
    return pl.pallas_call(
        _tc_norms_scale_body,
        grid=(_GRID,),
        in_specs=[
            pl.BlockSpec((NC, 2, _BLK, 16), lambda i: (0, 0, i, 0)),
            pl.BlockSpec((_BLK, D), lambda i: (i, 0)),
        ],
        out_specs=[
            pl.BlockSpec((2, _BLK, DH), lambda i: (0, i, 0)),
            pl.BlockSpec((_BLK, 1), lambda i: (i, 0)),
            pl.BlockSpec((_BLK, 1), lambda i: (i, 0)),
        ],
        out_shape=[
            jax.ShapeDtypeStruct((2, N, DH), jnp.float32),
            jax.ShapeDtypeStruct((N, 1), jnp.float32),
            jax.ShapeDtypeStruct((N, 1), jnp.float32),
        ],
    )(p, x)


def _tc_matmul_body(x_ref, w_ref, o_ref):
    o_ref[...] = jnp.dot(x_ref[...], w_ref[...],
                         preferred_element_type=jnp.float32)


def _tc_matmul(x, w):
    return pl.pallas_call(
        _tc_matmul_body,
        grid=(_GRID,),
        in_specs=[
            pl.BlockSpec((_BLK, D), lambda i: (i, 0)),
            pl.BlockSpec((D, D), lambda i: (0, 0)),
        ],
        out_specs=pl.BlockSpec((_BLK, D), lambda i: (i, 0)),
        out_shape=jax.ShapeDtypeStruct((N, D), jnp.float32),
    )(x, w)


def _tc_mid_body(q_ref, ni_ref, no_ref, w_ref, b_ref, o_ref):
    t = jnp.concatenate([q_ref[0], q_ref[1]], axis=1) * ni_ref[...] + b_ref[...]
    h = jnp.maximum(t, 0.0) * no_ref[...]
    r = jnp.dot(h, w_ref[...], preferred_element_type=jnp.float32)
    o_ref[0] = r[:, :DH]
    o_ref[1] = r[:, DH:]


def _tc_mid(q, norm_in, norm_out, w2, b1):
    return pl.pallas_call(
        _tc_mid_body,
        grid=(_GRID,),
        in_specs=[
            pl.BlockSpec((NC, _BLK, DH), lambda i: (0, i, 0)),
            pl.BlockSpec((_BLK, 1), lambda i: (i, 0)),
            pl.BlockSpec((_BLK, 1), lambda i: (i, 0)),
            pl.BlockSpec((D, D), lambda i: (0, 0)),
            pl.BlockSpec((1, D), lambda i: (0, 0)),
        ],
        out_specs=pl.BlockSpec((2, _BLK, DH), lambda i: (0, i, 0)),
        out_shape=jax.ShapeDtypeStruct((2, N, DH), jnp.float32),
    )(q, norm_in, norm_out, w2, b1)


def _tc_final_body(q_ref, ni_ref, b_ref, o_ref):
    o_ref[...] = (jnp.concatenate([q_ref[0], q_ref[1]], axis=1) * ni_ref[...]
                  + b_ref[...])


def _tc_final(q, norm_in, b2):
    return pl.pallas_call(
        _tc_final_body,
        grid=(_GRID,),
        in_specs=[
            pl.BlockSpec((NC, _BLK, DH), lambda i: (0, i, 0)),
            pl.BlockSpec((_BLK, 1), lambda i: (i, 0)),
            pl.BlockSpec((1, D), lambda i: (0, 0)),
        ],
        out_specs=pl.BlockSpec((_BLK, D), lambda i: (i, 0)),
        out_shape=jax.ShapeDtypeStruct((N, D), jnp.float32),
    )(q, norm_in, b2)


def kernel(features, edge_index, W1, b1, W2, b2):
    src3 = edge_index[0].reshape(NS, FCHUNKS, CLEN)
    dst3 = edge_index[1].reshape(NS, FCHUNKS, CLEN)
    ones16 = jnp.ones((CLEN, 16), jnp.float32)
    zeros16 = jnp.zeros((TROWS, 16), jnp.float32)
    zerosD = jnp.zeros((TROWS, DH), jnp.float32)
    b1r = b1.reshape(1, D)
    b2r = b2.reshape(1, D)

    deg_p = _sc_degrees(src3, dst3, ones16, zeros16)
    xw1 = _tc_matmul(features, W1)
    h1s, norm_o, norm_i = _tc_norms_scale(deg_p, xw1)
    q1 = _sc_aggregate(h1s, src3, dst3, zerosD)
    h2s = _tc_mid(q1, norm_i, norm_o, W2, b1r)
    q2 = _sc_aggregate(h2s, src3, dst3, zerosD)
    out = _tc_final(q2, norm_i, b2r)
    return out

# --- scband reference (transcript-rebuilt; emitter-appended) ---
"""Pipeline reference for scband-encoder-29274497090100 (READ-ONLY COPY).

The authoritative reference and input builder live on the scoring server;
editing this copy changes nothing except your own understanding.
"""

import jax, jax.numpy as jnp
import numpy as np

N_NODES = 10000
N_EDGES = 320000
D_IN = 128
D_HID = 128

def setup_inputs(seed: int = 0) -> dict:
    key = jax.random.key(seed)
    k1, k2, k3, k4, k5, k6 = jax.random.split(key, 6)
    features = jax.random.normal(k1, (N_NODES, D_IN), dtype=jnp.float32)
    edge_index = jax.random.randint(k2, (2, N_EDGES), 0, N_NODES, dtype=jnp.int32)
    # GCN layer weights (DGI-style GCN: n_layers=1 -> input conv + output conv)
    s1 = np.sqrt(6.0 / (D_IN + D_HID)).astype(np.float32)
    s2 = np.sqrt(6.0 / (D_HID + D_HID)).astype(np.float32)
    W1 = jax.random.uniform(k3, (D_IN, D_HID), minval=-s1, maxval=s1, dtype=jnp.float32)
    b1 = jnp.zeros((D_HID,), dtype=jnp.float32)
    W2 = jax.random.uniform(k4, (D_HID, D_HID), minval=-s2, maxval=s2, dtype=jnp.float32)
    b2 = jnp.zeros((D_HID,), dtype=jnp.float32)
    return {"features": features, "edge_index": edge_index, "W1": W1, "b1": b1, "W2": W2, "b2": b2}


def reference(features, edge_index, W1, b1, W2, b2):
    # Encoder.forward(features, corrupt=False) with gnn_encoder='gcn':
    # GCN with symmetric ('both') normalization per DGL GraphConv:
    #   h = D_in^{-1/2} A D_out^{-1/2} X W + b
    # Two conv layers: in->hid with ReLU activation, hid->hid (output layer, no act).
    N = features.shape[0]
    src = edge_index[0]
    dst = edge_index[1]
    ones = jnp.ones((src.shape[0],), dtype=features.dtype)
    deg_out = jnp.zeros((N,), dtype=features.dtype).at[src].add(ones)
    deg_in = jnp.zeros((N,), dtype=features.dtype).at[dst].add(ones)
    norm_out = jnp.where(deg_out > 0, jax.lax.rsqrt(jnp.maximum(deg_out, 1.0)), 0.0)
    norm_in = jnp.where(deg_in > 0, jax.lax.rsqrt(jnp.maximum(deg_in, 1.0)), 0.0)

    def conv(x, W, b):
        h = x * norm_out[:, None]
        msgs = jnp.take(h, src, axis=0)
        agg = jnp.zeros((N, x.shape[1]), dtype=x.dtype).at[dst].add(msgs)
        agg = agg * norm_in[:, None]
        return agg @ W + b

    h1 = jax.nn.relu(conv(features, W1, b1))
    out = conv(h1, W2, b2)
    return out

if __name__ == "__main__":
    import jax
    _d = setup_inputs()
    print(jax.jit(kernel)(*tuple(_d.values())))

</pallas_src>

<mosaic_0001>
#map = affine_map<(d0, d1) -> (0, 0, 0)>
#map1 = affine_map<(d0, d1) -> (0, 0)>
module attributes {stable_mosaic.version = 14 : i64} {
  func.func @_sc_aggregate(%arg0: i32, %arg1: i32, %arg2: memref<2x10000x64xf32, #tpu.memory_space<hbm>>, %arg3: memref<16x250x80xi32, #tpu.memory_space<hbm>>, %arg4: memref<16x250x80xi32, #tpu.memory_space<hbm>>, %arg5: memref<624x64xf32, #tpu.memory_space<hbm>>, %arg6: memref<2x10000x64xf32, #tpu.memory_space<hbm>>, %arg7: memref<250x80xi32, #tpu.memory_space<vmem>>, %arg8: memref<250x80xi32, #tpu.memory_space<vmem>>, %arg9: memref<4x80x64xf32, #tpu.memory_space<vmem>>, %arg10: memref<10000x64xf32, #tpu.memory_space<vmem_shared>>, %arg11: memref<!tpu.dma_semaphore, #tpu.memory_space<semaphore_mem>>, %arg12: memref<!tpu.dma_semaphore, #tpu.memory_space<semaphore_mem>>) attributes {dimension_semantics = [#tpu.dimension_semantics<core_parallel>, #tpu.dimension_semantics<subcore_parallel>], iteration_bounds = array<i64: 2, 16>, scalar_prefetch = 0 : i64, scratch_operands = 6 : i64, tpu.core_type = #tpu.core_type<sc_vector_subcore>, window_params = [{transform_indices = #map}, {transform_indices = #map}, {transform_indices = #map}, {transform_indices = #map1}, {transform_indices = #map}]} {
    "tpu.region"() ({
      %run_scoped3A = tpu.sem_alloc : memref<!tpu.dma_semaphore, #tpu.memory_space<semaphore_mem>>
      %dma_start3A_148 = arith.constant 0 : i32
      %dma_start3A_149 = arith.constant 0 : i32
      %dma_start3A_150 = tpu.memref_slice %arg3[%arg1, %dma_start3A_148, %dma_start3A_149] : memref<16x250x80xi32, #tpu.memory_space<hbm>> -> memref<1x250x80xi32, #tpu.memory_space<hbm>>
      %dma_start3A_151 = tpu.memref_squeeze %dma_start3A_150 : memref<1x250x80xi32, #tpu.memory_space<hbm>> -> memref<250x80xi32, #tpu.memory_space<hbm>>
      %dma_start3A_152 = arith.constant 0 : i32
      %dma_start3A_153 = arith.constant 0 : i32
      %dma_start3A_154 = tpu.memref_slice %arg3[%arg1, %dma_start3A_152, %dma_start3A_153] : memref<16x250x80xi32, #tpu.memory_space<hbm>> -> memref<1x250x80xi32, #tpu.memory_space<hbm>>
      %dma_start3A_155 = tpu.memref_squeeze %dma_start3A_154 : memref<1x250x80xi32, #tpu.memory_space<hbm>> -> memref<250x80xi32, #tpu.memory_space<hbm>>
      tpu.enqueue_dma source(%dma_start3A_155 : memref<250x80xi32, #tpu.memory_space<hbm>>) target(%arg7 : memref<250x80xi32, #tpu.memory_space<vmem>>) target_semaphore(%run_scoped3A : memref<!tpu.dma_semaphore, #tpu.memory_space<semaphore_mem>>)
      %dma_wait3A_156 = arith.constant 0 : i32
      %dma_wait3A_157 = arith.constant 0 : i32
      %dma_wait3A_158 = tpu.memref_slice %arg3[%arg1, %dma_wait3A_156, %dma_wait3A_157] : memref<16x250x80xi32, #tpu.memory_space<hbm>> -> memref<1x250x80xi32, #tpu.memory_space<hbm>>
      %dma_wait3A_159 = tpu.memref_squeeze %dma_wait3A_158 : memref<1x250x80xi32, #tpu.memory_space<hbm>> -> memref<250x80xi32, #tpu.memory_space<hbm>>
      %dma_wait3A_160 = arith.constant 0 : i32
      %dma_wait3A_161 = arith.constant 0 : i32
      %dma_wait3A_162 = tpu.memref_slice %arg3[%arg1, %dma_wait3A_160, %dma_wait3A_161] : memref<16x250x80xi32, #tpu.memory_space<hbm>> -> memref<1x250x80xi32, #tpu.memory_space<hbm>>
      %dma_wait3A_163 = tpu.memref_squeeze %dma_wait3A_162 : memref<1x250x80xi32, #tpu.memory_space<hbm>> -> memref<250x80xi32, #tpu.memory_space<hbm>>
      tpu.wait_dma2 semaphore(%run_scoped3A : memref<!tpu.dma_semaphore, #tpu.memory_space<semaphore_mem>>) src(%dma_wait3A_163 : memref<250x80xi32, #tpu.memory_space<hbm>>) dst(%arg7 : memref<250x80xi32, #tpu.memory_space<vmem>>)
      tpu.yield
    }) : () -> ()
    "tpu.region"() ({
      %run_scoped3A = tpu.sem_alloc : memref<!tpu.dma_semaphore, #tpu.memory_space<semaphore_mem>>
      %dma_start3A_148 = arith.constant 0 : i32
      %dma_start3A_149 = arith.constant 0 : i32
      %dma_start3A_150 = tpu.memref_slice %arg4[%arg1, %dma_start3A_148, %dma_start3A_149] : memref<16x250x80xi32, #tpu.memory_space<hbm>> -> memref<1x250x80xi32, #tpu.memory_space<hbm>>
      %dma_start3A_151 = tpu.memref_squeeze %dma_start3A_150 : memref<1x250x80xi32, #tpu.memory_space<hbm>> -> memref<250x80xi32, #tpu.memory_space<hbm>>
      %dma_start3A_152 = arith.constant 0 : i32
      %dma_start3A_153 = arith.constant 0 : i32
      %dma_start3A_154 = tpu.memref_slice %arg4[%arg1, %dma_start3A_152, %dma_start3A_153] : memref<16x250x80xi32, #tpu.memory_space<hbm>> -> memref<1x250x80xi32, #tpu.memory_space<hbm>>
      %dma_start3A_155 = tpu.memref_squeeze %dma_start3A_154 : memref<1x250x80xi32, #tpu.memory_space<hbm>> -> memref<250x80xi32, #tpu.memory_space<hbm>>
      tpu.enqueue_dma source(%dma_start3A_155 : memref<250x80xi32, #tpu.memory_space<hbm>>) target(%arg8 : memref<250x80xi32, #tpu.memory_space<vmem>>) target_semaphore(%run_scoped3A : memref<!tpu.dma_semaphore, #tpu.memory_space<semaphore_mem>>)
      %dma_wait3A_156 = arith.constant 0 : i32
      %dma_wait3A_157 = arith.constant 0 : i32
      %dma_wait3A_158 = tpu.memref_slice %arg4[%arg1, %dma_wait3A_156, %dma_wait3A_157] : memref<16x250x80xi32, #tpu.memory_space<hbm>> -> memref<1x250x80xi32, #tpu.memory_space<hbm>>
      %dma_wait3A_159 = tpu.memref_squeeze %dma_wait3A_158 : memref<1x250x80xi32, #tpu.memory_space<hbm>> -> memref<250x80xi32, #tpu.memory_space<hbm>>
      %dma_wait3A_160 = arith.constant 0 : i32
      %dma_wait3A_161 = arith.constant 0 : i32
      %dma_wait3A_162 = tpu.memref_slice %arg4[%arg1, %dma_wait3A_160, %dma_wait3A_161] : memref<16x250x80xi32, #tpu.memory_space<hbm>> -> memref<1x250x80xi32, #tpu.memory_space<hbm>>
      %dma_wait3A_163 = tpu.memref_squeeze %dma_wait3A_162 : memref<1x250x80xi32, #tpu.memory_space<hbm>> -> memref<250x80xi32, #tpu.memory_space<hbm>>
      tpu.wait_dma2 semaphore(%run_scoped3A : memref<!tpu.dma_semaphore, #tpu.memory_space<semaphore_mem>>) src(%dma_wait3A_163 : memref<250x80xi32, #tpu.memory_space<hbm>>) dst(%arg8 : memref<250x80xi32, #tpu.memory_space<vmem>>)
      tpu.yield
    }) : () -> ()
    %mul3A = arith.constant 624 : i32
    %mul3A_0 = arith.muli %arg1, %mul3A : i32
    "tpu.region"() ({
      %run_scoped3A = tpu.sem_alloc : memref<!tpu.dma_semaphore, #tpu.memory_space<semaphore_mem>>
      %dma_start3A_148 = arith.constant 0 : i32
      %dma_start3A_149 = tpu.memref_slice %arg10[%mul3A_0, %dma_start3A_148] : memref<10000x64xf32, #tpu.memory_space<vmem_shared>> -> memref<624x64xf32, #tpu.memory_space<vmem_shared>>
      tpu.enqueue_dma source(%arg5 : memref<624x64xf32, #tpu.memory_space<hbm>>) target(%dma_start3A_149 : memref<624x64xf32, #tpu.memory_space<vmem_shared>>) target_semaphore(%run_scoped3A : memref<!tpu.dma_semaphore, #tpu.memory_space<semaphore_mem>>)
      %dma_wait3A_150 = arith.constant 0 : i32
      %dma_wait3A_151 = tpu.memref_slice %arg10[%mul3A_0, %dma_wait3A_150] : memref<10000x64xf32, #tpu.memory_space<vmem_shared>> -> memref<624x64xf32, #tpu.memory_space<vmem_shared>>
      tpu.wait_dma2 semaphore(%run_scoped3A : memref<!tpu.dma_semaphore, #tpu.memory_space<semaphore_mem>>) src(%arg5 : memref<624x64xf32, #tpu.memory_space<hbm>>) dst(%dma_wait3A_151 : memref<624x64xf32, #tpu.memory_space<vmem_shared>>)
      tpu.yield
    }) : () -> ()
    %eq3A = arith.constant 0 : i32
    %eq3A_1 = arith.cmpi eq, %arg1, %eq3A : i32
    %convert_element_type3A = arith.extui %eq3A_1 : i1 to i32
    %cond3A = arith.constant 0 : i32
    %cond3A_2 = arith.cmpi ne, %convert_element_type3A, %cond3A : i32
    scf.if %cond3A_2 {
      "tpu.region"() ({
        %run_scoped3A = tpu.sem_alloc : memref<!tpu.dma_semaphore, #tpu.memory_space<semaphore_mem>>
        %dma_start3A_148 = arith.constant 9984 : i32
        %dma_start3A_149 = arith.constant 0 : i32
        %dma_start3A_150 = tpu.memref_slice %arg10[%dma_start3A_148, %dma_start3A_149] : memref<10000x64xf32, #tpu.memory_space<vmem_shared>> -> memref<16x64xf32, #tpu.memory_space<vmem_shared>>
        %dma_start3A_151 = arith.constant 0 : i32
        %dma_start3A_152 = arith.constant 0 : i32
        %dma_start3A_153 = tpu.memref_slice %arg5[%dma_start3A_151, %dma_start3A_152] : memref<624x64xf32, #tpu.memory_space<hbm>> -> memref<16x64xf32, #tpu.memory_space<hbm>>
        tpu.enqueue_dma source(%dma_start3A_153 : memref<16x64xf32, #tpu.memory_space<hbm>>) target(%dma_start3A_150 : memref<16x64xf32, #tpu.memory_space<vmem_shared>>) target_semaphore(%run_scoped3A : memref<!tpu.dma_semaphore, #tpu.memory_space<semaphore_mem>>)
        %dma_wait3A_154 = arith.constant 9984 : i32
        %dma_wait3A_155 = arith.constant 0 : i32
        %dma_wait3A_156 = tpu.memref_slice %arg10[%dma_wait3A_154, %dma_wait3A_155] : memref<10000x64xf32, #tpu.memory_space<vmem_shared>> -> memref<16x64xf32, #tpu.memory_space<vmem_shared>>
        %dma_wait3A_157 = arith.constant 0 : i32
        %dma_wait3A_158 = arith.constant 0 : i32
        %dma_wait3A_159 = tpu.memref_slice %arg5[%dma_wait3A_157, %dma_wait3A_158] : memref<624x64xf32, #tpu.memory_space<hbm>> -> memref<16x64xf32, #tpu.memory_space<hbm>>
        tpu.wait_dma2 semaphore(%run_scoped3A : memref<!tpu.dma_semaphore, #tpu.memory_space<semaphore_mem>>) src(%dma_wait3A_159 : memref<16x64xf32, #tpu.memory_space<hbm>>) dst(%dma_wait3A_156 : memref<16x64xf32, #tpu.memory_space<vmem_shared>>)
        tpu.yield
      }) : () -> ()
    } else {
    }
    %barrier3A = arith.constant 0 : index
    tpu.barrier barrier_id(%barrier3A)
    %dma_start3A = arith.constant 0 : i32
    %dma_start3A_3 = arith.constant 0 : i32
    %dma_start3A_4 = arith.constant 0 : i32
    %dma_start3A_5 = arith.constant 0 : i32
    %dma_start3A_6 = tpu.memref_slice %arg9[%dma_start3A_3, %dma_start3A_4, %dma_start3A_5] : memref<4x80x64xf32, #tpu.memory_space<vmem>> -> memref<1x80x64xf32, #tpu.memory_space<vmem>>
    %dma_start3A_7 = tpu.memref_squeeze %dma_start3A_6 : memref<1x80x64xf32, #tpu.memory_space<vmem>> -> memref<80x64xf32, #tpu.memory_space<vmem>>
    %dma_start3A_8 = arith.constant 0 : i32
    %dma_start3A_9 = tpu.memref_slice %arg7[%dma_start3A, %dma_start3A_8] : memref<250x80xi32, #tpu.memory_space<vmem>> -> memref<1x80xi32, #tpu.memory_space<vmem>>
    %dma_start3A_10 = tpu.memref_squeeze %dma_start3A_9 : memref<1x80xi32, #tpu.memory_space<vmem>> -> memref<80xi32, #tpu.memory_space<vmem>>
    %dma_start3A_11 = arith.constant 0 : i32
    %dma_start3A_12 = arith.constant 0 : i32
    %dma_start3A_13 = tpu.memref_slice %arg2[%arg0, %dma_start3A_11, %dma_start3A_12] : memref<2x10000x64xf32, #tpu.memory_space<hbm>> -> memref<1x10000x64xf32, #tpu.memory_space<hbm>>
    %dma_start3A_14 = tpu.memref_squeeze %dma_start3A_13 : memref<1x10000x64xf32, #tpu.memory_space<hbm>> -> memref<10000x64xf32, #tpu.memory_space<hbm>>
    %dma_start3A_15 = arith.constant 0 : i32
    %dma_start3A_16 = arith.constant 0 : i32
    %dma_start3A_17 = tpu.memref_slice %dma_start3A_14[%dma_start3A_15, %dma_start3A_16] : memref<10000x64xf32, #tpu.memory_space<hbm>> -> memref<10000x64xf32, #tpu.memory_space<hbm>>
    tpu.enqueue_indirect_dma source(%dma_start3A_17 : memref<10000x64xf32, #tpu.memory_space<hbm>>) target(%dma_start3A_7 : memref<80x64xf32, #tpu.memory_space<vmem>>) offsets(%dma_start3A_10 : memref<80xi32, #tpu.memory_space<vmem>>) semaphore(%arg11 : memref<!tpu.dma_semaphore, #tpu.memory_space<semaphore_mem>>)
    %dma_start3A_18 = arith.constant 1 : i32
    %dma_start3A_19 = arith.constant 1 : i32
    %dma_start3A_20 = arith.constant 0 : i32
    %dma_start3A_21 = arith.constant 0 : i32
    %dma_start3A_22 = tpu.memref_slice %arg9[%dma_start3A_19, %dma_start3A_20, %dma_start3A_21] : memref<4x80x64xf32, #tpu.memory_space<vmem>> -> memref<1x80x64xf32, #tpu.memory_space<vmem>>
    %dma_start3A_23 = tpu.memref_squeeze %dma_start3A_22 : memref<1x80x64xf32, #tpu.memory_space<vmem>> -> memref<80x64xf32, #tpu.memory_space<vmem>>
    %dma_start3A_24 = arith.constant 0 : i32
    %dma_start3A_25 = tpu.memref_slice %arg7[%dma_start3A_18, %dma_start3A_24] : memref<250x80xi32, #tpu.memory_space<vmem>> -> memref<1x80xi32, #tpu.memory_space<vmem>>
    %dma_start3A_26 = tpu.memref_squeeze %dma_start3A_25 : memref<1x80xi32, #tpu.memory_space<vmem>> -> memref<80xi32, #tpu.memory_space<vmem>>
    %dma_start3A_27 = arith.constant 0 : i32
    %dma_start3A_28 = arith.constant 0 : i32
    %dma_start3A_29 = tpu.memref_slice %arg2[%arg0, %dma_start3A_27, %dma_start3A_28] : memref<2x10000x64xf32, #tpu.memory_space<hbm>> -> memref<1x10000x64xf32, #tpu.memory_space<hbm>>
    %dma_start3A_30 = tpu.memref_squeeze %dma_start3A_29 : memref<1x10000x64xf32, #tpu.memory_space<hbm>> -> memref<10000x64xf32, #tpu.memory_space<hbm>>
    %dma_start3A_31 = arith.constant 0 : i32
    %dma_start3A_32 = arith.constant 0 : i32
    %dma_start3A_33 = tpu.memref_slice %dma_start3A_30[%dma_start3A_31, %dma_start3A_32] : memref<10000x64xf32, #tpu.memory_space<hbm>> -> memref<10000x64xf32, #tpu.memory_space<hbm>>
    tpu.enqueue_indirect_dma source(%dma_start3A_33 : memref<10000x64xf32, #tpu.memory_space<hbm>>) target(%dma_start3A_23 : memref<80x64xf32, #tpu.memory_space<vmem>>) offsets(%dma_start3A_26 : memref<80xi32, #tpu.memory_space<vmem>>) semaphore(%arg11 : memref<!tpu.dma_semaphore, #tpu.memory_space<semaphore_mem>>)
    %scan3A = arith.constant 0 : i32
    %scan3A_34 = arith.constant 0 : i32
    %scan3A_35 = arith.constant 62 : i32
    %scan3A_36 = arith.addi %scan3A_34, %scan3A_35 : i32
    %scan3A_37 = arith.constant 1 : i32
    scf.for %scan3A_148 = %scan3A_34 to %scan3A_36 step %scan3A_37  : i32 {
      %mul3A_149 = arith.constant 4 : i32
      %mul3A_150 = arith.muli %mul3A_149, %scan3A_148 : i32
      %add3A = arith.constant 0 : i32
      %add3A_151 = arith.addi %mul3A_150, %add3A : i32
      %dma_wait3A_152 = arith.constant 0 : i32
      %dma_wait3A_153 = arith.constant 0 : i32
      %dma_wait3A_154 = arith.constant 0 : i32
      %dma_wait3A_155 = tpu.memref_slice %arg9[%dma_wait3A_152, %dma_wait3A_153, %dma_wait3A_154] : memref<4x80x64xf32, #tpu.memory_space<vmem>> -> memref<1x80x64xf32, #tpu.memory_space<vmem>>
      %dma_wait3A_156 = tpu.memref_squeeze %dma_wait3A_155 : memref<1x80x64xf32, #tpu.memory_space<vmem>> -> memref<80x64xf32, #tpu.memory_space<vmem>>
      %dma_wait3A_157 = arith.constant 0 : i32
      %dma_wait3A_158 = tpu.memref_slice %arg7[%add3A_151, %dma_wait3A_157] : memref<250x80xi32, #tpu.memory_space<vmem>> -> memref<1x80xi32, #tpu.memory_space<vmem>>
      %dma_wait3A_159 = tpu.memref_squeeze %dma_wait3A_158 : memref<1x80xi32, #tpu.memory_space<vmem>> -> memref<80xi32, #tpu.memory_space<vmem>>
      %dma_wait3A_160 = arith.constant 0 : i32
      %dma_wait3A_161 = arith.constant 0 : i32
      %dma_wait3A_162 = tpu.memref_slice %arg2[%arg0, %dma_wait3A_160, %dma_wait3A_161] : memref<2x10000x64xf32, #tpu.memory_space<hbm>> -> memref<1x10000x64xf32, #tpu.memory_space<hbm>>
      %dma_wait3A_163 = tpu.memref_squeeze %dma_wait3A_162 : memref<1x10000x64xf32, #tpu.memory_space<hbm>> -> memref<10000x64xf32, #tpu.memory_space<hbm>>
      %dma_wait3A_164 = arith.constant 0 : i32
      %dma_wait3A_165 = arith.constant 0 : i32
      %dma_wait3A_166 = tpu.memref_slice %dma_wait3A_163[%dma_wait3A_164, %dma_wait3A_165] : memref<10000x64xf32, #tpu.memory_space<hbm>> -> memref<10000x64xf32, #tpu.memory_space<hbm>>
      tpu.wait_indirect_dma semaphore(%arg11 : memref<!tpu.dma_semaphore, #tpu.memory_space<semaphore_mem>>) src(%dma_wait3A_166 : memref<10000x64xf32, #tpu.memory_space<hbm>>) dst(%dma_wait3A_156 : memref<80x64xf32, #tpu.memory_space<vmem>>)
      %dma_start3A_167 = arith.constant 0 : i32
      %dma_start3A_168 = arith.constant 0 : i32
      %dma_start3A_169 = arith.constant 0 : i32
      %dma_start3A_170 = tpu.memref_slice %arg9[%dma_start3A_167, %dma_start3A_168, %dma_start3A_169] : memref<4x80x64xf32, #tpu.memory_space<vmem>> -> memref<1x80x64xf32, #tpu.memory_space<vmem>>
      %dma_start3A_171 = tpu.memref_squeeze %dma_start3A_170 : memref<1x80x64xf32, #tpu.memory_space<vmem>> -> memref<80x64xf32, #tpu.memory_space<vmem>>
      %dma_start3A_172 = arith.constant 0 : i32
      %dma_start3A_173 = tpu.memref_slice %arg8[%add3A_151, %dma_start3A_172] : memref<250x80xi32, #tpu.memory_space<vmem>> -> memref<1x80xi32, #tpu.memory_space<vmem>>
      %dma_start3A_174 = tpu.memref_squeeze %dma_start3A_173 : memref<1x80xi32, #tpu.memory_space<vmem>> -> memref<80xi32, #tpu.memory_space<vmem>>
      %dma_start3A_175 = arith.constant 0 : i32
      %dma_start3A_176 = arith.constant 0 : i32
      %dma_start3A_177 = tpu.memref_slice %arg10[%dma_start3A_175, %dma_start3A_176] : memref<10000x64xf32, #tpu.memory_space<vmem_shared>> -> memref<10000x64xf32, #tpu.memory_space<vmem_shared>>
      tpu.enqueue_indirect_dma source(%dma_start3A_171 : memref<80x64xf32, #tpu.memory_space<vmem>>) target(%dma_start3A_177 : memref<10000x64xf32, #tpu.memory_space<vmem_shared>>) offsets(%dma_start3A_174 : memref<80xi32, #tpu.memory_space<vmem>>) semaphore(%arg12 : memref<!tpu.dma_semaphore, #tpu.memory_space<semaphore_mem>>) {add = true}
      %ge3A = arith.constant 1 : i32
      %ge3A_178 = arith.cmpi sge, %scan3A_148, %ge3A : i32
      %convert_element_type3A_179 = arith.extui %ge3A_178 : i1 to i32
      %cond3A_180 = arith.constant 0 : i32
      %cond3A_181 = arith.cmpi ne, %convert_element_type3A_179, %cond3A_180 : i32
      scf.if %cond3A_181 {
        %sub3A_370 = arith.constant 2 : i32
        %sub3A_371 = arith.subi %add3A_151, %sub3A_370 : i32
        %dma_wait3A_372 = arith.constant 2 : i32
        %dma_wait3A_373 = arith.constant 0 : i32
        %dma_wait3A_374 = arith.constant 0 : i32
        %dma_wait3A_375 = tpu.memref_slice %arg9[%dma_wait3A_372, %dma_wait3A_373, %dma_wait3A_374] : memref<4x80x64xf32, #tpu.memory_space<vmem>> -> memref<1x80x64xf32, #tpu.memory_space<vmem>>
        %dma_wait3A_376 = tpu.memref_squeeze %dma_wait3A_375 : memref<1x80x64xf32, #tpu.memory_space<vmem>> -> memref<80x64xf32, #tpu.memory_space<vmem>>
        %dma_wait3A_377 = arith.constant 0 : i32
        %dma_wait3A_378 = tpu.memref_slice %arg8[%sub3A_371, %dma_wait3A_377] : memref<250x80xi32, #tpu.memory_space<vmem>> -> memref<1x80xi32, #tpu.memory_space<vmem>>
        %dma_wait3A_379 = tpu.memref_squeeze %dma_wait3A_378 : memref<1x80xi32, #tpu.memory_space<vmem>> -> memref<80xi32, #tpu.memory_space<vmem>>
        %dma_wait3A_380 = arith.constant 0 : i32
        %dma_wait3A_381 = arith.constant 0 : i32
        %dma_wait3A_382 = tpu.memref_slice %arg10[%dma_wait3A_380, %dma_wait3A_381] : memref<10000x64xf32, #tpu.memory_space<vmem_shared>> -> memref<10000x64xf32, #tpu.memory_space<vmem_shared>>
        tpu.wait_indirect_dma semaphore(%arg12 : memref<!tpu.dma_semaphore, #tpu.memory_space<semaphore_mem>>) src(%dma_wait3A_376 : memref<80x64xf32, #tpu.memory_space<vmem>>) dst(%dma_wait3A_382 : memref<10000x64xf32, #tpu.memory_space<vmem_shared>>)
      } else {
      }
      %add3A_182 = arith.constant 2 : i32
      %add3A_183 = arith.addi %add3A_151, %add3A_182 : i32
      %dma_start3A_184 = arith.constant 2 : i32
      %dma_start3A_185 = arith.constant 0 : i32
      %dma_start3A_186 = arith.constant 0 : i32
      %dma_start3A_187 = tpu.memref_slice %arg9[%dma_start3A_184, %dma_start3A_185, %dma_start3A_186] : memref<4x80x64xf32, #tpu.memory_space<vmem>> -> memref<1x80x64xf32, #tpu.memory_space<vmem>>
      %dma_start3A_188 = tpu.memref_squeeze %dma_start3A_187 : memref<1x80x64xf32, #tpu.memory_space<vmem>> -> memref<80x64xf32, #tpu.memory_space<vmem>>
      %dma_start3A_189 = arith.constant 0 : i32
      %dma_start3A_190 = tpu.memref_slice %arg7[%add3A_183, %dma_start3A_189] : memref<250x80xi32, #tpu.memory_space<vmem>> -> memref<1x80xi32, #tpu.memory_space<vmem>>
      %dma_start3A_191 = tpu.memref_squeeze %dma_start3A_190 : memref<1x80xi32, #tpu.memory_space<vmem>> -> memref<80xi32, #tpu.memory_space<vmem>>
      %dma_start3A_192 = arith.constant 0 : i32
      %dma_start3A_193 = arith.constant 0 : i32
      %dma_start3A_194 = tpu.memref_slice %arg2[%arg0, %dma_start3A_192, %dma_start3A_193] : memref<2x10000x64xf32, #tpu.memory_space<hbm>> -> memref<1x10000x64xf32, #tpu.memory_space<hbm>>
      %dma_start3A_195 = tpu.memref_squeeze %dma_start3A_194 : memref<1x10000x64xf32, #tpu.memory_space<hbm>> -> memref<10000x64xf32, #tpu.memory_space<hbm>>
      %dma_start3A_196 = arith.constant 0 : i32
      %dma_start3A_197 = arith.constant 0 : i32
      %dma_start3A_198 = tpu.memref_slice %dma_start3A_195[%dma_start3A_196, %dma_start3A_197] : memref<10000x64xf32, #tpu.memory_space<hbm>> -> memref<10000x64xf32, #tpu.memory_space<hbm>>
      tpu.enqueue_indirect_dma source(%dma_start3A_198 : memref<10000x64xf32, #tpu.memory_space<hbm>>) target(%dma_start3A_188 : memref<80x64xf32, #tpu.memory_space<vmem>>) offsets(%dma_start3A_191 : memref<80xi32, #tpu.memory_space<vmem>>) semaphore(%arg11 : memref<!tpu.dma_semaphore, #tpu.memory_space<semaphore_mem>>)
      %mul3A_199 = arith.constant 4 : i32
      %mul3A_200 = arith.muli %mul3A_199, %scan3A_148 : i32
      %add3A_201 = arith.constant 1 : i32
      %add3A_202 = arith.addi %mul3A_200, %add3A_201 : i32
      %dma_wait3A_203 = arith.constant 1 : i32
      %dma_wait3A_204 = arith.constant 0 : i32
      %dma_wait3A_205 = arith.constant 0 : i32
      %dma_wait3A_206 = tpu.memref_slice %arg9[%dma_wait3A_203, %dma_wait3A_204, %dma_wait3A_205] : memref<4x80x64xf32, #tpu.memory_space<vmem>> -> memref<1x80x64xf32, #tpu.memory_space<vmem>>
      %dma_wait3A_207 = tpu.memref_squeeze %dma_wait3A_206 : memref<1x80x64xf32, #tpu.memory_space<vmem>> -> memref<80x64xf32, #tpu.memory_space<vmem>>
      %dma_wait3A_208 = arith.constant 0 : i32
      %dma_wait3A_209 = tpu.memref_slice %arg7[%add3A_202, %dma_wait3A_208] : memref<250x80xi32, #tpu.memory_space<vmem>> -> memref<1x80xi32, #tpu.memory_space<vmem>>
      %dma_wait3A_210 = tpu.memref_squeeze %dma_wait3A_209 : memref<1x80xi32, #tpu.memory_space<vmem>> -> memref<80xi32, #tpu.memory_space<vmem>>
      %dma_wait3A_211 = arith.constant 0 : i32
      %dma_wait3A_212 = arith.constant 0 : i32
      %dma_wait3A_213 = tpu.memref_slice %arg2[%arg0, %dma_wait3A_211, %dma_wait3A_212] : memref<2x10000x64xf32, #tpu.memory_space<hbm>> -> memref<1x10000x64xf32, #tpu.memory_space<hbm>>
      %dma_wait3A_214 = tpu.memref_squeeze %dma_wait3A_213 : memref<1x10000x64xf32, #tpu.memory_space<hbm>> -> memref<10000x64xf32, #tpu.memory_space<hbm>>
      %dma_wait3A_215 = arith.constant 0 : i32
      %dma_wait3A_216 = arith.constant 0 : i32
      %dma_wait3A_217 = tpu.memref_slice %dma_wait3A_214[%dma_wait3A_215, %dma_wait3A_216] : memref<10000x64xf32, #tpu.memory_space<hbm>> -> memref<10000x64xf32, #tpu.memory_space<hbm>>
      tpu.wait_indirect_dma semaphore(%arg11 : memref<!tpu.dma_semaphore, #tpu.memory_space<semaphore_mem>>) src(%dma_wait3A_217 : memref<10000x64xf32, #tpu.memory_space<hbm>>) dst(%dma_wait3A_207 : memref<80x64xf32, #tpu.memory_space<vmem>>)
      %dma_start3A_218 = arith.constant 1 : i32
      %dma_start3A_219 = arith.constant 0 : i32
      %dma_start3A_220 = arith.constant 0 : i32
      %dma_start3A_221 = tpu.memref_slice %arg9[%dma_start3A_218, %dma_start3A_219, %dma_start3A_220] : memref<4x80x64xf32, #tpu.memory_space<vmem>> -> memref<1x80x64xf32, #tpu.memory_space<vmem>>
      %dma_start3A_222 = tpu.memref_squeeze %dma_start3A_221 : memref<1x80x64xf32, #tpu.memory_space<vmem>> -> memref<80x64xf32, #tpu.memory_space<vmem>>
      %dma_start3A_223 = arith.constant 0 : i32
      %dma_start3A_224 = tpu.memref_slice %arg8[%add3A_202, %dma_start3A_223] : memref<250x80xi32, #tpu.memory_space<vmem>> -> memref<1x80xi32, #tpu.memory_space<vmem>>
      %dma_start3A_225 = tpu.memref_squeeze %dma_start3A_224 : memref<1x80xi32, #tpu.memory_space<vmem>> -> memref<80xi32, #tpu.memory_space<vmem>>
      %dma_start3A_226 = arith.constant 0 : i32
      %dma_start3A_227 = arith.constant 0 : i32
      %dma_start3A_228 = tpu.memref_slice %arg10[%dma_start3A_226, %dma_start3A_227] : memref<10000x64xf32, #tpu.memory_space<vmem_shared>> -> memref<10000x64xf32, #tpu.memory_space<vmem_shared>>
      tpu.enqueue_indirect_dma source(%dma_start3A_222 : memref<80x64xf32, #tpu.memory_space<vmem>>) target(%dma_start3A_228 : memref<10000x64xf32, #tpu.memory_space<vmem_shared>>) offsets(%dma_start3A_225 : memref<80xi32, #tpu.memory_space<vmem>>) semaphore(%arg12 : memref<!tpu.dma_semaphore, #tpu.memory_space<semaphore_mem>>) {add = true}
      %ge3A_229 = arith.constant 1 : i32
      %ge3A_230 = arith.cmpi sge, %scan3A_148, %ge3A_229 : i32
      %convert_element_type3A_231 = arith.extui %ge3A_230 : i1 to i32
      %cond3A_232 = arith.constant 0 : i32
      %cond3A_233 = arith.cmpi ne, %convert_element_type3A_231, %cond3A_232 : i32
      scf.if %cond3A_233 {
        %sub3A_370 = arith.constant 2 : i32
        %sub3A_371 = arith.subi %add3A_202, %sub3A_370 : i32
        %dma_wait3A_372 = arith.constant 3 : i32
        %dma_wait3A_373 = arith.constant 0 : i32
        %dma_wait3A_374 = arith.constant 0 : i32
        %dma_wait3A_375 = tpu.memref_slice %arg9[%dma_wait3A_372, %dma_wait3A_373, %dma_wait3A_374] : memref<4x80x64xf32, #tpu.memory_space<vmem>> -> memref<1x80x64xf32, #tpu.memory_space<vmem>>
        %dma_wait3A_376 = tpu.memref_squeeze %dma_wait3A_375 : memref<1x80x64xf32, #tpu.memory_space<vmem>> -> memref<80x64xf32, #tpu.memory_space<vmem>>
        %dma_wait3A_377 = arith.constant 0 : i32
        %dma_wait3A_378 = tpu.memref_slice %arg8[%sub3A_371, %dma_wait3A_377] : memref<250x80xi32, #tpu.memory_space<vmem>> -> memref<1x80xi32, #tpu.memory_space<vmem>>
        %dma_wait3A_379 = tpu.memref_squeeze %dma_wait3A_378 : memref<1x80xi32, #tpu.memory_space<vmem>> -> memref<80xi32, #tpu.memory_space<vmem>>
        %dma_wait3A_380 = arith.constant 0 : i32
        %dma_wait3A_381 = arith.constant 0 : i32
        %dma_wait3A_382 = tpu.memref_slice %arg10[%dma_wait3A_380, %dma_wait3A_381] : memref<10000x64xf32, #tpu.memory_space<vmem_shared>> -> memref<10000x64xf32, #tpu.memory_space<vmem_shared>>
        tpu.wait_indirect_dma semaphore(%arg12 : memref<!tpu.dma_semaphore, #tpu.memory_space<semaphore_mem>>) src(%dma_wait3A_376 : memref<80x64xf32, #tpu.memory_space<vmem>>) dst(%dma_wait3A_382 : memref<10000x64xf32, #tpu.memory_space<vmem_shared>>)
      } else {
      }
      %add3A_234 = arith.constant 2 : i32
      %add3A_235 = arith.addi %add3A_202, %add3A_234 : i32
      %dma_start3A_236 = arith.constant 3 : i32
      %dma_start3A_237 = arith.constant 0 : i32
      %dma_start3A_238 = arith.constant 0 : i32
      %dma_start3A_239 = tpu.memref_slice %arg9[%dma_start3A_236, %dma_start3A_237, %dma_start3A_238] : memref<4x80x64xf32, #tpu.memory_space<vmem>> -> memref<1x80x64xf32, #tpu.memory_space<vmem>>
      %dma_start3A_240 = tpu.memref_squeeze %dma_start3A_239 : memref<1x80x64xf32, #tpu.memory_space<vmem>> -> memref<80x64xf32, #tpu.memory_space<vmem>>
      %dma_start3A_241 = arith.constant 0 : i32
      %dma_start3A_242 = tpu.memref_slice %arg7[%add3A_235, %dma_start3A_241] : memref<250x80xi32, #tpu.memory_space<vmem>> -> memref<1x80xi32, #tpu.memory_space<vmem>>
      %dma_start3A_243 = tpu.memref_squeeze %dma_start3A_242 : memref<1x80xi32, #tpu.memory_space<vmem>> -> memref<80xi32, #tpu.memory_space<vmem>>
      %dma_start3A_244 = arith.constant 0 : i32
      %dma_start3A_245 = arith.constant 0 : i32
      %dma_start3A_246 = tpu.memref_slice %arg2[%arg0, %dma_start3A_244, %dma_start3A_245] : memref<2x10000x64xf32, #tpu.memory_space<hbm>> -> memref<1x10000x64xf32, #tpu.memory_space<hbm>>
      %dma_start3A_247 = tpu.memref_squeeze %dma_start3A_246 : memref<1x10000x64xf32, #tpu.memory_space<hbm>> -> memref<10000x64xf32, #tpu.memory_space<hbm>>
      %dma_start3A_248 = arith.constant 0 : i32
      %dma_start3A_249 = arith.constant 0 : i32
      %dma_start3A_250 = tpu.memref_slice %dma_start3A_247[%dma_start3A_248, %dma_start3A_249] : memref<10000x64xf32, #tpu.memory_space<hbm>> -> memref<10000x64xf32, #tpu.memory_space<hbm>>
      tpu.enqueue_indirect_dma source(%dma_start3A_250 : memref<10000x64xf32, #tpu.memory_space<hbm>>) target(%dma_start3A_240 : memref<80x64xf32, #tpu.memory_space<vmem>>) offsets(%dma_start3A_243 : memref<80xi32, #tpu.memory_space<vmem>>) semaphore(%arg11 : memref<!tpu.dma_semaphore, #tpu.memory_space<semaphore_mem>>)
      %mul3A_251 = arith.constant 4 : i32
      %mul3A_252 = arith.muli %mul3A_251, %scan3A_148 : i32
      %add3A_253 = arith.constant 2 : i32
      %add3A_254 = arith.addi %mul3A_252, %add3A_253 : i32
      %dma_wait3A_255 = arith.constant 2 : i32
      %dma_wait3A_256 = arith.constant 0 : i32
      %dma_wait3A_257 = arith.constant 0 : i32
      %dma_wait3A_258 = tpu.memref_slice %arg9[%dma_wait3A_255, %dma_wait3A_256, %dma_wait3A_257] : memref<4x80x64xf32, #tpu.memory_space<vmem>> -> memref<1x80x64xf32, #tpu.memory_space<vmem>>
      %dma_wait3A_259 = tpu.memref_squeeze %dma_wait3A_258 : memref<1x80x64xf32, #tpu.memory_space<vmem>> -> memref<80x64xf32, #tpu.memory_space<vmem>>
      %dma_wait3A_260 = arith.constant 0 : i32
      %dma_wait3A_261 = tpu.memref_slice %arg7[%add3A_254, %dma_wait3A_260] : memref<250x80xi32, #tpu.memory_space<vmem>> -> memref<1x80xi32, #tpu.memory_space<vmem>>
      %dma_wait3A_262 = tpu.memref_squeeze %dma_wait3A_261 : memref<1x80xi32, #tpu.memory_space<vmem>> -> memref<80xi32, #tpu.memory_space<vmem>>
      %dma_wait3A_263 = arith.constant 0 : i32
      %dma_wait3A_264 = arith.constant 0 : i32
      %dma_wait3A_265 = tpu.memref_slice %arg2[%arg0, %dma_wait3A_263, %dma_wait3A_264] : memref<2x10000x64xf32, #tpu.memory_space<hbm>> -> memref<1x10000x64xf32, #tpu.memory_space<hbm>>
      %dma_wait3A_266 = tpu.memref_squeeze %dma_wait3A_265 : memref<1x10000x64xf32, #tpu.memory_space<hbm>> -> memref<10000x64xf32, #tpu.memory_space<hbm>>
      %dma_wait3A_267 = arith.constant 0 : i32
      %dma_wait3A_268 = arith.constant 0 : i32
      %dma_wait3A_269 = tpu.memref_slice %dma_wait3A_266[%dma_wait3A_267, %dma_wait3A_268] : memref<10000x64xf32, #tpu.memory_space<hbm>> -> memref<10000x64xf32, #tpu.memory_space<hbm>>
      tpu.wait_indirect_dma semaphore(%arg11 : memref<!tpu.dma_semaphore, #tpu.memory_space<semaphore_mem>>) src(%dma_wait3A_269 : memref<10000x64xf32, #tpu.memory_space<hbm>>) dst(%dma_wait3A_259 : memref<80x64xf32, #tpu.memory_space<vmem>>)
      %dma_start3A_270 = arith.constant 2 : i32
      %dma_start3A_271 = arith.constant 0 : i32
      %dma_start3A_272 = arith.constant 0 : i32
      %dma_start3A_273 = tpu.memref_slice %arg9[%dma_start3A_270, %dma_start3A_271, %dma_start3A_272] : memref<4x80x64xf32, #tpu.memory_space<vmem>> -> memref<1x80x64xf32, #tpu.memory_space<vmem>>
      %dma_start3A_274 = tpu.memref_squeeze %dma_start3A_273 : memref<1x80x64xf32, #tpu.memory_space<vmem>> -> memref<80x64xf32, #tpu.memory_space<vmem>>
      %dma_start3A_275 = arith.constant 0 : i32
      %dma_start3A_276 = tpu.memref_slice %arg8[%add3A_254, %dma_start3A_275] : memref<250x80xi32, #tpu.memory_space<vmem>> -> memref<1x80xi32, #tpu.memory_space<vmem>>
      %dma_start3A_277 = tpu.memref_squeeze %dma_start3A_276 : memref<1x80xi32, #tpu.memory_space<vmem>> -> memref<80xi32, #tpu.memory_space<vmem>>
      %dma_start3A_278 = arith.constant 0 : i32
      %dma_start3A_279 = arith.constant 0 : i32
      %dma_start3A_280 = tpu.memref_slice %arg10[%dma_start3A_278, %dma_start3A_279] : memref<10000x64xf32, #tpu.memory_space<vmem_shared>> -> memref<10000x64xf32, #tpu.memory_space<vmem_shared>>
      tpu.enqueue_indirect_dma source(%dma_start3A_274 : memref<80x64xf32, #tpu.memory_space<vmem>>) target(%dma_start3A_280 : memref<10000x64xf32, #tpu.memory_space<vmem_shared>>) offsets(%dma_start3A_277 : memref<80xi32, #tpu.memory_space<vmem>>) semaphore(%arg12 : memref<!tpu.dma_semaphore, #tpu.memory_space<semaphore_mem>>) {add = true}
      %sub3A = arith.constant 2 : i32
      %sub3A_281 = arith.subi %add3A_254, %sub3A : i32
      %dma_wait3A_282 = arith.constant 0 : i32
      %dma_wait3A_283 = arith.constant 0 : i32
      %dma_wait3A_284 = arith.constant 0 : i32
      %dma_wait3A_285 = tpu.memref_slice %arg9[%dma_wait3A_282, %dma_wait3A_283, %dma_wait3A_284] : memref<4x80x64xf32, #tpu.memory_space<vmem>> -> memref<1x80x64xf32, #tpu.memory_space<vmem>>
      %dma_wait3A_286 = tpu.memref_squeeze %dma_wait3A_285 : memref<1x80x64xf32, #tpu.memory_space<vmem>> -> memref<80x64xf32, #tpu.memory_space<vmem>>
      %dma_wait3A_287 = arith.constant 0 : i32
      %dma_wait3A_288 = tpu.memref_slice %arg8[%sub3A_281, %dma_wait3A_287] : memref<250x80xi32, #tpu.memory_space<vmem>> -> memref<1x80xi32, #tpu.memory_space<vmem>>
      %dma_wait3A_289 = tpu.memref_squeeze %dma_wait3A_288 : memref<1x80xi32, #tpu.memory_space<vmem>> -> memref<80xi32, #tpu.memory_space<vmem>>
      %dma_wait3A_290 = arith.constant 0 : i32
      %dma_wait3A_291 = arith.constant 0 : i32
      %dma_wait3A_292 = tpu.memref_slice %arg10[%dma_wait3A_290, %dma_wait3A_291] : memref<10000x64xf32, #tpu.memory_space<vmem_shared>> -> memref<10000x64xf32, #tpu.memory_space<vmem_shared>>
      tpu.wait_indirect_dma semaphore(%arg12 : memref<!tpu.dma_semaphore, #tpu.memory_space<semaphore_mem>>) src(%dma_wait3A_286 : memref<80x64xf32, #tpu.memory_space<vmem>>) dst(%dma_wait3A_292 : memref<10000x64xf32, #tpu.memory_space<vmem_shared>>)
      %add3A_293 = arith.constant 2 : i32
      %add3A_294 = arith.addi %add3A_254, %add3A_293 : i32
      %dma_start3A_295 = arith.constant 0 : i32
      %dma_start3A_296 = arith.constant 0 : i32
      %dma_start3A_297 = arith.constant 0 : i32
      %dma_start3A_298 = tpu.memref_slice %arg9[%dma_start3A_295, %dma_start3A_296, %dma_start3A_297] : memref<4x80x64xf32, #tpu.memory_space<vmem>> -> memref<1x80x64xf32, #tpu.memory_space<vmem>>
      %dma_start3A_299 = tpu.memref_squeeze %dma_start3A_298 : memref<1x80x64xf32, #tpu.memory_space<vmem>> -> memref<80x64xf32, #tpu.memory_space<vmem>>
      %dma_start3A_300 = arith.constant 0 : i32
      %dma_start3A_301 = tpu.memref_slice %arg7[%add3A_294, %dma_start3A_300] : memref<250x80xi32, #tpu.memory_space<vmem>> -> memref<1x80xi32, #tpu.memory_space<vmem>>
      %dma_start3A_302 = tpu.memref_squeeze %dma_start3A_301 : memref<1x80xi32, #tpu.memory_space<vmem>> -> memref<80xi32, #tpu.memory_space<vmem>>
      %dma_start3A_303 = arith.constant 0 : i32
      %dma_start3A_304 = arith.constant 0 : i32
      %dma_start3A_305 = tpu.memref_slice %arg2[%arg0, %dma_start3A_303, %dma_start3A_304] : memref<2x10000x64xf32, #tpu.memory_space<hbm>> -> memref<1x10000x64xf32, #tpu.memory_space<hbm>>
      %dma_start3A_306 = tpu.memref_squeeze %dma_start3A_305 : memref<1x10000x64xf32, #tpu.memory_space<hbm>> -> memref<10000x64xf32, #tpu.memory_space<hbm>>
      %dma_start3A_307 = arith.constant 0 : i32
      %dma_start3A_308 = arith.constant 0 : i32
      %dma_start3A_309 = tpu.memref_slice %dma_start3A_306[%dma_start3A_307, %dma_start3A_308] : memref<10000x64xf32, #tpu.memory_space<hbm>> -> memref<10000x64xf32, #tpu.memory_space<hbm>>
      tpu.enqueue_indirect_dma source(%dma_start3A_309 : memref<10000x64xf32, #tpu.memory_space<hbm>>) target(%dma_start3A_299 : memref<80x64xf32, #tpu.memory_space<vmem>>) offsets(%dma_start3A_302 : memref<80xi32, #tpu.memory_space<vmem>>) semaphore(%arg11 : memref<!tpu.dma_semaphore, #tpu.memory_space<semaphore_mem>>)
      %mul3A_310 = arith.constant 4 : i32
      %mul3A_311 = arith.muli %mul3A_310, %scan3A_148 : i32
      %add3A_312 = arith.constant 3 : i32
      %add3A_313 = arith.addi %mul3A_311, %add3A_312 : i32
      %dma_wait3A_314 = arith.constant 3 : i32
      %dma_wait3A_315 = arith.constant 0 : i32
      %dma_wait3A_316 = arith.constant 0 : i32
      %dma_wait3A_317 = tpu.memref_slice %arg9[%dma_wait3A_314, %dma_wait3A_315, %dma_wait3A_316] : memref<4x80x64xf32, #tpu.memory_space<vmem>> -> memref<1x80x64xf32, #tpu.memory_space<vmem>>
      %dma_wait3A_318 = tpu.memref_squeeze %dma_wait3A_317 : memref<1x80x64xf32, #tpu.memory_space<vmem>> -> memref<80x64xf32, #tpu.memory_space<vmem>>
      %dma_wait3A_319 = arith.constant 0 : i32
      %dma_wait3A_320 = tpu.memref_slice %arg7[%add3A_313, %dma_wait3A_319] : memref<250x80xi32, #tpu.memory_space<vmem>> -> memref<1x80xi32, #tpu.memory_space<vmem>>
      %dma_wait3A_321 = tpu.memref_squeeze %dma_wait3A_320 : memref<1x80xi32, #tpu.memory_space<vmem>> -> memref<80xi32, #tpu.memory_space<vmem>>
      %dma_wait3A_322 = arith.constant 0 : i32
      %dma_wait3A_323 = arith.constant 0 : i32
      %dma_wait3A_324 = tpu.memref_slice %arg2[%arg0, %dma_wait3A_322, %dma_wait3A_323] : memref<2x10000x64xf32, #tpu.memory_space<hbm>> -> memref<1x10000x64xf32, #tpu.memory_space<hbm>>
      %dma_wait3A_325 = tpu.memref_squeeze %dma_wait3A_324 : memref<1x10000x64xf32, #tpu.memory_space<hbm>> -> memref<10000x64xf32, #tpu.memory_space<hbm>>
      %dma_wait3A_326 = arith.constant 0 : i32
      %dma_wait3A_327 = arith.constant 0 : i32
      %dma_wait3A_328 = tpu.memref_slice %dma_wait3A_325[%dma_wait3A_326, %dma_wait3A_327] : memref<10000x64xf32, #tpu.memory_space<hbm>> -> memref<10000x64xf32, #tpu.memory_space<hbm>>
      tpu.wait_indirect_dma semaphore(%arg11 : memref<!tpu.dma_semaphore, #tpu.memory_space<semaphore_mem>>) src(%dma_wait3A_328 : memref<10000x64xf32, #tpu.memory_space<hbm>>) dst(%dma_wait3A_318 : memref<80x64xf32, #tpu.memory_space<vmem>>)
      %dma_start3A_329 = arith.constant 3 : i32
      %dma_start3A_330 = arith.constant 0 : i32
      %dma_start3A_331 = arith.constant 0 : i32
      %dma_start3A_332 = tpu.memref_slice %arg9[%dma_start3A_329, %dma_start3A_330, %dma_start3A_331] : memref<4x80x64xf32, #tpu.memory_space<vmem>> -> memref<1x80x64xf32, #tpu.memory_space<vmem>>
      %dma_start3A_333 = tpu.memref_squeeze %dma_start3A_332 : memref<1x80x64xf32, #tpu.memory_space<vmem>> -> memref<80x64xf32, #tpu.memory_space<vmem>>
      %dma_start3A_334 = arith.constant 0 : i32
      %dma_start3A_335 = tpu.memref_slice %arg8[%add3A_313, %dma_start3A_334] : memref<250x80xi32, #tpu.memory_space<vmem>> -> memref<1x80xi32, #tpu.memory_space<vmem>>
      %dma_start3A_336 = tpu.memref_squeeze %dma_start3A_335 : memref<1x80xi32, #tpu.memory_space<vmem>> -> memref<80xi32, #tpu.memory_space<vmem>>
      %dma_start3A_337 = arith.constant 0 : i32
      %dma_start3A_338 = arith.constant 0 : i32
      %dma_start3A_339 = tpu.memref_slice %arg10[%dma_start3A_337, %dma_start3A_338] : memref<10000x64xf32, #tpu.memory_space<vmem_shared>> -> memref<10000x64xf32, #tpu.memory_space<vmem_shared>>
      tpu.enqueue_indirect_dma source(%dma_start3A_333 : memref<80x64xf32, #tpu.memory_space<vmem>>) target(%dma_start3A_339 : memref<10000x64xf32, #tpu.memory_space<vmem_shared>>) offsets(%dma_start3A_336 : memref<80xi32, #tpu.memory_space<vmem>>) semaphore(%arg12 : memref<!tpu.dma_semaphore, #tpu.memory_space<semaphore_mem>>) {add = true}
      %sub3A_340 = arith.constant 2 : i32
      %sub3A_341 = arith.subi %add3A_313, %sub3A_340 : i32
      %dma_wait3A_342 = arith.constant 1 : i32
      %dma_wait3A_343 = arith.constant 0 : i32
      %dma_wait3A_344 = arith.constant 0 : i32
      %dma_wait3A_345 = tpu.memref_slice %arg9[%dma_wait3A_342, %dma_wait3A_343, %dma_wait3A_344] : memref<4x80x64xf32, #tpu.memory_space<vmem>> -> memref<1x80x64xf32, #tpu.memory_space<vmem>>
      %dma_wait3A_346 = tpu.memref_squeeze %dma_wait3A_345 : memref<1x80x64xf32, #tpu.memory_space<vmem>> -> memref<80x64xf32, #tpu.memory_space<vmem>>
      %dma_wait3A_347 = arith.constant 0 : i32
      %dma_wait3A_348 = tpu.memref_slice %arg8[%sub3A_341, %dma_wait3A_347] : memref<250x80xi32, #tpu.memory_space<vmem>> -> memref<1x80xi32, #tpu.memory_space<vmem>>
      %dma_wait3A_349 = tpu.memref_squeeze %dma_wait3A_348 : memref<1x80xi32, #tpu.memory_space<vmem>> -> memref<80xi32, #tpu.memory_space<vmem>>
      %dma_wait3A_350 = arith.constant 0 : i32
      %dma_wait3A_351 = arith.constant 0 : i32
      %dma_wait3A_352 = tpu.memref_slice %arg10[%dma_wait3A_350, %dma_wait3A_351] : memref<10000x64xf32, #tpu.memory_space<vmem_shared>> -> memref<10000x64xf32, #tpu.memory_space<vmem_shared>>
      tpu.wait_indirect_dma semaphore(%arg12 : memref<!tpu.dma_semaphore, #tpu.memory_space<semaphore_mem>>) src(%dma_wait3A_346 : memref<80x64xf32, #tpu.memory_space<vmem>>) dst(%dma_wait3A_352 : memref<10000x64xf32, #tpu.memory_space<vmem_shared>>)
      %add3A_353 = arith.constant 2 : i32
      %add3A_354 = arith.addi %add3A_313, %add3A_353 : i32
      %dma_start3A_355 = arith.constant 1 : i32
      %dma_start3A_356 = arith.constant 0 : i32
      %dma_start3A_357 = arith.constant 0 : i32
      %dma_start3A_358 = tpu.memref_slice %arg9[%dma_start3A_355, %dma_start3A_356, %dma_start3A_357] : memref<4x80x64xf32, #tpu.memory_space<vmem>> -> memref<1x80x64xf32, #tpu.memory_space<vmem>>
      %dma_start3A_359 = tpu.memref_squeeze %dma_start3A_358 : memref<1x80x64xf32, #tpu.memory_space<vmem>> -> memref<80x64xf32, #tpu.memory_space<vmem>>
      %dma_start3A_360 = arith.constant 0 : i32
      %dma_start3A_361 = tpu.memref_slice %arg7[%add3A_354, %dma_start3A_360] : memref<250x80xi32, #tpu.memory_space<vmem>> -> memref<1x80xi32, #tpu.memory_space<vmem>>
      %dma_start3A_362 = tpu.memref_squeeze %dma_start3A_361 : memref<1x80xi32, #tpu.memory_space<vmem>> -> memref<80xi32, #tpu.memory_space<vmem>>
      %dma_start3A_363 = arith.constant 0 : i32
      %dma_start3A_364 = arith.constant 0 : i32
      %dma_start3A_365 = tpu.memref_slice %arg2[%arg0, %dma_start3A_363, %dma_start3A_364] : memref<2x10000x64xf32, #tpu.memory_space<hbm>> -> memref<1x10000x64xf32, #tpu.memory_space<hbm>>
      %dma_start3A_366 = tpu.memref_squeeze %dma_start3A_365 : memref<1x10000x64xf32, #tpu.memory_space<hbm>> -> memref<10000x64xf32, #tpu.memory_space<hbm>>
      %dma_start3A_367 = arith.constant 0 : i32
      %dma_start3A_368 = arith.constant 0 : i32
      %dma_start3A_369 = tpu.memref_slice %dma_start3A_366[%dma_start3A_367, %dma_start3A_368] : memref<10000x64xf32, #tpu.memory_space<hbm>> -> memref<10000x64xf32, #tpu.memory_space<hbm>>
      tpu.enqueue_indirect_dma source(%dma_start3A_369 : memref<10000x64xf32, #tpu.memory_space<hbm>>) target(%dma_start3A_359 : memref<80x64xf32, #tpu.memory_space<vmem>>) offsets(%dma_start3A_362 : memref<80xi32, #tpu.memory_space<vmem>>) semaphore(%arg11 : memref<!tpu.dma_semaphore, #tpu.memory_space<semaphore_mem>>)
    }
    %scan3A_38 = arith.constant 62 : i32
    %dma_wait3A = arith.constant 248 : i32
    %dma_wait3A_39 = arith.constant 0 : i32
    %dma_wait3A_40 = arith.constant 0 : i32
    %dma_wait3A_41 = arith.constant 0 : i32
    %dma_wait3A_42 = tpu.memref_slice %arg9[%dma_wait3A_39, %dma_wait3A_40, %dma_wait3A_41] : memref<4x80x64xf32, #tpu.memory_space<vmem>> -> memref<1x80x64xf32, #tpu.memory_space<vmem>>
    %dma_wait3A_43 = tpu.memref_squeeze %dma_wait3A_42 : memref<1x80x64xf32, #tpu.memory_space<vmem>> -> memref<80x64xf32, #tpu.memory_space<vmem>>
    %dma_wait3A_44 = arith.constant 0 : i32
    %dma_wait3A_45 = tpu.memref_slice %arg7[%dma_wait3A, %dma_wait3A_44] : memref<250x80xi32, #tpu.memory_space<vmem>> -> memref<1x80xi32, #tpu.memory_space<vmem>>
    %dma_wait3A_46 = tpu.memref_squeeze %dma_wait3A_45 : memref<1x80xi32, #tpu.memory_space<vmem>> -> memref<80xi32, #tpu.memory_space<vmem>>
    %dma_wait3A_47 = arith.constant 0 : i32
    %dma_wait3A_48 = arith.constant 0 : i32
    %dma_wait3A_49 = tpu.memref_slice %arg2[%arg0, %dma_wait3A_47, %dma_wait3A_48] : memref<2x10000x64xf32, #tpu.memory_space<hbm>> -> memref<1x10000x64xf32, #tpu.memory_space<hbm>>
    %dma_wait3A_50 = tpu.memref_squeeze %dma_wait3A_49 : memref<1x10000x64xf32, #tpu.memory_space<hbm>> -> memref<10000x64xf32, #tpu.memory_space<hbm>>
    %dma_wait3A_51 = arith.constant 0 : i32
    %dma_wait3A_52 = arith.constant 0 : i32
    %dma_wait3A_53 = tpu.memref_slice %dma_wait3A_50[%dma_wait3A_51, %dma_wait3A_52] : memref<10000x64xf32, #tpu.memory_space<hbm>> -> memref<10000x64xf32, #tpu.memory_space<hbm>>
    tpu.wait_indirect_dma semaphore(%arg11 : memref<!tpu.dma_semaphore, #tpu.memory_space<semaphore_mem>>) src(%dma_wait3A_53 : memref<10000x64xf32, #tpu.memory_space<hbm>>) dst(%dma_wait3A_43 : memref<80x64xf32, #tpu.memory_space<vmem>>)
    %dma_start3A_54 = arith.constant 0 : i32
    %dma_start3A_55 = arith.constant 248 : i32
    %dma_start3A_56 = arith.constant 0 : i32
    %dma_start3A_57 = arith.constant 0 : i32
    %dma_start3A_58 = tpu.memref_slice %arg9[%dma_start3A_54, %dma_start3A_56, %dma_start3A_57] : memref<4x80x64xf32, #tpu.memory_space<vmem>> -> memref<1x80x64xf32, #tpu.memory_space<vmem>>
    %dma_start3A_59 = tpu.memref_squeeze %dma_start3A_58 : memref<1x80x64xf32, #tpu.memory_space<vmem>> -> memref<80x64xf32, #tpu.memory_space<vmem>>
    %dma_start3A_60 = arith.constant 0 : i32
    %dma_start3A_61 = tpu.memref_slice %arg8[%dma_start3A_55, %dma_start3A_60] : memref<250x80xi32, #tpu.memory_space<vmem>> -> memref<1x80xi32, #tpu.memory_space<vmem>>
    %dma_start3A_62 = tpu.memref_squeeze %dma_start3A_61 : memref<1x80xi32, #tpu.memory_space<vmem>> -> memref<80xi32, #tpu.memory_space<vmem>>
    %dma_start3A_63 = arith.constant 0 : i32
    %dma_start3A_64 = arith.constant 0 : i32
    %dma_start3A_65 = tpu.memref_slice %arg10[%dma_start3A_63, %dma_start3A_64] : memref<10000x64xf32, #tpu.memory_space<vmem_shared>> -> memref<10000x64xf32, #tpu.memory_space<vmem_shared>>
    tpu.enqueue_indirect_dma source(%dma_start3A_59 : memref<80x64xf32, #tpu.memory_space<vmem>>) target(%dma_start3A_65 : memref<10000x64xf32, #tpu.memory_space<vmem_shared>>) offsets(%dma_start3A_62 : memref<80xi32, #tpu.memory_space<vmem>>) semaphore(%arg12 : memref<!tpu.dma_semaphore, #tpu.memory_space<semaphore_mem>>) {add = true}
    %dma_wait3A_66 = arith.constant 2 : i32
    %dma_wait3A_67 = arith.constant 246 : i32
    %dma_wait3A_68 = arith.constant 0 : i32
    %dma_wait3A_69 = arith.constant 0 : i32
    %dma_wait3A_70 = tpu.memref_slice %arg9[%dma_wait3A_66, %dma_wait3A_68, %dma_wait3A_69] : memref<4x80x64xf32, #tpu.memory_space<vmem>> -> memref<1x80x64xf32, #tpu.memory_space<vmem>>
    %dma_wait3A_71 = tpu.memref_squeeze %dma_wait3A_70 : memref<1x80x64xf32, #tpu.memory_space<vmem>> -> memref<80x64xf32, #tpu.memory_space<vmem>>
    %dma_wait3A_72 = arith.constant 0 : i32
    %dma_wait3A_73 = tpu.memref_slice %arg8[%dma_wait3A_67, %dma_wait3A_72] : memref<250x80xi32, #tpu.memory_space<vmem>> -> memref<1x80xi32, #tpu.memory_space<vmem>>
    %dma_wait3A_74 = tpu.memref_squeeze %dma_wait3A_73 : memref<1x80xi32, #tpu.memory_space<vmem>> -> memref<80xi32, #tpu.memory_space<vmem>>
    %dma_wait3A_75 = arith.constant 0 : i32
    %dma_wait3A_76 = arith.constant 0 : i32
    %dma_wait3A_77 = tpu.memref_slice %arg10[%dma_wait3A_75, %dma_wait3A_76] : memref<10000x64xf32, #tpu.memory_space<vmem_shared>> -> memref<10000x64xf32, #tpu.memory_space<vmem_shared>>
    tpu.wait_indirect_dma semaphore(%arg12 : memref<!tpu.dma_semaphore, #tpu.memory_space<semaphore_mem>>) src(%dma_wait3A_71 : memref<80x64xf32, #tpu.memory_space<vmem>>) dst(%dma_wait3A_77 : memref<10000x64xf32, #tpu.memory_space<vmem_shared>>)
    %dma_wait3A_78 = arith.constant 249 : i32
    %dma_wait3A_79 = arith.constant 1 : i32
    %dma_wait3A_80 = arith.constant 0 : i32
    %dma_wait3A_81 = arith.constant 0 : i32
    %dma_wait3A_82 = tpu.memref_slice %arg9[%dma_wait3A_79, %dma_wait3A_80, %dma_wait3A_81] : memref<4x80x64xf32, #tpu.memory_space<vmem>> -> memref<1x80x64xf32, #tpu.memory_space<vmem>>
    %dma_wait3A_83 = tpu.memref_squeeze %dma_wait3A_82 : memref<1x80x64xf32, #tpu.memory_space<vmem>> -> memref<80x64xf32, #tpu.memory_space<vmem>>
    %dma_wait3A_84 = arith.constant 0 : i32
    %dma_wait3A_85 = tpu.memref_slice %arg7[%dma_wait3A_78, %dma_wait3A_84] : memref<250x80xi32, #tpu.memory_space<vmem>> -> memref<1x80xi32, #tpu.memory_space<vmem>>
    %dma_wait3A_86 = tpu.memref_squeeze %dma_wait3A_85 : memref<1x80xi32, #tpu.memory_space<vmem>> -> memref<80xi32, #tpu.memory_space<vmem>>
    %dma_wait3A_87 = arith.constant 0 : i32
    %dma_wait3A_88 = arith.constant 0 : i32
    %dma_wait3A_89 = tpu.memref_slice %arg2[%arg0, %dma_wait3A_87, %dma_wait3A_88] : memref<2x10000x64xf32, #tpu.memory_space<hbm>> -> memref<1x10000x64xf32, #tpu.memory_space<hbm>>
    %dma_wait3A_90 = tpu.memref_squeeze %dma_wait3A_89 : memref<1x10000x64xf32, #tpu.memory_space<hbm>> -> memref<10000x64xf32, #tpu.memory_space<hbm>>
    %dma_wait3A_91 = arith.constant 0 : i32
    %dma_wait3A_92 = arith.constant 0 : i32
    %dma_wait3A_93 = tpu.memref_slice %dma_wait3A_90[%dma_wait3A_91, %dma_wait3A_92] : memref<10000x64xf32, #tpu.memory_space<hbm>> -> memref<10000x64xf32, #tpu.memory_space<hbm>>
    tpu.wait_indirect_dma semaphore(%arg11 : memref<!tpu.dma_semaphore, #tpu.memory_space<semaphore_mem>>) src(%dma_wait3A_93 : memref<10000x64xf32, #tpu.memory_space<hbm>>) dst(%dma_wait3A_83 : memref<80x64xf32, #tpu.memory_space<vmem>>)
    %dma_start3A_94 = arith.constant 1 : i32
    %dma_start3A_95 = arith.constant 249 : i32
    %dma_start3A_96 = arith.constant 0 : i32
    %dma_start3A_97 = arith.constant 0 : i32
    %dma_start3A_98 = tpu.memref_slice %arg9[%dma_start3A_94, %dma_start3A_96, %dma_start3A_97] : memref<4x80x64xf32, #tpu.memory_space<vmem>> -> memref<1x80x64xf32, #tpu.memory_space<vmem>>
    %dma_start3A_99 = tpu.memref_squeeze %dma_start3A_98 : memref<1x80x64xf32, #tpu.memory_space<vmem>> -> memref<80x64xf32, #tpu.memory_space<vmem>>
    %dma_start3A_100 = arith.constant 0 : i32
    %dma_start3A_101 = tpu.memref_slice %arg8[%dma_start3A_95, %dma_start3A_100] : memref<250x80xi32, #tpu.memory_space<vmem>> -> memref<1x80xi32, #tpu.memory_space<vmem>>
    %dma_start3A_102 = tpu.memref_squeeze %dma_start3A_101 : memref<1x80xi32, #tpu.memory_space<vmem>> -> memref<80xi32, #tpu.memory_space<vmem>>
    %dma_start3A_103 = arith.constant 0 : i32
    %dma_start3A_104 = arith.constant 0 : i32
    %dma_start3A_105 = tpu.memref_slice %arg10[%dma_start3A_103, %dma_start3A_104] : memref<10000x64xf32, #tpu.memory_space<vmem_shared>> -> memref<10000x64xf32, #tpu.memory_space<vmem_shared>>
    tpu.enqueue_indirect_dma source(%dma_start3A_99 : memref<80x64xf32, #tpu.memory_space<vmem>>) target(%dma_start3A_105 : memref<10000x64xf32, #tpu.memory_space<vmem_shared>>) offsets(%dma_start3A_102 : memref<80xi32, #tpu.memory_space<vmem>>) semaphore(%arg12 : memref<!tpu.dma_semaphore, #tpu.memory_space<semaphore_mem>>) {add = true}
    %dma_wait3A_106 = arith.constant 3 : i32
    %dma_wait3A_107 = arith.constant 247 : i32
    %dma_wait3A_108 = arith.constant 0 : i32
    %dma_wait3A_109 = arith.constant 0 : i32
    %dma_wait3A_110 = tpu.memref_slice %arg9[%dma_wait3A_106, %dma_wait3A_108, %dma_wait3A_109] : memref<4x80x64xf32, #tpu.memory_space<vmem>> -> memref<1x80x64xf32, #tpu.memory_space<vmem>>
    %dma_wait3A_111 = tpu.memref_squeeze %dma_wait3A_110 : memref<1x80x64xf32, #tpu.memory_space<vmem>> -> memref<80x64xf32, #tpu.memory_space<vmem>>
    %dma_wait3A_112 = arith.constant 0 : i32
    %dma_wait3A_113 = tpu.memref_slice %arg8[%dma_wait3A_107, %dma_wait3A_112] : memref<250x80xi32, #tpu.memory_space<vmem>> -> memref<1x80xi32, #tpu.memory_space<vmem>>
    %dma_wait3A_114 = tpu.memref_squeeze %dma_wait3A_113 : memref<1x80xi32, #tpu.memory_space<vmem>> -> memref<80xi32, #tpu.memory_space<vmem>>
    %dma_wait3A_115 = arith.constant 0 : i32
    %dma_wait3A_116 = arith.constant 0 : i32
    %dma_wait3A_117 = tpu.memref_slice %arg10[%dma_wait3A_115, %dma_wait3A_116] : memref<10000x64xf32, #tpu.memory_space<vmem_shared>> -> memref<10000x64xf32, #tpu.memory_space<vmem_shared>>
    tpu.wait_indirect_dma semaphore(%arg12 : memref<!tpu.dma_semaphore, #tpu.memory_space<semaphore_mem>>) src(%dma_wait3A_111 : memref<80x64xf32, #tpu.memory_space<vmem>>) dst(%dma_wait3A_117 : memref<10000x64xf32, #tpu.memory_space<vmem_shared>>)
    %dma_wait3A_118 = arith.constant 0 : i32
    %dma_wait3A_119 = arith.constant 248 : i32
    %dma_wait3A_120 = arith.constant 0 : i32
    %dma_wait3A_121 = arith.constant 0 : i32
    %dma_wait3A_122 = tpu.memref_slice %arg9[%dma_wait3A_118, %dma_wait3A_120, %dma_wait3A_121] : memref<4x80x64xf32, #tpu.memory_space<vmem>> -> memref<1x80x64xf32, #tpu.memory_space<vmem>>
    %dma_wait3A_123 = tpu.memref_squeeze %dma_wait3A_122 : memref<1x80x64xf32, #tpu.memory_space<vmem>> -> memref<80x64xf32, #tpu.memory_space<vmem>>
    %dma_wait3A_124 = arith.constant 0 : i32
    %dma_wait3A_125 = tpu.memref_slice %arg8[%dma_wait3A_119, %dma_wait3A_124] : memref<250x80xi32, #tpu.memory_space<vmem>> -> memref<1x80xi32, #tpu.memory_space<vmem>>
    %dma_wait3A_126 = tpu.memref_squeeze %dma_wait3A_125 : memref<1x80xi32, #tpu.memory_space<vmem>> -> memref<80xi32, #tpu.memory_space<vmem>>
    %dma_wait3A_127 = arith.constant 0 : i32
    %dma_wait3A_128 = arith.constant 0 : i32
    %dma_wait3A_129 = tpu.memref_slice %arg10[%dma_wait3A_127, %dma_wait3A_128] : memref<10000x64xf32, #tpu.memory_space<vmem_shared>> -> memref<10000x64xf32, #tpu.memory_space<vmem_shared>>
    tpu.wait_indirect_dma semaphore(%arg12 : memref<!tpu.dma_semaphore, #tpu.memory_space<semaphore_mem>>) src(%dma_wait3A_123 : memref<80x64xf32, #tpu.memory_space<vmem>>) dst(%dma_wait3A_129 : memref<10000x64xf32, #tpu.memory_space<vmem_shared>>)
    %dma_wait3A_130 = arith.constant 1 : i32
    %dma_wait3A_131 = arith.constant 249 : i32
    %dma_wait3A_132 = arith.constant 0 : i32
    %dma_wait3A_133 = arith.constant 0 : i32
    %dma_wait3A_134 = tpu.memref_slice %arg9[%dma_wait3A_130, %dma_wait3A_132, %dma_wait3A_133] : memref<4x80x64xf32, #tpu.memory_space<vmem>> -> memref<1x80x64xf32, #tpu.memory_space<vmem>>
    %dma_wait3A_135 = tpu.memref_squeeze %dma_wait3A_134 : memref<1x80x64xf32, #tpu.memory_space<vmem>> -> memref<80x64xf32, #tpu.memory_space<vmem>>
    %dma_wait3A_136 = arith.constant 0 : i32
    %dma_wait3A_137 = tpu.memref_slice %arg8[%dma_wait3A_131, %dma_wait3A_136] : memref<250x80xi32, #tpu.memory_space<vmem>> -> memref<1x80xi32, #tpu.memory_space<vmem>>
    %dma_wait3A_138 = tpu.memref_squeeze %dma_wait3A_137 : memref<1x80xi32, #tpu.memory_space<vmem>> -> memref<80xi32, #tpu.memory_space<vmem>>
    %dma_wait3A_139 = arith.constant 0 : i32
    %dma_wait3A_140 = arith.constant 0 : i32
    %dma_wait3A_141 = tpu.memref_slice %arg10[%dma_wait3A_139, %dma_wait3A_140] : memref<10000x64xf32, #tpu.memory_space<vmem_shared>> -> memref<10000x64xf32, #tpu.memory_space<vmem_shared>>
    tpu.wait_indirect_dma semaphore(%arg12 : memref<!tpu.dma_semaphore, #tpu.memory_space<semaphore_mem>>) src(%dma_wait3A_135 : memref<80x64xf32, #tpu.memory_space<vmem>>) dst(%dma_wait3A_141 : memref<10000x64xf32, #tpu.memory_space<vmem_shared>>)
    %barrier3A_142 = arith.constant 0 : index
    tpu.barrier barrier_id(%barrier3A_142)
    "tpu.region"() ({
      %run_scoped3A = tpu.sem_alloc : memref<!tpu.dma_semaphore, #tpu.memory_space<semaphore_mem>>
      %dma_start3A_148 = arith.constant 0 : i32
      %dma_start3A_149 = tpu.memref_slice %arg6[%arg0, %mul3A_0, %dma_start3A_148] : memref<2x10000x64xf32, #tpu.memory_space<hbm>> -> memref<1x624x64xf32, #tpu.memory_space<hbm>>
      %dma_start3A_150 = tpu.memref_squeeze %dma_start3A_149 : memref<1x624x64xf32, #tpu.memory_space<hbm>> -> memref<624x64xf32, #tpu.memory_space<hbm>>
      %dma_start3A_151 = arith.constant 0 : i32
      %dma_start3A_152 = tpu.memref_slice %arg10[%mul3A_0, %dma_start3A_151] : memref<10000x64xf32, #tpu.memory_space<vmem_shared>> -> memref<624x64xf32, #tpu.memory_space<vmem_shared>>
      tpu.enqueue_dma source(%dma_start3A_152 : memref<624x64xf32, #tpu.memory_space<vmem_shared>>) target(%dma_start3A_150 : memref<624x64xf32, #tpu.memory_space<hbm>>) target_semaphore(%run_scoped3A : memref<!tpu.dma_semaphore, #tpu.memory_space<semaphore_mem>>)
      %dma_wait3A_153 = arith.constant 0 : i32
      %dma_wait3A_154 = tpu.memref_slice %arg6[%arg0, %mul3A_0, %dma_wait3A_153] : memref<2x10000x64xf32, #tpu.memory_space<hbm>> -> memref<1x624x64xf32, #tpu.memory_space<hbm>>
      %dma_wait3A_155 = tpu.memref_squeeze %dma_wait3A_154 : memref<1x624x64xf32, #tpu.memory_space<hbm>> -> memref<624x64xf32, #tpu.memory_space<hbm>>
      %dma_wait3A_156 = arith.constant 0 : i32
      %dma_wait3A_157 = tpu.memref_slice %arg10[%mul3A_0, %dma_wait3A_156] : memref<10000x64xf32, #tpu.memory_space<vmem_shared>> -> memref<624x64xf32, #tpu.memory_space<vmem_shared>>
      tpu.wait_dma2 semaphore(%run_scoped3A : memref<!tpu.dma_semaphore, #tpu.memory_space<semaphore_mem>>) src(%dma_wait3A_157 : memref<624x64xf32, #tpu.memory_space<vmem_shared>>) dst(%dma_wait3A_155 : memref<624x64xf32, #tpu.memory_space<hbm>>)
      tpu.yield
    }) : () -> ()
    %eq3A_143 = arith.constant 0 : i32
    %eq3A_144 = arith.cmpi eq, %arg1, %eq3A_143 : i32
    %convert_element_type3A_145 = arith.extui %eq3A_144 : i1 to i32
    %cond3A_146 = arith.constant 0 : i32
    %cond3A_147 = arith.cmpi ne, %convert_element_type3A_145, %cond3A_146 : i32
    scf.if %cond3A_147 {
      "tpu.region"() ({
        %run_scoped3A = tpu.sem_alloc : memref<!tpu.dma_semaphore, #tpu.memory_space<semaphore_mem>>
        %dma_start3A_148 = arith.constant 9984 : i32
        %dma_start3A_149 = arith.constant 0 : i32
        %dma_start3A_150 = tpu.memref_slice %arg6[%arg0, %dma_start3A_148, %dma_start3A_149] : memref<2x10000x64xf32, #tpu.memory_space<hbm>> -> memref<1x16x64xf32, #tpu.memory_space<hbm>>
        %dma_start3A_151 = tpu.memref_squeeze %dma_start3A_150 : memref<1x16x64xf32, #tpu.memory_space<hbm>> -> memref<16x64xf32, #tpu.memory_space<hbm>>
        %dma_start3A_152 = arith.constant 9984 : i32
        %dma_start3A_153 = arith.constant 0 : i32
        %dma_start3A_154 = tpu.memref_slice %arg10[%dma_start3A_152, %dma_start3A_153] : memref<10000x64xf32, #tpu.memory_space<vmem_shared>> -> memref<16x64xf32, #tpu.memory_space<vmem_shared>>
        tpu.enqueue_dma source(%dma_start3A_154 : memref<16x64xf32, #tpu.memory_space<vmem_shared>>) target(%dma_start3A_151 : memref<16x64xf32, #tpu.memory_space<hbm>>) target_semaphore(%run_scoped3A : memref<!tpu.dma_semaphore, #tpu.memory_space<semaphore_mem>>)
        %dma_wait3A_155 = arith.constant 9984 : i32
        %dma_wait3A_156 = arith.constant 0 : i32
        %dma_wait3A_157 = tpu.memref_slice %arg6[%arg0, %dma_wait3A_155, %dma_wait3A_156] : memref<2x10000x64xf32, #tpu.memory_space<hbm>> -> memref<1x16x64xf32, #tpu.memory_space<hbm>>
        %dma_wait3A_158 = tpu.memref_squeeze %dma_wait3A_157 : memref<1x16x64xf32, #tpu.memory_space<hbm>> -> memref<16x64xf32, #tpu.memory_space<hbm>>
        %dma_wait3A_159 = arith.constant 9984 : i32
        %dma_wait3A_160 = arith.constant 0 : i32
        %dma_wait3A_161 = tpu.memref_slice %arg10[%dma_wait3A_159, %dma_wait3A_160] : memref<10000x64xf32, #tpu.memory_space<vmem_shared>> -> memref<16x64xf32, #tpu.memory_space<vmem_shared>>
        tpu.wait_dma2 semaphore(%run_scoped3A : memref<!tpu.dma_semaphore, #tpu.memory_space<semaphore_mem>>) src(%dma_wait3A_161 : memref<16x64xf32, #tpu.memory_space<vmem_shared>>) dst(%dma_wait3A_158 : memref<16x64xf32, #tpu.memory_space<hbm>>)
        tpu.yield
      }) : () -> ()
    } else {
    }
    return
  }
}

#map = affine_map<(d0, d1) -> (0, 0, 0)>
#map1 = affine_map<(d0, d1) -> (0, 0)>
module attributes {stable_mosaic.version = 14 : i64} {
  func.func @_sc_aggregate(%arg0: i32, %arg1: i32, %arg2: memref<2x10000x64xf32, #tpu.memory_space<hbm>>, %arg3: memref<16x250x80xi32, #tpu.memory_space<hbm>>, %arg4: memref<16x250x80xi32, #tpu.memory_space<hbm>>, %arg5: memref<624x64xf32, #tpu.memory_space<hbm>>, %arg6: memref<2x10000x64xf32, #tpu.memory_space<hbm>>, %arg7: memref<250x80xi32, #tpu.memory_space<vmem>>, %arg8: memref<250x80xi32, #tpu.memory_space<vmem>>, %arg9: memref<4x80x64xf32, #tpu.memory_space<vmem>>, %arg10: memref<10000x64xf32, #tpu.memory_space<vmem_shared>>, %arg11: memref<!tpu.dma_semaphore, #tpu.memory_space<semaphore_mem>>, %arg12: memref<!tpu.dma_semaphore, #tpu.memory_space<semaphore_mem>>) attributes {dimension_semantics = [#tpu.dimension_semantics<core_parallel>, #tpu.dimension_semantics<subcore_parallel>], iteration_bounds = array<i64: 2, 16>, scalar_prefetch = 0 : i64, scratch_operands = 6 : i64, tpu.core_type = #tpu.core_type<sc_vector_subcore>, window_params = [{transform_indices = #map}, {transform_indices = #map}, {transform_indices = #map}, {transform_indices = #map1}, {transform_indices = #map}]} {
    "tpu.region"() ({
      %run_scoped3A = tpu.sem_alloc : memref<!tpu.dma_semaphore, #tpu.memory_space<semaphore_mem>>
      %dma_start3A_148 = arith.constant 0 : i32
      %dma_start3A_149 = arith.constant 0 : i32
      %dma_start3A_150 = tpu.memref_slice %arg3[%arg1, %dma_start3A_148, %dma_start3A_149] : memref<16x250x80xi32, #tpu.memory_space<hbm>> -> memref<1x250x80xi32, #tpu.memory_space<hbm>>
      %dma_start3A_151 = tpu.memref_squeeze %dma_start3A_150 : memref<1x250x80xi32, #tpu.memory_space<hbm>> -> memref<250x80xi32, #tpu.memory_space<hbm>>
      %dma_start3A_152 = arith.constant 0 : i32
      %dma_start3A_153 = arith.constant 0 : i32
      %dma_start3A_154 = tpu.memref_slice %arg3[%arg1, %dma_start3A_152, %dma_start3A_153] : memref<16x250x80xi32, #tpu.memory_space<hbm>> -> memref<1x250x80xi32, #tpu.memory_space<hbm>>
      %dma_start3A_155 = tpu.memref_squeeze %dma_start3A_154 : memref<1x250x80xi32, #tpu.memory_space<hbm>> -> memref<250x80xi32, #tpu.memory_space<hbm>>
      tpu.enqueue_dma source(%dma_start3A_155 : memref<250x80xi32, #tpu.memory_space<hbm>>) target(%arg7 : memref<250x80xi32, #tpu.memory_space<vmem>>) target_semaphore(%run_scoped3A : memref<!tpu.dma_semaphore, #tpu.memory_space<semaphore_mem>>)
      %dma_wait3A_156 = arith.constant 0 : i32
      %dma_wait3A_157 = arith.constant 0 : i32
      %dma_wait3A_158 = tpu.memref_slice %arg3[%arg1, %dma_wait3A_156, %dma_wait3A_157] : memref<16x250x80xi32, #tpu.memory_space<hbm>> -> memref<1x250x80xi32, #tpu.memory_space<hbm>>
      %dma_wait3A_159 = tpu.memref_squeeze %dma_wait3A_158 : memref<1x250x80xi32, #tpu.memory_space<hbm>> -> memref<250x80xi32, #tpu.memory_space<hbm>>
      %dma_wait3A_160 = arith.constant 0 : i32
      %dma_wait3A_161 = arith.constant 0 : i32
      %dma_wait3A_162 = tpu.memref_slice %arg3[%arg1, %dma_wait3A_160, %dma_wait3A_161] : memref<16x250x80xi32, #tpu.memory_space<hbm>> -> memref<1x250x80xi32, #tpu.memory_space<hbm>>
      %dma_wait3A_163 = tpu.memref_squeeze %dma_wait3A_162 : memref<1x250x80xi32, #tpu.memory_space<hbm>> -> memref<250x80xi32, #tpu.memory_space<hbm>>
      tpu.wait_dma2 semaphore(%run_scoped3A : memref<!tpu.dma_semaphore, #tpu.memory_space<semaphore_mem>>) src(%dma_wait3A_163 : memref<250x80xi32, #tpu.memory_space<hbm>>) dst(%arg7 : memref<250x80xi32, #tpu.memory_space<vmem>>)
      tpu.yield
    }) : () -> ()
    "tpu.region"() ({
      %run_scoped3A = tpu.sem_alloc : memref<!tpu.dma_semaphore, #tpu.memory_space<semaphore_mem>>
      %dma_start3A_148 = arith.constant 0 : i32
      %dma_start3A_149 = arith.constant 0 : i32
      %dma_start3A_150 = tpu.memref_slice %arg4[%arg1, %dma_start3A_148, %dma_start3A_149] : memref<16x250x80xi32, #tpu.memory_space<hbm>> -> memref<1x250x80xi32, #tpu.memory_space<hbm>>
      %dma_start3A_151 = tpu.memref_squeeze %dma_start3A_150 : memref<1x250x80xi32, #tpu.memory_space<hbm>> -> memref<250x80xi32, #tpu.memory_space<hbm>>
      %dma_start3A_152 = arith.constant 0 : i32
      %dma_start3A_153 = arith.constant 0 : i32
      %dma_start3A_154 = tpu.memref_slice %arg4[%arg1, %dma_start3A_152, %dma_start3A_153] : memref<16x250x80xi32, #tpu.memory_space<hbm>> -> memref<1x250x80xi32, #tpu.memory_space<hbm>>
      %dma_start3A_155 = tpu.memref_squeeze %dma_start3A_154 : memref<1x250x80xi32, #tpu.memory_space<hbm>> -> memref<250x80xi32, #tpu.memory_space<hbm>>
      tpu.enqueue_dma source(%dma_start3A_155 : memref<250x80xi32, #tpu.memory_space<hbm>>) target(%arg8 : memref<250x80xi32, #tpu.memory_space<vmem>>) target_semaphore(%run_scoped3A : memref<!tpu.dma_semaphore, #tpu.memory_space<semaphore_mem>>)
      %dma_wait3A_156 = arith.constant 0 : i32
      %dma_wait3A_157 = arith.constant 0 : i32
      %dma_wait3A_158 = tpu.memref_slice %arg4[%arg1, %dma_wait3A_156, %dma_wait3A_157] : memref<16x250x80xi32, #tpu.memory_space<hbm>> -> memref<1x250x80xi32, #tpu.memory_space<hbm>>
      %dma_wait3A_159 = tpu.memref_squeeze %dma_wait3A_158 : memref<1x250x80xi32, #tpu.memory_space<hbm>> -> memref<250x80xi32, #tpu.memory_space<hbm>>
      %dma_wait3A_160 = arith.constant 0 : i32
      %dma_wait3A_161 = arith.constant 0 : i32
      %dma_wait3A_162 = tpu.memref_slice %arg4[%arg1, %dma_wait3A_160, %dma_wait3A_161] : memref<16x250x80xi32, #tpu.memory_space<hbm>> -> memref<1x250x80xi32, #tpu.memory_space<hbm>>
      %dma_wait3A_163 = tpu.memref_squeeze %dma_wait3A_162 : memref<1x250x80xi32, #tpu.memory_space<hbm>> -> memref<250x80xi32, #tpu.memory_space<hbm>>
      tpu.wait_dma2 semaphore(%run_scoped3A : memref<!tpu.dma_semaphore, #tpu.memory_space<semaphore_mem>>) src(%dma_wait3A_163 : memref<250x80xi32, #tpu.memory_space<hbm>>) dst(%arg8 : memref<250x80xi32, #tpu.memory_space<vmem>>)
      tpu.yield
    }) : () -> ()
    %mul3A = arith.constant 624 : i32
    %mul3A_0 = arith.muli %arg1, %mul3A : i32
    "tpu.region"() ({
      %run_scoped3A = tpu.sem_alloc : memref<!tpu.dma_semaphore, #tpu.memory_space<semaphore_mem>>
      %dma_start3A_148 = arith.constant 0 : i32
      %dma_start3A_149 = tpu.memref_slice %arg10[%mul3A_0, %dma_start3A_148] : memref<10000x64xf32, #tpu.memory_space<vmem_shared>> -> memref<624x64xf32, #tpu.memory_space<vmem_shared>>
      tpu.enqueue_dma source(%arg5 : memref<624x64xf32, #tpu.memory_space<hbm>>) target(%dma_start3A_149 : memref<624x64xf32, #tpu.memory_space<vmem_shared>>) target_semaphore(%run_scoped3A : memref<!tpu.dma_semaphore, #tpu.memory_space<semaphore_mem>>)
      %dma_wait3A_150 = arith.constant 0 : i32
      %dma_wait3A_151 = tpu.memref_slice %arg10[%mul3A_0, %dma_wait3A_150] : memref<10000x64xf32, #tpu.memory_space<vmem_shared>> -> memref<624x64xf32, #tpu.memory_space<vmem_shared>>
      tpu.wait_dma2 semaphore(%run_scoped3A : memref<!tpu.dma_semaphore, #tpu.memory_space<semaphore_mem>>) src(%arg5 : memref<624x64xf32, #tpu.memory_space<hbm>>) dst(%dma_wait3A_151 : memref<624x64xf32, #tpu.memory_space<vmem_shared>>)
      tpu.yield
    }) : () -> ()
    %eq3A = arith.constant 0 : i32
    %eq3A_1 = arith.cmpi eq, %arg1, %eq3A : i32
    %convert_element_type3A = arith.extui %eq3A_1 : i1 to i32
    %cond3A = arith.constant 0 : i32
    %cond3A_2 = arith.cmpi ne, %convert_element_type3A, %cond3A : i32
    scf.if %cond3A_2 {
      "tpu.region"() ({
        %run_scoped3A = tpu.sem_alloc : memref<!tpu.dma_semaphore, #tpu.memory_space<semaphore_mem>>
        %dma_start3A_148 = arith.constant 9984 : i32
        %dma_start3A_149 = arith.constant 0 : i32
        %dma_start3A_150 = tpu.memref_slice %arg10[%dma_start3A_148, %dma_start3A_149] : memref<10000x64xf32, #tpu.memory_space<vmem_shared>> -> memref<16x64xf32, #tpu.memory_space<vmem_shared>>
        %dma_start3A_151 = arith.constant 0 : i32
        %dma_start3A_152 = arith.constant 0 : i32
        %dma_start3A_153 = tpu.memref_slice %arg5[%dma_start3A_151, %dma_start3A_152] : memref<624x64xf32, #tpu.memory_space<hbm>> -> memref<16x64xf32, #tpu.memory_space<hbm>>
        tpu.enqueue_dma source(%dma_start3A_153 : memref<16x64xf32, #tpu.memory_space<hbm>>) target(%dma_start3A_150 : memref<16x64xf32, #tpu.memory_space<vmem_shared>>) target_semaphore(%run_scoped3A : memref<!tpu.dma_semaphore, #tpu.memory_space<semaphore_mem>>)
        %dma_wait3A_154 = arith.constant 9984 : i32
        %dma_wait3A_155 = arith.constant 0 : i32
        %dma_wait3A_156 = tpu.memref_slice %arg10[%dma_wait3A_154, %dma_wait3A_155] : memref<10000x64xf32, #tpu.memory_space<vmem_shared>> -> memref<16x64xf32, #tpu.memory_space<vmem_shared>>
        %dma_wait3A_157 = arith.constant 0 : i32
        %dma_wait3A_158 = arith.constant 0 : i32
        %dma_wait3A_159 = tpu.memref_slice %arg5[%dma_wait3A_157, %dma_wait3A_158] : memref<624x64xf32, #tpu.memory_space<hbm>> -> memref<16x64xf32, #tpu.memory_space<hbm>>
        tpu.wait_dma2 semaphore(%run_scoped3A : memref<!tpu.dma_semaphore, #tpu.memory_space<semaphore_mem>>) src(%dma_wait3A_159 : memref<16x64xf32, #tpu.memory_space<hbm>>) dst(%dma_wait3A_156 : memref<16x64xf32, #tpu.memory_space<vmem_shared>>)
        tpu.yield
      }) : () -> ()
    } else {
    }
    %barrier3A = arith.constant 0 : index
    tpu.barrier barrier_id(%barrier3A)
    %dma_start3A = arith.constant 0 : i32
    %dma_start3A_3 = arith.constant 0 : i32
    %dma_start3A_4 = arith.constant 0 : i32
    %dma_start3A_5 = arith.constant 0 : i32
    %dma_start3A_6 = tpu.memref_slice %arg9[%dma_start3A_3, %dma_start3A_4, %dma_start3A_5] : memref<4x80x64xf32, #tpu.memory_space<vmem>> -> memref<1x80x64xf32, #tpu.memory_space<vmem>>
    %dma_start3A_7 = tpu.memref_squeeze %dma_start3A_6 : memref<1x80x64xf32, #tpu.memory_space<vmem>> -> memref<80x64xf32, #tpu.memory_space<vmem>>
    %dma_start3A_8 = arith.constant 0 : i32
    %dma_start3A_9 = tpu.memref_slice %arg7[%dma_start3A, %dma_start3A_8] : memref<250x80xi32, #tpu.memory_space<vmem>> -> memref<1x80xi32, #tpu.memory_space<vmem>>
    %dma_start3A_10 = tpu.memref_squeeze %dma_start3A_9 : memref<1x80xi32, #tpu.memory_space<vmem>> -> memref<80xi32, #tpu.memory_space<vmem>>
    %dma_start3A_11 = arith.constant 0 : i32
    %dma_start3A_12 = arith.constant 0 : i32
    %dma_start3A_13 = tpu.memref_slice %arg2[%arg0, %dma_start3A_11, %dma_start3A_12] : memref<2x10000x64xf32, #tpu.memory_space<hbm>> -> memref<1x10000x64xf32, #tpu.memory_space<hbm>>
    %dma_start3A_14 = tpu.memref_squeeze %dma_start3A_13 : memref<1x10000x64xf32, #tpu.memory_space<hbm>> -> memref<10000x64xf32, #tpu.memory_space<hbm>>
    %dma_start3A_15 = arith.constant 0 : i32
    %dma_start3A_16 = arith.constant 0 : i32
    %dma_start3A_17 = tpu.memref_slice %dma_start3A_14[%dma_start3A_15, %dma_start3A_16] : memref<10000x64xf32, #tpu.memory_space<hbm>> -> memref<10000x64xf32, #tpu.memory_space<hbm>>
    tpu.enqueue_indirect_dma source(%dma_start3A_17 : memref<10000x64xf32, #tpu.memory_space<hbm>>) target(%dma_start3A_7 : memref<80x64xf32, #tpu.memory_space<vmem>>) offsets(%dma_start3A_10 : memref<80xi32, #tpu.memory_space<vmem>>) semaphore(%arg11 : memref<!tpu.dma_semaphore, #tpu.memory_space<semaphore_mem>>)
    %dma_start3A_18 = arith.constant 1 : i32
    %dma_start3A_19 = arith.constant 1 : i32
    %dma_start3A_20 = arith.constant 0 : i32
    %dma_start3A_21 = arith.constant 0 : i32
    %dma_start3A_22 = tpu.memref_slice %arg9[%dma_start3A_19, %dma_start3A_20, %dma_start3A_21] : memref<4x80x64xf32, #tpu.memory_space<vmem>> -> memref<1x80x64xf32, #tpu.memory_space<vmem>>
    %dma_start3A_23 = tpu.memref_squeeze %dma_start3A_22 : memref<1x80x64xf32, #tpu.memory_space<vmem>> -> memref<80x64xf32, #tpu.memory_space<vmem>>
    %dma_start3A_24 = arith.constant 0 : i32
    %dma_start3A_25 = tpu.memref_slice %arg7[%dma_start3A_18, %dma_start3A_24] : memref<250x80xi32, #tpu.memory_space<vmem>> -> memref<1x80xi32, #tpu.memory_space<vmem>>
    %dma_start3A_26 = tpu.memref_squeeze %dma_start3A_25 : memref<1x80xi32, #tpu.memory_space<vmem>> -> memref<80xi32, #tpu.memory_space<vmem>>
    %dma_start3A_27 = arith.constant 0 : i32
    %dma_start3A_28 = arith.constant 0 : i32
    %dma_start3A_29 = tpu.memref_slice %arg2[%arg0, %dma_start3A_27, %dma_start3A_28] : memref<2x10000x64xf32, #tpu.memory_space<hbm>> -> memref<1x10000x64xf32, #tpu.memory_space<hbm>>
    %dma_start3A_30 = tpu.memref_squeeze %dma_start3A_29 : memref<1x10000x64xf32, #tpu.memory_space<hbm>> -> memref<10000x64xf32, #tpu.memory_space<hbm>>
    %dma_start3A_31 = arith.constant 0 : i32
    %dma_start3A_32 = arith.constant 0 : i32
    %dma_start3A_33 = tpu.memref_slice %dma_start3A_30[%dma_start3A_31, %dma_start3A_32] : memref<10000x64xf32, #tpu.memory_space<hbm>> -> memref<10000x64xf32, #tpu.memory_space<hbm>>
    tpu.enqueue_indirect_dma source(%dma_start3A_33 : memref<10000x64xf32, #tpu.memory_space<hbm>>) target(%dma_start3A_23 : memref<80x64xf32, #tpu.memory_space<vmem>>) offsets(%dma_start3A_26 : memref<80xi32, #tpu.memory_space<vmem>>) semaphore(%arg11 : memref<!tpu.dma_semaphore, #tpu.memory_space<semaphore_mem>>)
    %scan3A = arith.constant 0 : i32
    %scan3A_34 = arith.constant 0 : i32
    %scan3A_35 = arith.constant 62 : i32
    %scan3A_36 = arith.addi %scan3A_34, %scan3A_35 : i32
    %scan3A_37 = arith.constant 1 : i32
    scf.for %scan3A_148 = %scan3A_34 to %scan3A_36 step %scan3A_37  : i32 {
      %mul3A_149 = arith.constant 4 : i32
      %mul3A_150 = arith.muli %mul3A_149, %scan3A_148 : i32
      %add3A = arith.constant 0 : i32
      %add3A_151 = arith.addi %mul3A_150, %add3A : i32
      %dma_wait3A_152 = arith.constant 0 : i32
      %dma_wait3A_153 = arith.constant 0 : i32
      %dma_wait3A_154 = arith.constant 0 : i32
      %dma_wait3A_155 = tpu.memref_slice %arg9[%dma_wait3A_152, %dma_wait3A_153, %dma_wait3A_154] : memref<4x80x64xf32, #tpu.memory_space<vmem>> -> memref<1x80x64xf32, #tpu.memory_space<vmem>>
      %dma_wait3A_156 = tpu.memref_squeeze %dma_wait3A_155 : memref<1x80x64xf32, #tpu.memory_space<vmem>> -> memref<80x64xf32, #tpu.memory_space<vmem>>
      %dma_wait3A_157 = arith.constant 0 : i32
      %dma_wait3A_158 = tpu.memref_slice %arg7[%add3A_151, %dma_wait3A_157] : memref<250x80xi32, #tpu.memory_space<vmem>> -> memref<1x80xi32, #tpu.memory_space<vmem>>
      %dma_wait3A_159 = tpu.memref_squeeze %dma_wait3A_158 : memref<1x80xi32, #tpu.memory_space<vmem>> -> memref<80xi32, #tpu.memory_space<vmem>>
      %dma_wait3A_160 = arith.constant 0 : i32
      %dma_wait3A_161 = arith.constant 0 : i32
      %dma_wait3A_162 = tpu.memref_slice %arg2[%arg0, %dma_wait3A_160, %dma_wait3A_161] : memref<2x10000x64xf32, #tpu.memory_space<hbm>> -> memref<1x10000x64xf32, #tpu.memory_space<hbm>>
      %dma_wait3A_163 = tpu.memref_squeeze %dma_wait3A_162 : memref<1x10000x64xf32, #tpu.memory_space<hbm>> -> memref<10000x64xf32, #tpu.memory_space<hbm>>
      %dma_wait3A_164 = arith.constant 0 : i32
      %dma_wait3A_165 = arith.constant 0 : i32
      %dma_wait3A_166 = tpu.memref_slice %dma_wait3A_163[%dma_wait3A_164, %dma_wait3A_165] : memref<10000x64xf32, #tpu.memory_space<hbm>> -> memref<10000x64xf32, #tpu.memory_space<hbm>>
      tpu.wait_indirect_dma semaphore(%arg11 : memref<!tpu.dma_semaphore, #tpu.memory_space<semaphore_mem>>) src(%dma_wait3A_166 : memref<10000x64xf32, #tpu.memory_space<hbm>>) dst(%dma_wait3A_156 : memref<80x64xf32, #tpu.memory_space<vmem>>)
      %dma_start3A_167 = arith.constant 0 : i32
      %dma_start3A_168 = arith.constant 0 : i32
      %dma_start3A_169 = arith.constant 0 : i32
      %dma_start3A_170 = tpu.memref_slice %arg9[%dma_start3A_167, %dma_start3A_168, %dma_start3A_169] : memref<4x80x64xf32, #tpu.memory_space<vmem>> -> memref<1x80x64xf32, #tpu.memory_space<vmem>>
      %dma_start3A_171 = tpu.memref_squeeze %dma_start3A_170 : memref<1x80x64xf32, #tpu.memory_space<vmem>> -> memref<80x64xf32, #tpu.memory_space<vmem>>
      %dma_start3A_172 = arith.constant 0 : i32
      %dma_start3A_173 = tpu.memref_slice %arg8[%add3A_151, %dma_start3A_172] : memref<250x80xi32, #tpu.memory_space<vmem>> -> memref<1x80xi32, #tpu.memory_space<vmem>>
      %dma_start3A_174 = tpu.memref_squeeze %dma_start3A_173 : memref<1x80xi32, #tpu.memory_space<vmem>> -> memref<80xi32, #tpu.memory_space<vmem>>
      %dma_start3A_175 = arith.constant 0 : i32
      %dma_start3A_176 = arith.constant 0 : i32
      %dma_start3A_177 = tpu.memref_slice %arg10[%dma_start3A_175, %dma_start3A_176] : memref<10000x64xf32, #tpu.memory_space<vmem_shared>> -> memref<10000x64xf32, #tpu.memory_space<vmem_shared>>
      tpu.enqueue_indirect_dma source(%dma_start3A_171 : memref<80x64xf32, #tpu.memory_space<vmem>>) target(%dma_start3A_177 : memref<10000x64xf32, #tpu.memory_space<vmem_shared>>) offsets(%dma_start3A_174 : memref<80xi32, #tpu.memory_space<vmem>>) semaphore(%arg12 : memref<!tpu.dma_semaphore, #tpu.memory_space<semaphore_mem>>) {add = true}
      %ge3A = arith.constant 1 : i32
      %ge3A_178 = arith.cmpi sge, %scan3A_148, %ge3A : i32
      %convert_element_type3A_179 = arith.extui %ge3A_178 : i1 to i32
      %cond3A_180 = arith.constant 0 : i32
      %cond3A_181 = arith.cmpi ne, %convert_element_type3A_179, %cond3A_180 : i32
      scf.if %cond3A_181 {
        %sub3A_370 = arith.constant 2 : i32
        %sub3A_371 = arith.subi %add3A_151, %sub3A_370 : i32
        %dma_wait3A_372 = arith.constant 2 : i32
        %dma_wait3A_373 = arith.constant 0 : i32
        %dma_wait3A_374 = arith.constant 0 : i32
        %dma_wait3A_375 = tpu.memref_slice %arg9[%dma_wait3A_372, %dma_wait3A_373, %dma_wait3A_374] : memref<4x80x64xf32, #tpu.memory_space<vmem>> -> memref<1x80x64xf32, #tpu.memory_space<vmem>>
        %dma_wait3A_376 = tpu.memref_squeeze %dma_wait3A_375 : memref<1x80x64xf32, #tpu.memory_space<vmem>> -> memref<80x64xf32, #tpu.memory_space<vmem>>
        %dma_wait3A_377 = arith.constant 0 : i32
        %dma_wait3A_378 = tpu.memref_slice %arg8[%sub3A_371, %dma_wait3A_377] : memref<250x80xi32, #tpu.memory_space<vmem>> -> memref<1x80xi32, #tpu.memory_space<vmem>>
        %dma_wait3A_379 = tpu.memref_squeeze %dma_wait3A_378 : memref<1x80xi32, #tpu.memory_space<vmem>> -> memref<80xi32, #tpu.memory_space<vmem>>
        %dma_wait3A_380 = arith.constant 0 : i32
        %dma_wait3A_381 = arith.constant 0 : i32
        %dma_wait3A_382 = tpu.memref_slice %arg10[%dma_wait3A_380, %dma_wait3A_381] : memref<10000x64xf32, #tpu.memory_space<vmem_shared>> -> memref<10000x64xf32, #tpu.memory_space<vmem_shared>>
        tpu.wait_indirect_dma semaphore(%arg12 : memref<!tpu.dma_semaphore, #tpu.memory_space<semaphore_mem>>) src(%dma_wait3A_376 : memref<80x64xf32, #tpu.memory_space<vmem>>) dst(%dma_wait3A_382 : memref<10000x64xf32, #tpu.memory_space<vmem_shared>>)
      } else {
      }
      %add3A_182 = arith.constant 2 : i32
      %add3A_183 = arith.addi %add3A_151, %add3A_182 : i32
      %dma_start3A_184 = arith.constant 2 : i32
      %dma_start3A_185 = arith.constant 0 : i32
      %dma_start3A_186 = arith.constant 0 : i32
      %dma_start3A_187 = tpu.memref_slice %arg9[%dma_start3A_184, %dma_start3A_185, %dma_start3A_186] : memref<4x80x64xf32, #tpu.memory_space<vmem>> -> memref<1x80x64xf32, #tpu.memory_space<vmem>>
      %dma_start3A_188 = tpu.memref_squeeze %dma_start3A_187 : memref<1x80x64xf32, #tpu.memory_space<vmem>> -> memref<80x64xf32, #tpu.memory_space<vmem>>
      %dma_start3A_189 = arith.constant 0 : i32
      %dma_start3A_190 = tpu.memref_slice %arg7[%add3A_183, %dma_start3A_189] : memref<250x80xi32, #tpu.memory_space<vmem>> -> memref<1x80xi32, #tpu.memory_space<vmem>>
      %dma_start3A_191 = tpu.memref_squeeze %dma_start3A_190 : memref<1x80xi32, #tpu.memory_space<vmem>> -> memref<80xi32, #tpu.memory_space<vmem>>
      %dma_start3A_192 = arith.constant 0 : i32
      %dma_start3A_193 = arith.constant 0 : i32
      %dma_start3A_194 = tpu.memref_slice %arg2[%arg0, %dma_start3A_192, %dma_start3A_193] : memref<2x10000x64xf32, #tpu.memory_space<hbm>> -> memref<1x10000x64xf32, #tpu.memory_space<hbm>>
      %dma_start3A_195 = tpu.memref_squeeze %dma_start3A_194 : memref<1x10000x64xf32, #tpu.memory_space<hbm>> -> memref<10000x64xf32, #tpu.memory_space<hbm>>
      %dma_start3A_196 = arith.constant 0 : i32
      %dma_start3A_197 = arith.constant 0 : i32
      %dma_start3A_198 = tpu.memref_slice %dma_start3A_195[%dma_start3A_196, %dma_start3A_197] : memref<10000x64xf32, #tpu.memory_space<hbm>> -> memref<10000x64xf32, #tpu.memory_space<hbm>>
      tpu.enqueue_indirect_dma source(%dma_start3A_198 : memref<10000x64xf32, #tpu.memory_space<hbm>>) target(%dma_start3A_188 : memref<80x64xf32, #tpu.memory_space<vmem>>) offsets(%dma_start3A_191 : memref<80xi32, #tpu.memory_space<vmem>>) semaphore(%arg11 : memref<!tpu.dma_semaphore, #tpu.memory_space<semaphore_mem>>)
      %mul3A_199 = arith.constant 4 : i32
      %mul3A_200 = arith.muli %mul3A_199, %scan3A_148 : i32
      %add3A_201 = arith.constant 1 : i32
      %add3A_202 = arith.addi %mul3A_200, %add3A_201 : i32
      %dma_wait3A_203 = arith.constant 1 : i32
      %dma_wait3A_204 = arith.constant 0 : i32
      %dma_wait3A_205 = arith.constant 0 : i32
      %dma_wait3A_206 = tpu.memref_slice %arg9[%dma_wait3A_203, %dma_wait3A_204, %dma_wait3A_205] : memref<4x80x64xf32, #tpu.memory_space<vmem>> -> memref<1x80x64xf32, #tpu.memory_space<vmem>>
      %dma_wait3A_207 = tpu.memref_squeeze %dma_wait3A_206 : memref<1x80x64xf32, #tpu.memory_space<vmem>> -> memref<80x64xf32, #tpu.memory_space<vmem>>
      %dma_wait3A_208 = arith.constant 0 : i32
      %dma_wait3A_209 = tpu.memref_slice %arg7[%add3A_202, %dma_wait3A_208] : memref<250x80xi32, #tpu.memory_space<vmem>> -> memref<1x80xi32, #tpu.memory_space<vmem>>
      %dma_wait3A_210 = tpu.memref_squeeze %dma_wait3A_209 : memref<1x80xi32, #tpu.memory_space<vmem>> -> memref<80xi32, #tpu.memory_space<vmem>>
      %dma_wait3A_211 = arith.constant 0 : i32
      %dma_wait3A_212 = arith.constant 0 : i32
      %dma_wait3A_213 = tpu.memref_slice %arg2[%arg0, %dma_wait3A_211, %dma_wait3A_212] : memref<2x10000x64xf32, #tpu.memory_space<hbm>> -> memref<1x10000x64xf32, #tpu.memory_space<hbm>>
      %dma_wait3A_214 = tpu.memref_squeeze %dma_wait3A_213 : memref<1x10000x64xf32, #tpu.memory_space<hbm>> -> memref<10000x64xf32, #tpu.memory_space<hbm>>
      %dma_wait3A_215 = arith.constant 0 : i32
      %dma_wait3A_216 = arith.constant 0 : i32
      %dma_wait3A_217 = tpu.memref_slice %dma_wait3A_214[%dma_wait3A_215, %dma_wait3A_216] : memref<10000x64xf32, #tpu.memory_space<hbm>> -> memref<10000x64xf32, #tpu.memory_space<hbm>>
      tpu.wait_indirect_dma semaphore(%arg11 : memref<!tpu.dma_semaphore, #tpu.memory_space<semaphore_mem>>) src(%dma_wait3A_217 : memref<10000x64xf32, #tpu.memory_space<hbm>>) dst(%dma_wait3A_207 : memref<80x64xf32, #tpu.memory_space<vmem>>)
      %dma_start3A_218 = arith.constant 1 : i32
      %dma_start3A_219 = arith.constant 0 : i32
      %dma_start3A_220 = arith.constant 0 : i32
      %dma_start3A_221 = tpu.memref_slice %arg9[%dma_start3A_218, %dma_start3A_219, %dma_start3A_220] : memref<4x80x64xf32, #tpu.memory_space<vmem>> -> memref<1x80x64xf32, #tpu.memory_space<vmem>>
      %dma_start3A_222 = tpu.memref_squeeze %dma_start3A_221 : memref<1x80x64xf32, #tpu.memory_space<vmem>> -> memref<80x64xf32, #tpu.memory_space<vmem>>
      %dma_start3A_223 = arith.constant 0 : i32
      %dma_start3A_224 = tpu.memref_slice %arg8[%add3A_202, %dma_start3A_223] : memref<250x80xi32, #tpu.memory_space<vmem>> -> memref<1x80xi32, #tpu.memory_space<vmem>>
      %dma_start3A_225 = tpu.memref_squeeze %dma_start3A_224 : memref<1x80xi32, #tpu.memory_space<vmem>> -> memref<80xi32, #tpu.memory_space<vmem>>
      %dma_start3A_226 = arith.constant 0 : i32
      %dma_start3A_227 = arith.constant 0 : i32
      %dma_start3A_228 = tpu.memref_slice %arg10[%dma_start3A_226, %dma_start3A_227] : memref<10000x64xf32, #tpu.memory_space<vmem_shared>> -> memref<10000x64xf32, #tpu.memory_space<vmem_shared>>
      tpu.enqueue_indirect_dma source(%dma_start3A_222 : memref<80x64xf32, #tpu.memory_space<vmem>>) target(%dma_start3A_228 : memref<10000x64xf32, #tpu.memory_space<vmem_shared>>) offsets(%dma_start3A_225 : memref<80xi32, #tpu.memory_space<vmem>>) semaphore(%arg12 : memref<!tpu.dma_semaphore, #tpu.memory_space<semaphore_mem>>) {add = true}
      %ge3A_229 = arith.constant 1 : i32
      %ge3A_230 = arith.cmpi sge, %scan3A_148, %ge3A_229 : i32
      %convert_element_type3A_231 = arith.extui %ge3A_230 : i1 to i32
      %cond3A_232 = arith.constant 0 : i32
      %cond3A_233 = arith.cmpi ne, %convert_element_type3A_231, %cond3A_232 : i32
      scf.if %cond3A_233 {
        %sub3A_370 = arith.constant 2 : i32
        %sub3A_371 = arith.subi %add3A_202, %sub3A_370 : i32
        %dma_wait3A_372 = arith.constant 3 : i32
        %dma_wait3A_373 = arith.constant 0 : i32
        %dma_wait3A_374 = arith.constant 0 : i32
        %dma_wait3A_375 = tpu.memref_slice %arg9[%dma_wait3A_372, %dma_wait3A_373, %dma_wait3A_374] : memref<4x80x64xf32, #tpu.memory_space<vmem>> -> memref<1x80x64xf32, #tpu.memory_space<vmem>>
        %dma_wait3A_376 = tpu.memref_squeeze %dma_wait3A_375 : memref<1x80x64xf32, #tpu.memory_space<vmem>> -> memref<80x64xf32, #tpu.memory_space<vmem>>
        %dma_wait3A_377 = arith.constant 0 : i32
        %dma_wait3A_378 = tpu.memref_slice %arg8[%sub3A_371, %dma_wait3A_377] : memref<250x80xi32, #tpu.memory_space<vmem>> -> memref<1x80xi32, #tpu.memory_space<vmem>>
        %dma_wait3A_379 = tpu.memref_squeeze %dma_wait3A_378 : memref<1x80xi32, #tpu.memory_space<vmem>> -> memref<80xi32, #tpu.memory_space<vmem>>
        %dma_wait3A_380 = arith.constant 0 : i32
        %dma_wait3A_381 = arith.constant 0 : i32
        %dma_wait3A_382 = tpu.memref_slice %arg10[%dma_wait3A_380, %dma_wait3A_381] : memref<10000x64xf32, #tpu.memory_space<vmem_shared>> -> memref<10000x64xf32, #tpu.memory_space<vmem_shared>>
        tpu.wait_indirect_dma semaphore(%arg12 : memref<!tpu.dma_semaphore, #tpu.memory_space<semaphore_mem>>) src(%dma_wait3A_376 : memref<80x64xf32, #tpu.memory_space<vmem>>) dst(%dma_wait3A_382 : memref<10000x64xf32, #tpu.memory_space<vmem_shared>>)
      } else {
      }
      %add3A_234 = arith.constant 2 : i32
      %add3A_235 = arith.addi %add3A_202, %add3A_234 : i32
      %dma_start3A_236 = arith.constant 3 : i32
      %dma_start3A_237 = arith.constant 0 : i32
      %dma_start3A_238 = arith.constant 0 : i32
      %dma_start3A_239 = tpu.memref_slice %arg9[%dma_start3A_236, %dma_start3A_237, %dma_start3A_238] : memref<4x80x64xf32, #tpu.memory_space<vmem>> -> memref<1x80x64xf32, #tpu.memory_space<vmem>>
      %dma_start3A_240 = tpu.memref_squeeze %dma_start3A_239 : memref<1x80x64xf32, #tpu.memory_space<vmem>> -> memref<80x64xf32, #tpu.memory_space<vmem>>
      %dma_start3A_241 = arith.constant 0 : i32
      %dma_start3A_242 = tpu.memref_slice %arg7[%add3A_235, %dma_start3A_241] : memref<250x80xi32, #tpu.memory_space<vmem>> -> memref<1x80xi32, #tpu.memory_space<vmem>>
      %dma_start3A_243 = tpu.memref_squeeze %dma_start3A_242 : memref<1x80xi32, #tpu.memory_space<vmem>> -> memref<80xi32, #tpu.memory_space<vmem>>
      %dma_start3A_244 = arith.constant 0 : i32
      %dma_start3A_245 = arith.constant 0 : i32
      %dma_start3A_246 = tpu.memref_slice %arg2[%arg0, %dma_start3A_244, %dma_start3A_245] : memref<2x10000x64xf32, #tpu.memory_space<hbm>> -> memref<1x10000x64xf32, #tpu.memory_space<hbm>>
      %dma_start3A_247 = tpu.memref_squeeze %dma_start3A_246 : memref<1x10000x64xf32, #tpu.memory_space<hbm>> -> memref<10000x64xf32, #tpu.memory_space<hbm>>
      %dma_start3A_248 = arith.constant 0 : i32
      %dma_start3A_249 = arith.constant 0 : i32
      %dma_start3A_250 = tpu.memref_slice %dma_start3A_247[%dma_start3A_248, %dma_start3A_249] : memref<10000x64xf32, #tpu.memory_space<hbm>> -> memref<10000x64xf32, #tpu.memory_space<hbm>>
      tpu.enqueue_indirect_dma source(%dma_start3A_250 : memref<10000x64xf32, #tpu.memory_space<hbm>>) target(%dma_start3A_240 : memref<80x64xf32, #tpu.memory_space<vmem>>) offsets(%dma_start3A_243 : memref<80xi32, #tpu.memory_space<vmem>>) semaphore(%arg11 : memref<!tpu.dma_semaphore, #tpu.memory_space<semaphore_mem>>)
      %mul3A_251 = arith.constant 4 : i32
      %mul3A_252 = arith.muli %mul3A_251, %scan3A_148 : i32
      %add3A_253 = arith.constant 2 : i32
      %add3A_254 = arith.addi %mul3A_252, %add3A_253 : i32
      %dma_wait3A_255 = arith.constant 2 : i32
      %dma_wait3A_256 = arith.constant 0 : i32
      %dma_wait3A_257 = arith.constant 0 : i32
      %dma_wait3A_258 = tpu.memref_slice %arg9[%dma_wait3A_255, %dma_wait3A_256, %dma_wait3A_257] : memref<4x80x64xf32, #tpu.memory_space<vmem>> -> memref<1x80x64xf32, #tpu.memory_space<vmem>>
      %dma_wait3A_259 = tpu.memref_squeeze %dma_wait3A_258 : memref<1x80x64xf32, #tpu.memory_space<vmem>> -> memref<80x64xf32, #tpu.memory_space<vmem>>
      %dma_wait3A_260 = arith.constant 0 : i32
      %dma_wait3A_261 = tpu.memref_slice %arg7[%add3A_254, %dma_wait3A_260] : memref<250x80xi32, #tpu.memory_space<vmem>> -> memref<1x80xi32, #tpu.memory_space<vmem>>
      %dma_wait3A_262 = tpu.memref_squeeze %dma_wait3A_261 : memref<1x80xi32, #tpu.memory_space<vmem>> -> memref<80xi32, #tpu.memory_space<vmem>>
      %dma_wait3A_263 = arith.constant 0 : i32
      %dma_wait3A_264 = arith.constant 0 : i32
      %dma_wait3A_265 = tpu.memref_slice %arg2[%arg0, %dma_wait3A_263, %dma_wait3A_264] : memref<2x10000x64xf32, #tpu.memory_space<hbm>> -> memref<1x10000x64xf32, #tpu.memory_space<hbm>>
      %dma_wait3A_266 = tpu.memref_squeeze %dma_wait3A_265 : memref<1x10000x64xf32, #tpu.memory_space<hbm>> -> memref<10000x64xf32, #tpu.memory_space<hbm>>
      %dma_wait3A_267 = arith.constant 0 : i32
      %dma_wait3A_268 = arith.constant 0 : i32
      %dma_wait3A_269 = tpu.memref_slice %dma_wait3A_266[%dma_wait3A_267, %dma_wait3A_268] : memref<10000x64xf32, #tpu.memory_space<hbm>> -> memref<10000x64xf32, #tpu.memory_space<hbm>>
      tpu.wait_indirect_dma semaphore(%arg11 : memref<!tpu.dma_semaphore, #tpu.memory_space<semaphore_mem>>) src(%dma_wait3A_269 : memref<10000x64xf32, #tpu.memory_space<hbm>>) dst(%dma_wait3A_259 : memref<80x64xf32, #tpu.memory_space<vmem>>)
      %dma_start3A_270 = arith.constant 2 : i32
      %dma_start3A_271 = arith.constant 0 : i32
      %dma_start3A_272 = arith.constant 0 : i32
      %dma_start3A_273 = tpu.memref_slice %arg9[%dma_start3A_270, %dma_start3A_271, %dma_start3A_272] : memref<4x80x64xf32, #tpu.memory_space<vmem>> -> memref<1x80x64xf32, #tpu.memory_space<vmem>>
      %dma_start3A_274 = tpu.memref_squeeze %dma_start3A_273 : memref<1x80x64xf32, #tpu.memory_space<vmem>> -> memref<80x64xf32, #tpu.memory_space<vmem>>
      %dma_start3A_275 = arith.constant 0 : i32
      %dma_start3A_276 = tpu.memref_slice %arg8[%add3A_254, %dma_start3A_275] : memref<250x80xi32, #tpu.memory_space<vmem>> -> memref<1x80xi32, #tpu.memory_space<vmem>>
      %dma_start3A_277 = tpu.memref_squeeze %dma_start3A_276 : memref<1x80xi32, #tpu.memory_space<vmem>> -> memref<80xi32, #tpu.memory_space<vmem>>
      %dma_start3A_278 = arith.constant 0 : i32
      %dma_start3A_279 = arith.constant 0 : i32
      %dma_start3A_280 = tpu.memref_slice %arg10[%dma_start3A_278, %dma_start3A_279] : memref<10000x64xf32, #tpu.memory_space<vmem_shared>> -> memref<10000x64xf32, #tpu.memory_space<vmem_shared>>
      tpu.enqueue_indirect_dma source(%dma_start3A_274 : memref<80x64xf32, #tpu.memory_space<vmem>>) target(%dma_start3A_280 : memref<10000x64xf32, #tpu.memory_space<vmem_shared>>) offsets(%dma_start3A_277 : memref<80xi32, #tpu.memory_space<vmem>>) semaphore(%arg12 : memref<!tpu.dma_semaphore, #tpu.memory_space<semaphore_mem>>) {add = true}
      %sub3A = arith.constant 2 : i32
      %sub3A_281 = arith.subi %add3A_254, %sub3A : i32
      %dma_wait3A_282 = arith.constant 0 : i32
      %dma_wait3A_283 = arith.constant 0 : i32
      %dma_wait3A_284 = arith.constant 0 : i32
      %dma_wait3A_285 = tpu.memref_slice %arg9[%dma_wait3A_282, %dma_wait3A_283, %dma_wait3A_284] : memref<4x80x64xf32, #tpu.memory_space<vmem>> -> memref<1x80x64xf32, #tpu.memory_space<vmem>>
      %dma_wait3A_286 = tpu.memref_squeeze %dma_wait3A_285 : memref<1x80x64xf32, #tpu.memory_space<vmem>> -> memref<80x64xf32, #tpu.memory_space<vmem>>
      %dma_wait3A_287 = arith.constant 0 : i32
      %dma_wait3A_288 = tpu.memref_slice %arg8[%sub3A_281, %dma_wait3A_287] : memref<250x80xi32, #tpu.memory_space<vmem>> -> memref<1x80xi32, #tpu.memory_space<vmem>>
      %dma_wait3A_289 = tpu.memref_squeeze %dma_wait3A_288 : memref<1x80xi32, #tpu.memory_space<vmem>> -> memref<80xi32, #tpu.memory_space<vmem>>
      %dma_wait3A_290 = arith.constant 0 : i32
      %dma_wait3A_291 = arith.constant 0 : i32
      %dma_wait3A_292 = tpu.memref_slice %arg10[%dma_wait3A_290, %dma_wait3A_291] : memref<10000x64xf32, #tpu.memory_space<vmem_shared>> -> memref<10000x64xf32, #tpu.memory_space<vmem_shared>>
      tpu.wait_indirect_dma semaphore(%arg12 : memref<!tpu.dma_semaphore, #tpu.memory_space<semaphore_mem>>) src(%dma_wait3A_286 : memref<80x64xf32, #tpu.memory_space<vmem>>) dst(%dma_wait3A_292 : memref<10000x64xf32, #tpu.memory_space<vmem_shared>>)
      %add3A_293 = arith.constant 2 : i32
      %add3A_294 = arith.addi %add3A_254, %add3A_293 : i32
      %dma_start3A_295 = arith.constant 0 : i32
      %dma_start3A_296 = arith.constant 0 : i32
      %dma_start3A_297 = arith.constant 0 : i32
      %dma_start3A_298 = tpu.memref_slice %arg9[%dma_start3A_295, %dma_start3A_296, %dma_start3A_297] : memref<4x80x64xf32, #tpu.memory_space<vmem>> -> memref<1x80x64xf32, #tpu.memory_space<vmem>>
      %dma_start3A_299 = tpu.memref_squeeze %dma_start3A_298 : memref<1x80x64xf32, #tpu.memory_space<vmem>> -> memref<80x64xf32, #tpu.memory_space<vmem>>
      %dma_start3A_300 = arith.constant 0 : i32
      %dma_start3A_301 = tpu.memref_slice %arg7[%add3A_294, %dma_start3A_300] : memref<250x80xi32, #tpu.memory_space<vmem>> -> memref<1x80xi32, #tpu.memory_space<vmem>>
      %dma_start3A_302 = tpu.memref_squeeze %dma_start3A_301 : memref<1x80xi32, #tpu.memory_space<vmem>> -> memref<80xi32, #tpu.memory_space<vmem>>
      %dma_start3A_303 = arith.constant 0 : i32
      %dma_start3A_304 = arith.constant 0 : i32
      %dma_start3A_305 = tpu.memref_slice %arg2[%arg0, %dma_start3A_303, %dma_start3A_304] : memref<2x10000x64xf32, #tpu.memory_space<hbm>> -> memref<1x10000x64xf32, #tpu.memory_space<hbm>>
      %dma_start3A_306 = tpu.memref_squeeze %dma_start3A_305 : memref<1x10000x64xf32, #tpu.memory_space<hbm>> -> memref<10000x64xf32, #tpu.memory_space<hbm>>
      %dma_start3A_307 = arith.constant 0 : i32
      %dma_start3A_308 = arith.constant 0 : i32
      %dma_start3A_309 = tpu.memref_slice %dma_start3A_306[%dma_start3A_307, %dma_start3A_308] : memref<10000x64xf32, #tpu.memory_space<hbm>> -> memref<10000x64xf32, #tpu.memory_space<hbm>>
      tpu.enqueue_indirect_dma source(%dma_start3A_309 : memref<10000x64xf32, #tpu.memory_space<hbm>>) target(%dma_start3A_299 : memref<80x64xf32, #tpu.memory_space<vmem>>) offsets(%dma_start3A_302 : memref<80xi32, #tpu.memory_space<vmem>>) semaphore(%arg11 : memref<!tpu.dma_semaphore, #tpu.memory_space<semaphore_mem>>)
      %mul3A_310 = arith.constant 4 : i32
      %mul3A_311 = arith.muli %mul3A_310, %scan3A_148 : i32
      %add3A_312 = arith.constant 3 : i32
      %add3A_313 = arith.addi %mul3A_311, %add3A_312 : i32
      %dma_wait3A_314 = arith.constant 3 : i32
      %dma_wait3A_315 = arith.constant 0 : i32
      %dma_wait3A_316 = arith.constant 0 : i32
      %dma_wait3A_317 = tpu.memref_slice %arg9[%dma_wait3A_314, %dma_wait3A_315, %dma_wait3A_316] : memref<4x80x64xf32, #tpu.memory_space<vmem>> -> memref<1x80x64xf32, #tpu.memory_space<vmem>>
      %dma_wait3A_318 = tpu.memref_squeeze %dma_wait3A_317 : memref<1x80x64xf32, #tpu.memory_space<vmem>> -> memref<80x64xf32, #tpu.memory_space<vmem>>
      %dma_wait3A_319 = arith.constant 0 : i32
      %dma_wait3A_320 = tpu.memref_slice %arg7[%add3A_313, %dma_wait3A_319] : memref<250x80xi32, #tpu.memory_space<vmem>> -> memref<1x80xi32, #tpu.memory_space<vmem>>
      %dma_wait3A_321 = tpu.memref_squeeze %dma_wait3A_320 : memref<1x80xi32, #tpu.memory_space<vmem>> -> memref<80xi32, #tpu.memory_space<vmem>>
      %dma_wait3A_322 = arith.constant 0 : i32
      %dma_wait3A_323 = arith.constant 0 : i32
      %dma_wait3A_324 = tpu.memref_slice %arg2[%arg0, %dma_wait3A_322, %dma_wait3A_323] : memref<2x10000x64xf32, #tpu.memory_space<hbm>> -> memref<1x10000x64xf32, #tpu.memory_space<hbm>>
      %dma_wait3A_325 = tpu.memref_squeeze %dma_wait3A_324 : memref<1x10000x64xf32, #tpu.memory_space<hbm>> -> memref<10000x64xf32, #tpu.memory_space<hbm>>
      %dma_wait3A_326 = arith.constant 0 : i32
      %dma_wait3A_327 = arith.constant 0 : i32
      %dma_wait3A_328 = tpu.memref_slice %dma_wait3A_325[%dma_wait3A_326, %dma_wait3A_327] : memref<10000x64xf32, #tpu.memory_space<hbm>> -> memref<10000x64xf32, #tpu.memory_space<hbm>>
      tpu.wait_indirect_dma semaphore(%arg11 : memref<!tpu.dma_semaphore, #tpu.memory_space<semaphore_mem>>) src(%dma_wait3A_328 : memref<10000x64xf32, #tpu.memory_space<hbm>>) dst(%dma_wait3A_318 : memref<80x64xf32, #tpu.memory_space<vmem>>)
      %dma_start3A_329 = arith.constant 3 : i32
      %dma_start3A_330 = arith.constant 0 : i32
      %dma_start3A_331 = arith.constant 0 : i32
      %dma_start3A_332 = tpu.memref_slice %arg9[%dma_start3A_329, %dma_start3A_330, %dma_start3A_331] : memref<4x80x64xf32, #tpu.memory_space<vmem>> -> memref<1x80x64xf32, #tpu.memory_space<vmem>>
      %dma_start3A_333 = tpu.memref_squeeze %dma_start3A_332 : memref<1x80x64xf32, #tpu.memory_space<vmem>> -> memref<80x64xf32, #tpu.memory_space<vmem>>
      %dma_start3A_334 = arith.constant 0 : i32
      %dma_start3A_335 = tpu.memref_slice %arg8[%add3A_313, %dma_start3A_334] : memref<250x80xi32, #tpu.memory_space<vmem>> -> memref<1x80xi32, #tpu.memory_space<vmem>>
      %dma_start3A_336 = tpu.memref_squeeze %dma_start3A_335 : memref<1x80xi32, #tpu.memory_space<vmem>> -> memref<80xi32, #tpu.memory_space<vmem>>
      %dma_start3A_337 = arith.constant 0 : i32
      %dma_start3A_338 = arith.constant 0 : i32
      %dma_start3A_339 = tpu.memref_slice %arg10[%dma_start3A_337, %dma_start3A_338] : memref<10000x64xf32, #tpu.memory_space<vmem_shared>> -> memref<10000x64xf32, #tpu.memory_space<vmem_shared>>
      tpu.enqueue_indirect_dma source(%dma_start3A_333 : memref<80x64xf32, #tpu.memory_space<vmem>>) target(%dma_start3A_339 : memref<10000x64xf32, #tpu.memory_space<vmem_shared>>) offsets(%dma_start3A_336 : memref<80xi32, #tpu.memory_space<vmem>>) semaphore(%arg12 : memref<!tpu.dma_semaphore, #tpu.memory_space<semaphore_mem>>) {add = true}
      %sub3A_340 = arith.constant 2 : i32
      %sub3A_341 = arith.subi %add3A_313, %sub3A_340 : i32
      %dma_wait3A_342 = arith.constant 1 : i32
      %dma_wait3A_343 = arith.constant 0 : i32
      %dma_wait3A_344 = arith.constant 0 : i32
      %dma_wait3A_345 = tpu.memref_slice %arg9[%dma_wait3A_342, %dma_wait3A_343, %dma_wait3A_344] : memref<4x80x64xf32, #tpu.memory_space<vmem>> -> memref<1x80x64xf32, #tpu.memory_space<vmem>>
      %dma_wait3A_346 = tpu.memref_squeeze %dma_wait3A_345 : memref<1x80x64xf32, #tpu.memory_space<vmem>> -> memref<80x64xf32, #tpu.memory_space<vmem>>
      %dma_wait3A_347 = arith.constant 0 : i32
      %dma_wait3A_348 = tpu.memref_slice %arg8[%sub3A_341, %dma_wait3A_347] : memref<250x80xi32, #tpu.memory_space<vmem>> -> memref<1x80xi32, #tpu.memory_space<vmem>>
      %dma_wait3A_349 = tpu.memref_squeeze %dma_wait3A_348 : memref<1x80xi32, #tpu.memory_space<vmem>> -> memref<80xi32, #tpu.memory_space<vmem>>
      %dma_wait3A_350 = arith.constant 0 : i32
      %dma_wait3A_351 = arith.constant 0 : i32
      %dma_wait3A_352 = tpu.memref_slice %arg10[%dma_wait3A_350, %dma_wait3A_351] : memref<10000x64xf32, #tpu.memory_space<vmem_shared>> -> memref<10000x64xf32, #tpu.memory_space<vmem_shared>>
      tpu.wait_indirect_dma semaphore(%arg12 : memref<!tpu.dma_semaphore, #tpu.memory_space<semaphore_mem>>) src(%dma_wait3A_346 : memref<80x64xf32, #tpu.memory_space<vmem>>) dst(%dma_wait3A_352 : memref<10000x64xf32, #tpu.memory_space<vmem_shared>>)
      %add3A_353 = arith.constant 2 : i32
      %add3A_354 = arith.addi %add3A_313, %add3A_353 : i32
      %dma_start3A_355 = arith.constant 1 : i32
      %dma_start3A_356 = arith.constant 0 : i32
      %dma_start3A_357 = arith.constant 0 : i32
      %dma_start3A_358 = tpu.memref_slice %arg9[%dma_start3A_355, %dma_start3A_356, %dma_start3A_357] : memref<4x80x64xf32, #tpu.memory_space<vmem>> -> memref<1x80x64xf32, #tpu.memory_space<vmem>>
      %dma_start3A_359 = tpu.memref_squeeze %dma_start3A_358 : memref<1x80x64xf32, #tpu.memory_space<vmem>> -> memref<80x64xf32, #tpu.memory_space<vmem>>
      %dma_start3A_360 = arith.constant 0 : i32
      %dma_start3A_361 = tpu.memref_slice %arg7[%add3A_354, %dma_start3A_360] : memref<250x80xi32, #tpu.memory_space<vmem>> -> memref<1x80xi32, #tpu.memory_space<vmem>>
      %dma_start3A_362 = tpu.memref_squeeze %dma_start3A_361 : memref<1x80xi32, #tpu.memory_space<vmem>> -> memref<80xi32, #tpu.memory_space<vmem>>
      %dma_start3A_363 = arith.constant 0 : i32
      %dma_start3A_364 = arith.constant 0 : i32
      %dma_start3A_365 = tpu.memref_slice %arg2[%arg0, %dma_start3A_363, %dma_start3A_364] : memref<2x10000x64xf32, #tpu.memory_space<hbm>> -> memref<1x10000x64xf32, #tpu.memory_space<hbm>>
      %dma_start3A_366 = tpu.memref_squeeze %dma_start3A_365 : memref<1x10000x64xf32, #tpu.memory_space<hbm>> -> memref<10000x64xf32, #tpu.memory_space<hbm>>
      %dma_start3A_367 = arith.constant 0 : i32
      %dma_start3A_368 = arith.constant 0 : i32
      %dma_start3A_369 = tpu.memref_slice %dma_start3A_366[%dma_start3A_367, %dma_start3A_368] : memref<10000x64xf32, #tpu.memory_space<hbm>> -> memref<10000x64xf32, #tpu.memory_space<hbm>>
      tpu.enqueue_indirect_dma source(%dma_start3A_369 : memref<10000x64xf32, #tpu.memory_space<hbm>>) target(%dma_start3A_359 : memref<80x64xf32, #tpu.memory_space<vmem>>) offsets(%dma_start3A_362 : memref<80xi32, #tpu.memory_space<vmem>>) semaphore(%arg11 : memref<!tpu.dma_semaphore, #tpu.memory_space<semaphore_mem>>)
    }
    %scan3A_38 = arith.constant 62 : i32
    %dma_wait3A = arith.constant 248 : i32
    %dma_wait3A_39 = arith.constant 0 : i32
    %dma_wait3A_40 = arith.constant 0 : i32
    %dma_wait3A_41 = arith.constant 0 : i32
    %dma_wait3A_42 = tpu.memref_slice %arg9[%dma_wait3A_39, %dma_wait3A_40, %dma_wait3A_41] : memref<4x80x64xf32, #tpu.memory_space<vmem>> -> memref<1x80x64xf32, #tpu.memory_space<vmem>>
    %dma_wait3A_43 = tpu.memref_squeeze %dma_wait3A_42 : memref<1x80x64xf32, #tpu.memory_space<vmem>> -> memref<80x64xf32, #tpu.memory_space<vmem>>
    %dma_wait3A_44 = arith.constant 0 : i32
    %dma_wait3A_45 = tpu.memref_slice %arg7[%dma_wait3A, %dma_wait3A_44] : memref<250x80xi32, #tpu.memory_space<vmem>> -> memref<1x80xi32, #tpu.memory_space<vmem>>
    %dma_wait3A_46 = tpu.memref_squeeze %dma_wait3A_45 : memref<1x80xi32, #tpu.memory_space<vmem>> -> memref<80xi32, #tpu.memory_space<vmem>>
    %dma_wait3A_47 = arith.constant 0 : i32
    %dma_wait3A_48 = arith.constant 0 : i32
    %dma_wait3A_49 = tpu.memref_slice %arg2[%arg0, %dma_wait3A_47, %dma_wait3A_48] : memref<2x10000x64xf32, #tpu.memory_space<hbm>> -> memref<1x10000x64xf32, #tpu.memory_space<hbm>>
    %dma_wait3A_50 = tpu.memref_squeeze %dma_wait3A_49 : memref<1x10000x64xf32, #tpu.memory_space<hbm>> -> memref<10000x64xf32, #tpu.memory_space<hbm>>
    %dma_wait3A_51 = arith.constant 0 : i32
    %dma_wait3A_52 = arith.constant 0 : i32
    %dma_wait3A_53 = tpu.memref_slice %dma_wait3A_50[%dma_wait3A_51, %dma_wait3A_52] : memref<10000x64xf32, #tpu.memory_space<hbm>> -> memref<10000x64xf32, #tpu.memory_space<hbm>>
    tpu.wait_indirect_dma semaphore(%arg11 : memref<!tpu.dma_semaphore, #tpu.memory_space<semaphore_mem>>) src(%dma_wait3A_53 : memref<10000x64xf32, #tpu.memory_space<hbm>>) dst(%dma_wait3A_43 : memref<80x64xf32, #tpu.memory_space<vmem>>)
    %dma_start3A_54 = arith.constant 0 : i32
    %dma_start3A_55 = arith.constant 248 : i32
    %dma_start3A_56 = arith.constant 0 : i32
    %dma_start3A_57 = arith.constant 0 : i32
    %dma_start3A_58 = tpu.memref_slice %arg9[%dma_start3A_54, %dma_start3A_56, %dma_start3A_57] : memref<4x80x64xf32, #tpu.memory_space<vmem>> -> memref<1x80x64xf32, #tpu.memory_space<vmem>>
    %dma_start3A_59 = tpu.memref_squeeze %dma_start3A_58 : memref<1x80x64xf32, #tpu.memory_space<vmem>> -> memref<80x64xf32, #tpu.memory_space<vmem>>
    %dma_start3A_60 = arith.constant 0 : i32
    %dma_start3A_61 = tpu.memref_slice %arg8[%dma_start3A_55, %dma_start3A_60] : memref<250x80xi32, #tpu.memory_space<vmem>> -> memref<1x80xi32, #tpu.memory_space<vmem>>
    %dma_start3A_62 = tpu.memref_squeeze %dma_start3A_61 : memref<1x80xi32, #tpu.memory_space<vmem>> -> memref<80xi32, #tpu.memory_space<vmem>>
    %dma_start3A_63 = arith.constant 0 : i32
    %dma_start3A_64 = arith.constant 0 : i32
    %dma_start3A_65 = tpu.memref_slice %arg10[%dma_start3A_63, %dma_start3A_64] : memref<10000x64xf32, #tpu.memory_space<vmem_shared>> -> memref<10000x64xf32, #tpu.memory_space<vmem_shared>>
    tpu.enqueue_indirect_dma source(%dma_start3A_59 : memref<80x64xf32, #tpu.memory_space<vmem>>) target(%dma_start3A_65 : memref<10000x64xf32, #tpu.memory_space<vmem_shared>>) offsets(%dma_start3A_62 : memref<80xi32, #tpu.memory_space<vmem>>) semaphore(%arg12 : memref<!tpu.dma_semaphore, #tpu.memory_space<semaphore_mem>>) {add = true}
    %dma_wait3A_66 = arith.constant 2 : i32
    %dma_wait3A_67 = arith.constant 246 : i32
    %dma_wait3A_68 = arith.constant 0 : i32
    %dma_wait3A_69 = arith.constant 0 : i32
    %dma_wait3A_70 = tpu.memref_slice %arg9[%dma_wait3A_66, %dma_wait3A_68, %dma_wait3A_69] : memref<4x80x64xf32, #tpu.memory_space<vmem>> -> memref<1x80x64xf32, #tpu.memory_space<vmem>>
    %dma_wait3A_71 = tpu.memref_squeeze %dma_wait3A_70 : memref<1x80x64xf32, #tpu.memory_space<vmem>> -> memref<80x64xf32, #tpu.memory_space<vmem>>
    %dma_wait3A_72 = arith.constant 0 : i32
    %dma_wait3A_73 = tpu.memref_slice %arg8[%dma_wait3A_67, %dma_wait3A_72] : memref<250x80xi32, #tpu.memory_space<vmem>> -> memref<1x80xi32, #tpu.memory_space<vmem>>
    %dma_wait3A_74 = tpu.memref_squeeze %dma_wait3A_73 : memref<1x80xi32, #tpu.memory_space<vmem>> -> memref<80xi32, #tpu.memory_space<vmem>>
    %dma_wait3A_75 = arith.constant 0 : i32
    %dma_wait3A_76 = arith.constant 0 : i32
    %dma_wait3A_77 = tpu.memref_slice %arg10[%dma_wait3A_75, %dma_wait3A_76] : memref<10000x64xf32, #tpu.memory_space<vmem_shared>> -> memref<10000x64xf32, #tpu.memory_space<vmem_shared>>
    tpu.wait_indirect_dma semaphore(%arg12 : memref<!tpu.dma_semaphore, #tpu.memory_space<semaphore_mem>>) src(%dma_wait3A_71 : memref<80x64xf32, #tpu.memory_space<vmem>>) dst(%dma_wait3A_77 : memref<10000x64xf32, #tpu.memory_space<vmem_shared>>)
    %dma_wait3A_78 = arith.constant 249 : i32
    %dma_wait3A_79 = arith.constant 1 : i32
    %dma_wait3A_80 = arith.constant 0 : i32
    %dma_wait3A_81 = arith.constant 0 : i32
    %dma_wait3A_82 = tpu.memref_slice %arg9[%dma_wait3A_79, %dma_wait3A_80, %dma_wait3A_81] : memref<4x80x64xf32, #tpu.memory_space<vmem>> -> memref<1x80x64xf32, #tpu.memory_space<vmem>>
    %dma_wait3A_83 = tpu.memref_squeeze %dma_wait3A_82 : memref<1x80x64xf32, #tpu.memory_space<vmem>> -> memref<80x64xf32, #tpu.memory_space<vmem>>
    %dma_wait3A_84 = arith.constant 0 : i32
    %dma_wait3A_85 = tpu.memref_slice %arg7[%dma_wait3A_78, %dma_wait3A_84] : memref<250x80xi32, #tpu.memory_space<vmem>> -> memref<1x80xi32, #tpu.memory_space<vmem>>
    %dma_wait3A_86 = tpu.memref_squeeze %dma_wait3A_85 : memref<1x80xi32, #tpu.memory_space<vmem>> -> memref<80xi32, #tpu.memory_space<vmem>>
    %dma_wait3A_87 = arith.constant 0 : i32
    %dma_wait3A_88 = arith.constant 0 : i32
    %dma_wait3A_89 = tpu.memref_slice %arg2[%arg0, %dma_wait3A_87, %dma_wait3A_88] : memref<2x10000x64xf32, #tpu.memory_space<hbm>> -> memref<1x10000x64xf32, #tpu.memory_space<hbm>>
    %dma_wait3A_90 = tpu.memref_squeeze %dma_wait3A_89 : memref<1x10000x64xf32, #tpu.memory_space<hbm>> -> memref<10000x64xf32, #tpu.memory_space<hbm>>
    %dma_wait3A_91 = arith.constant 0 : i32
    %dma_wait3A_92 = arith.constant 0 : i32
    %dma_wait3A_93 = tpu.memref_slice %dma_wait3A_90[%dma_wait3A_91, %dma_wait3A_92] : memref<10000x64xf32, #tpu.memory_space<hbm>> -> memref<10000x64xf32, #tpu.memory_space<hbm>>
    tpu.wait_indirect_dma semaphore(%arg11 : memref<!tpu.dma_semaphore, #tpu.memory_space<semaphore_mem>>) src(%dma_wait3A_93 : memref<10000x64xf32, #tpu.memory_space<hbm>>) dst(%dma_wait3A_83 : memref<80x64xf32, #tpu.memory_space<vmem>>)
    %dma_start3A_94 = arith.constant 1 : i32
    %dma_start3A_95 = arith.constant 249 : i32
    %dma_start3A_96 = arith.constant 0 : i32
    %dma_start3A_97 = arith.constant 0 : i32
    %dma_start3A_98 = tpu.memref_slice %arg9[%dma_start3A_94, %dma_start3A_96, %dma_start3A_97] : memref<4x80x64xf32, #tpu.memory_space<vmem>> -> memref<1x80x64xf32, #tpu.memory_space<vmem>>
    %dma_start3A_99 = tpu.memref_squeeze %dma_start3A_98 : memref<1x80x64xf32, #tpu.memory_space<vmem>> -> memref<80x64xf32, #tpu.memory_space<vmem>>
    %dma_start3A_100 = arith.constant 0 : i32
    %dma_start3A_101 = tpu.memref_slice %arg8[%dma_start3A_95, %dma_start3A_100] : memref<250x80xi32, #tpu.memory_space<vmem>> -> memref<1x80xi32, #tpu.memory_space<vmem>>
    %dma_start3A_102 = tpu.memref_squeeze %dma_start3A_101 : memref<1x80xi32, #tpu.memory_space<vmem>> -> memref<80xi32, #tpu.memory_space<vmem>>
    %dma_start3A_103 = arith.constant 0 : i32
    %dma_start3A_104 = arith.constant 0 : i32
    %dma_start3A_105 = tpu.memref_slice %arg10[%dma_start3A_103, %dma_start3A_104] : memref<10000x64xf32, #tpu.memory_space<vmem_shared>> -> memref<10000x64xf32, #tpu.memory_space<vmem_shared>>
    tpu.enqueue_indirect_dma source(%dma_start3A_99 : memref<80x64xf32, #tpu.memory_space<vmem>>) target(%dma_start3A_105 : memref<10000x64xf32, #tpu.memory_space<vmem_shared>>) offsets(%dma_start3A_102 : memref<80xi32, #tpu.memory_space<vmem>>) semaphore(%arg12 : memref<!tpu.dma_semaphore, #tpu.memory_space<semaphore_mem>>) {add = true}
    %dma_wait3A_106 = arith.constant 3 : i32
    %dma_wait3A_107 = arith.constant 247 : i32
    %dma_wait3A_108 = arith.constant 0 : i32
    %dma_wait3A_109 = arith.constant 0 : i32
    %dma_wait3A_110 = tpu.memref_slice %arg9[%dma_wait3A_106, %dma_wait3A_108, %dma_wait3A_109] : memref<4x80x64xf32, #tpu.memory_space<vmem>> -> memref<1x80x64xf32, #tpu.memory_space<vmem>>
    %dma_wait3A_111 = tpu.memref_squeeze %dma_wait3A_110 : memref<1x80x64xf32, #tpu.memory_space<vmem>> -> memref<80x64xf32, #tpu.memory_space<vmem>>
    %dma_wait3A_112 = arith.constant 0 : i32
    %dma_wait3A_113 = tpu.memref_slice %arg8[%dma_wait3A_107, %dma_wait3A_112] : memref<250x80xi32, #tpu.memory_space<vmem>> -> memref<1x80xi32, #tpu.memory_space<vmem>>
    %dma_wait3A_114 = tpu.memref_squeeze %dma_wait3A_113 : memref<1x80xi32, #tpu.memory_space<vmem>> -> memref<80xi32, #tpu.memory_space<vmem>>
    %dma_wait3A_115 = arith.constant 0 : i32
    %dma_wait3A_116 = arith.constant 0 : i32
    %dma_wait3A_117 = tpu.memref_slice %arg10[%dma_wait3A_115, %dma_wait3A_116] : memref<10000x64xf32, #tpu.memory_space<vmem_shared>> -> memref<10000x64xf32, #tpu.memory_space<vmem_shared>>
    tpu.wait_indirect_dma semaphore(%arg12 : memref<!tpu.dma_semaphore, #tpu.memory_space<semaphore_mem>>) src(%dma_wait3A_111 : memref<80x64xf32, #tpu.memory_space<vmem>>) dst(%dma_wait3A_117 : memref<10000x64xf32, #tpu.memory_space<vmem_shared>>)
    %dma_wait3A_118 = arith.constant 0 : i32
    %dma_wait3A_119 = arith.constant 248 : i32
    %dma_wait3A_120 = arith.constant 0 : i32
    %dma_wait3A_121 = arith.constant 0 : i32
    %dma_wait3A_122 = tpu.memref_slice %arg9[%dma_wait3A_118, %dma_wait3A_120, %dma_wait3A_121] : memref<4x80x64xf32, #tpu.memory_space<vmem>> -> memref<1x80x64xf32, #tpu.memory_space<vmem>>
    %dma_wait3A_123 = tpu.memref_squeeze %dma_wait3A_122 : memref<1x80x64xf32, #tpu.memory_space<vmem>> -> memref<80x64xf32, #tpu.memory_space<vmem>>
    %dma_wait3A_124 = arith.constant 0 : i32
    %dma_wait3A_125 = tpu.memref_slice %arg8[%dma_wait3A_119, %dma_wait3A_124] : memref<250x80xi32, #tpu.memory_space<vmem>> -> memref<1x80xi32, #tpu.memory_space<vmem>>
    %dma_wait3A_126 = tpu.memref_squeeze %dma_wait3A_125 : memref<1x80xi32, #tpu.memory_space<vmem>> -> memref<80xi32, #tpu.memory_space<vmem>>
    %dma_wait3A_127 = arith.constant 0 : i32
    %dma_wait3A_128 = arith.constant 0 : i32
    %dma_wait3A_129 = tpu.memref_slice %arg10[%dma_wait3A_127, %dma_wait3A_128] : memref<10000x64xf32, #tpu.memory_space<vmem_shared>> -> memref<10000x64xf32, #tpu.memory_space<vmem_shared>>
    tpu.wait_indirect_dma semaphore(%arg12 : memref<!tpu.dma_semaphore, #tpu.memory_space<semaphore_mem>>) src(%dma_wait3A_123 : memref<80x64xf32, #tpu.memory_space<vmem>>) dst(%dma_wait3A_129 : memref<10000x64xf32, #tpu.memory_space<vmem_shared>>)
    %dma_wait3A_130 = arith.constant 1 : i32
    %dma_wait3A_131 = arith.constant 249 : i32
    %dma_wait3A_132 = arith.constant 0 : i32
    %dma_wait3A_133 = arith.constant 0 : i32
    %dma_wait3A_134 = tpu.memref_slice %arg9[%dma_wait3A_130, %dma_wait3A_132, %dma_wait3A_133] : memref<4x80x64xf32, #tpu.memory_space<vmem>> -> memref<1x80x64xf32, #tpu.memory_space<vmem>>
    %dma_wait3A_135 = tpu.memref_squeeze %dma_wait3A_134 : memref<1x80x64xf32, #tpu.memory_space<vmem>> -> memref<80x64xf32, #tpu.memory_space<vmem>>
    %dma_wait3A_136 = arith.constant 0 : i32
    %dma_wait3A_137 = tpu.memref_slice %arg8[%dma_wait3A_131, %dma_wait3A_136] : memref<250x80xi32, #tpu.memory_space<vmem>> -> memref<1x80xi32, #tpu.memory_space<vmem>>
    %dma_wait3A_138 = tpu.memref_squeeze %dma_wait3A_137 : memref<1x80xi32, #tpu.memory_space<vmem>> -> memref<80xi32, #tpu.memory_space<vmem>>
    %dma_wait3A_139 = arith.constant 0 : i32
    %dma_wait3A_140 = arith.constant 0 : i32
    %dma_wait3A_141 = tpu.memref_slice %arg10[%dma_wait3A_139, %dma_wait3A_140] : memref<10000x64xf32, #tpu.memory_space<vmem_shared>> -> memref<10000x64xf32, #tpu.memory_space<vmem_shared>>
    tpu.wait_indirect_dma semaphore(%arg12 : memref<!tpu.dma_semaphore, #tpu.memory_space<semaphore_mem>>) src(%dma_wait3A_135 : memref<80x64xf32, #tpu.memory_space<vmem>>) dst(%dma_wait3A_141 : memref<10000x64xf32, #tpu.memory_space<vmem_shared>>)
    %barrier3A_142 = arith.constant 0 : index
    tpu.barrier barrier_id(%barrier3A_142)
    "tpu.region"() ({
      %run_scoped3A = tpu.sem_alloc : memref<!tpu.dma_semaphore, #tpu.memory_space<semaphore_mem>>
      %dma_start3A_148 = arith.constant 0 : i32
      %dma_start3A_149 = tpu.memref_slice %arg6[%arg0, %mul3A_0, %dma_start3A_148] : memref<2x10000x64xf32, #tpu.memory_space<hbm>> -> memref<1x624x64xf32, #tpu.memory_space<hbm>>
      %dma_start3A_150 = tpu.memref_squeeze %dma_start3A_149 : memref<1x624x64xf32, #tpu.memory_space<hbm>> -> memref<624x64xf32, #tpu.memory_space<hbm>>
      %dma_start3A_151 = arith.constant 0 : i32
      %dma_start3A_152 = tpu.memref_slice %arg10[%mul3A_0, %dma_start3A_151] : memref<10000x64xf32, #tpu.memory_space<vmem_shared>> -> memref<624x64xf32, #tpu.memory_space<vmem_shared>>
      tpu.enqueue_dma source(%dma_start3A_152 : memref<624x64xf32, #tpu.memory_space<vmem_shared>>) target(%dma_start3A_150 : memref<624x64xf32, #tpu.memory_space<hbm>>) target_semaphore(%run_scoped3A : memref<!tpu.dma_semaphore, #tpu.memory_space<semaphore_mem>>)
      %dma_wait3A_153 = arith.constant 0 : i32
      %dma_wait3A_154 = tpu.memref_slice %arg6[%arg0, %mul3A_0, %dma_wait3A_153] : memref<2x10000x64xf32, #tpu.memory_space<hbm>> -> memref<1x624x64xf32, #tpu.memory_space<hbm>>
      %dma_wait3A_155 = tpu.memref_squeeze %dma_wait3A_154 : memref<1x624x64xf32, #tpu.memory_space<hbm>> -> memref<624x64xf32, #tpu.memory_space<hbm>>
      %dma_wait3A_156 = arith.constant 0 : i32
      %dma_wait3A_157 = tpu.memref_slice %arg10[%mul3A_0, %dma_wait3A_156] : memref<10000x64xf32, #tpu.memory_space<vmem_shared>> -> memref<624x64xf32, #tpu.memory_space<vmem_shared>>
      tpu.wait_dma2 semaphore(%run_scoped3A : memref<!tpu.dma_semaphore, #tpu.memory_space<semaphore_mem>>) src(%dma_wait3A_157 : memref<624x64xf32, #tpu.memory_space<vmem_shared>>) dst(%dma_wait3A_155 : memref<624x64xf32, #tpu.memory_space<hbm>>)
      tpu.yield
    }) : () -> ()
    %eq3A_143 = arith.constant 0 : i32
    %eq3A_144 = arith.cmpi eq, %arg1, %eq3A_143 : i32
    %convert_element_type3A_145 = arith.extui %eq3A_144 : i1 to i32
    %cond3A_146 = arith.constant 0 : i32
    %cond3A_147 = arith.cmpi ne, %convert_element_type3A_145, %cond3A_146 : i32
    scf.if %cond3A_147 {
      "tpu.region"() ({
        %run_scoped3A = tpu.sem_alloc : memref<!tpu.dma_semaphore, #tpu.memory_space<semaphore_mem>>
        %dma_start3A_148 = arith.constant 9984 : i32
        %dma_start3A_149 = arith.constant 0 : i32
        %dma_start3A_150 = tpu.memref_slice %arg6[%arg0, %dma_start3A_148, %dma_start3A_149] : memref<2x10000x64xf32, #tpu.memory_space<hbm>> -> memref<1x16x64xf32, #tpu.memory_space<hbm>>
        %dma_start3A_151 = tpu.memref_squeeze %dma_start3A_150 : memref<1x16x64xf32, #tpu.memory_space<hbm>> -> memref<16x64xf32, #tpu.memory_space<hbm>>
        %dma_start3A_152 = arith.constant 9984 : i32
        %dma_start3A_153 = arith.constant 0 : i32
        %dma_start3A_154 = tpu.memref_slice %arg10[%dma_start3A_152, %dma_start3A_153] : memref<10000x64xf32, #tpu.memory_space<vmem_shared>> -> memref<16x64xf32, #tpu.memory_space<vmem_shared>>
        tpu.enqueue_dma source(%dma_start3A_154 : memref<16x64xf32, #tpu.memory_space<vmem_shared>>) target(%dma_start3A_151 : memref<16x64xf32, #tpu.memory_space<hbm>>) target_semaphore(%run_scoped3A : memref<!tpu.dma_semaphore, #tpu.memory_space<semaphore_mem>>)
        %dma_wait3A_155 = arith.constant 9984 : i32
        %dma_wait3A_156 = arith.constant 0 : i32
        %dma_wait3A_157 = tpu.memref_slice %arg6[%arg0, %dma_wait3A_155, %dma_wait3A_156] : memref<2x10000x64xf32, #tpu.memory_space<hbm>> -> memref<1x16x64xf32, #tpu.memory_space<hbm>>
        %dma_wait3A_158 = tpu.memref_squeeze %dma_wait3A_157 : memref<1x16x64xf32, #tpu.memory_space<hbm>> -> memref<16x64xf32, #tpu.memory_space<hbm>>
        %dma_wait3A_159 = arith.constant 9984 : i32
        %dma_wait3A_160 = arith.constant 0 : i32
        %dma_wait3A_161 = tpu.memref_slice %arg10[%dma_wait3A_159, %dma_wait3A_160] : memref<10000x64xf32, #tpu.memory_space<vmem_shared>> -> memref<16x64xf32, #tpu.memory_space<vmem_shared>>
        tpu.wait_dma2 semaphore(%run_scoped3A : memref<!tpu.dma_semaphore, #tpu.memory_space<semaphore_mem>>) src(%dma_wait3A_161 : memref<16x64xf32, #tpu.memory_space<vmem_shared>>) dst(%dma_wait3A_158 : memref<16x64xf32, #tpu.memory_space<hbm>>)
        tpu.yield
      }) : () -> ()
    } else {
    }
    return
  }
}

#map = affine_map<(d0, d1) -> (0, 0, 0)>
#map1 = affine_map<(d0, d1) -> (0, 0)>
#map2 = affine_map<(d0, d1) -> (0, 0, 0, 0)>
module attributes {stable_mosaic.version = 14 : i64} {
  func.func @_sc_degrees(%arg0: i32, %arg1: i32, %arg2: memref<16x250x80xi32, #tpu.memory_space<hbm>>, %arg3: memref<16x250x80xi32, #tpu.memory_space<hbm>>, %arg4: memref<80x16xf32, #tpu.memory_space<hbm>>, %arg5: memref<624x16xf32, #tpu.memory_space<hbm>>, %arg6: memref<2x2x10000x16xf32, #tpu.memory_space<hbm>>, %arg7: memref<125x80xi32, #tpu.memory_space<vmem>>, %arg8: memref<125x80xi32, #tpu.memory_space<vmem>>, %arg9: memref<80x16xf32, #tpu.memory_space<vmem>>, %arg10: memref<10000x16xf32, #tpu.memory_space<vmem_shared>>, %arg11: memref<10000x16xf32, #tpu.memory_space<vmem_shared>>, %arg12: memref<!tpu.dma_semaphore, #tpu.memory_space<semaphore_mem>>) attributes {dimension_semantics = [#tpu.dimension_semantics<core_parallel>, #tpu.dimension_semantics<subcore_parallel>], iteration_bounds = array<i64: 2, 16>, scalar_prefetch = 0 : i64, scratch_operands = 6 : i64, tpu.core_type = #tpu.core_type<sc_vector_subcore>, window_params = [{transform_indices = #map}, {transform_indices = #map}, {transform_indices = #map1}, {transform_indices = #map1}, {transform_indices = #map2}]} {
    %mul3A = arith.constant 125 : i32
    %mul3A_0 = arith.muli %arg0, %mul3A : i32
    "tpu.region"() ({
      %run_scoped3A_25 = tpu.sem_alloc : memref<!tpu.dma_semaphore, #tpu.memory_space<semaphore_mem>>
      %dma_start3A = arith.constant 0 : i32
      %dma_start3A_26 = tpu.memref_slice %arg2[%arg1, %mul3A_0, %dma_start3A] : memref<16x250x80xi32, #tpu.memory_space<hbm>> -> memref<1x125x80xi32, #tpu.memory_space<hbm>>
      %dma_start3A_27 = tpu.memref_squeeze %dma_start3A_26 : memref<1x125x80xi32, #tpu.memory_space<hbm>> -> memref<125x80xi32, #tpu.memory_space<hbm>>
      %dma_start3A_28 = arith.constant 0 : i32
      %dma_start3A_29 = tpu.memref_slice %arg2[%arg1, %mul3A_0, %dma_start3A_28] : memref<16x250x80xi32, #tpu.memory_space<hbm>> -> memref<1x125x80xi32, #tpu.memory_space<hbm>>
      %dma_start3A_30 = tpu.memref_squeeze %dma_start3A_29 : memref<1x125x80xi32, #tpu.memory_space<hbm>> -> memref<125x80xi32, #tpu.memory_space<hbm>>
      tpu.enqueue_dma source(%dma_start3A_30 : memref<125x80xi32, #tpu.memory_space<hbm>>) target(%arg7 : memref<125x80xi32, #tpu.memory_space<vmem>>) target_semaphore(%run_scoped3A_25 : memref<!tpu.dma_semaphore, #tpu.memory_space<semaphore_mem>>)
      %dma_wait3A = arith.constant 0 : i32
      %dma_wait3A_31 = tpu.memref_slice %arg2[%arg1, %mul3A_0, %dma_wait3A] : memref<16x250x80xi32, #tpu.memory_space<hbm>> -> memref<1x125x80xi32, #tpu.memory_space<hbm>>
      %dma_wait3A_32 = tpu.memref_squeeze %dma_wait3A_31 : memref<1x125x80xi32, #tpu.memory_space<hbm>> -> memref<125x80xi32, #tpu.memory_space<hbm>>
      %dma_wait3A_33 = arith.constant 0 : i32
      %dma_wait3A_34 = tpu.memref_slice %arg2[%arg1, %mul3A_0, %dma_wait3A_33] : memref<16x250x80xi32, #tpu.memory_space<hbm>> -> memref<1x125x80xi32, #tpu.memory_space<hbm>>
      %dma_wait3A_35 = tpu.memref_squeeze %dma_wait3A_34 : memref<1x125x80xi32, #tpu.memory_space<hbm>> -> memref<125x80xi32, #tpu.memory_space<hbm>>
      tpu.wait_dma2 semaphore(%run_scoped3A_25 : memref<!tpu.dma_semaphore, #tpu.memory_space<semaphore_mem>>) src(%dma_wait3A_35 : memref<125x80xi32, #tpu.memory_space<hbm>>) dst(%arg7 : memref<125x80xi32, #tpu.memory_space<vmem>>)
      tpu.yield
    }) : () -> ()
    %mul3A_1 = arith.constant 125 : i32
    %mul3A_2 = arith.muli %arg0, %mul3A_1 : i32
    "tpu.region"() ({
      %run_scoped3A_25 = tpu.sem_alloc : memref<!tpu.dma_semaphore, #tpu.memory_space<semaphore_mem>>
      %dma_start3A = arith.constant 0 : i32
      %dma_start3A_26 = tpu.memref_slice %arg3[%arg1, %mul3A_2, %dma_start3A] : memref<16x250x80xi32, #tpu.memory_space<hbm>> -> memref<1x125x80xi32, #tpu.memory_space<hbm>>
      %dma_start3A_27 = tpu.memref_squeeze %dma_start3A_26 : memref<1x125x80xi32, #tpu.memory_space<hbm>> -> memref<125x80xi32, #tpu.memory_space<hbm>>
      %dma_start3A_28 = arith.constant 0 : i32
      %dma_start3A_29 = tpu.memref_slice %arg3[%arg1, %mul3A_2, %dma_start3A_28] : memref<16x250x80xi32, #tpu.memory_space<hbm>> -> memref<1x125x80xi32, #tpu.memory_space<hbm>>
      %dma_start3A_30 = tpu.memref_squeeze %dma_start3A_29 : memref<1x125x80xi32, #tpu.memory_space<hbm>> -> memref<125x80xi32, #tpu.memory_space<hbm>>
      tpu.enqueue_dma source(%dma_start3A_30 : memref<125x80xi32, #tpu.memory_space<hbm>>) target(%arg8 : memref<125x80xi32, #tpu.memory_space<vmem>>) target_semaphore(%run_scoped3A_25 : memref<!tpu.dma_semaphore, #tpu.memory_space<semaphore_mem>>)
      %dma_wait3A = arith.constant 0 : i32
      %dma_wait3A_31 = tpu.memref_slice %arg3[%arg1, %mul3A_2, %dma_wait3A] : memref<16x250x80xi32, #tpu.memory_space<hbm>> -> memref<1x125x80xi32, #tpu.memory_space<hbm>>
      %dma_wait3A_32 = tpu.memref_squeeze %dma_wait3A_31 : memref<1x125x80xi32, #tpu.memory_space<hbm>> -> memref<125x80xi32, #tpu.memory_space<hbm>>
      %dma_wait3A_33 = arith.constant 0 : i32
      %dma_wait3A_34 = tpu.memref_slice %arg3[%arg1, %mul3A_2, %dma_wait3A_33] : memref<16x250x80xi32, #tpu.memory_space<hbm>> -> memref<1x125x80xi32, #tpu.memory_space<hbm>>
      %dma_wait3A_35 = tpu.memref_squeeze %dma_wait3A_34 : memref<1x125x80xi32, #tpu.memory_space<hbm>> -> memref<125x80xi32, #tpu.memory_space<hbm>>
      tpu.wait_dma2 semaphore(%run_scoped3A_25 : memref<!tpu.dma_semaphore, #tpu.memory_space<semaphore_mem>>) src(%dma_wait3A_35 : memref<125x80xi32, #tpu.memory_space<hbm>>) dst(%arg8 : memref<125x80xi32, #tpu.memory_space<vmem>>)
      tpu.yield
    }) : () -> ()
    "tpu.region"() ({
      %run_scoped3A_25 = tpu.sem_alloc : memref<!tpu.dma_semaphore, #tpu.memory_space<semaphore_mem>>
      tpu.enqueue_dma source(%arg4 : memref<80x16xf32, #tpu.memory_space<hbm>>) target(%arg9 : memref<80x16xf32, #tpu.memory_space<vmem>>) target_semaphore(%run_scoped3A_25 : memref<!tpu.dma_semaphore, #tpu.memory_space<semaphore_mem>>)
      tpu.wait_dma2 semaphore(%run_scoped3A_25 : memref<!tpu.dma_semaphore, #tpu.memory_space<semaphore_mem>>) src(%arg4 : memref<80x16xf32, #tpu.memory_space<hbm>>) dst(%arg9 : memref<80x16xf32, #tpu.memory_space<vmem>>)
      tpu.yield
    }) : () -> ()
    %mul3A_3 = arith.constant 624 : i32
    %mul3A_4 = arith.muli %arg1, %mul3A_3 : i32
    "tpu.region"() ({
      %run_scoped3A_25 = tpu.sem_alloc : memref<!tpu.dma_semaphore, #tpu.memory_space<semaphore_mem>>
      %dma_start3A = arith.constant 0 : i32
      %dma_start3A_26 = tpu.memref_slice %arg10[%mul3A_4, %dma_start3A] : memref<10000x16xf32, #tpu.memory_space<vmem_shared>> -> memref<624x16xf32, #tpu.memory_space<vmem_shared>>
      tpu.enqueue_dma source(%arg5 : memref<624x16xf32, #tpu.memory_space<hbm>>) target(%dma_start3A_26 : memref<624x16xf32, #tpu.memory_space<vmem_shared>>) target_semaphore(%run_scoped3A_25 : memref<!tpu.dma_semaphore, #tpu.memory_space<semaphore_mem>>)
      %dma_wait3A = arith.constant 0 : i32
      %dma_wait3A_27 = tpu.memref_slice %arg10[%mul3A_4, %dma_wait3A] : memref<10000x16xf32, #tpu.memory_space<vmem_shared>> -> memref<624x16xf32, #tpu.memory_space<vmem_shared>>
      tpu.wait_dma2 semaphore(%run_scoped3A_25 : memref<!tpu.dma_semaphore, #tpu.memory_space<semaphore_mem>>) src(%arg5 : memref<624x16xf32, #tpu.memory_space<hbm>>) dst(%dma_wait3A_27 : memref<624x16xf32, #tpu.memory_space<vmem_shared>>)
      tpu.yield
    }) : () -> ()
    "tpu.region"() ({
      %run_scoped3A_25 = tpu.sem_alloc : memref<!tpu.dma_semaphore, #tpu.memory_space<semaphore_mem>>
      %dma_start3A = arith.constant 0 : i32
      %dma_start3A_26 = tpu.memref_slice %arg11[%mul3A_4, %dma_start3A] : memref<10000x16xf32, #tpu.memory_space<vmem_shared>> -> memref<624x16xf32, #tpu.memory_space<vmem_shared>>
      tpu.enqueue_dma source(%arg5 : memref<624x16xf32, #tpu.memory_space<hbm>>) target(%dma_start3A_26 : memref<624x16xf32, #tpu.memory_space<vmem_shared>>) target_semaphore(%run_scoped3A_25 : memref<!tpu.dma_semaphore, #tpu.memory_space<semaphore_mem>>)
      %dma_wait3A = arith.constant 0 : i32
      %dma_wait3A_27 = tpu.memref_slice %arg11[%mul3A_4, %dma_wait3A] : memref<10000x16xf32, #tpu.memory_space<vmem_shared>> -> memref<624x16xf32, #tpu.memory_space<vmem_shared>>
      tpu.wait_dma2 semaphore(%run_scoped3A_25 : memref<!tpu.dma_semaphore, #tpu.memory_space<semaphore_mem>>) src(%arg5 : memref<624x16xf32, #tpu.memory_space<hbm>>) dst(%dma_wait3A_27 : memref<624x16xf32, #tpu.memory_space<vmem_shared>>)
      tpu.yield
    }) : () -> ()
    %eq3A = arith.constant 0 : i32
    %eq3A_5 = arith.cmpi eq, %arg1, %eq3A : i32
    %convert_element_type3A = arith.extui %eq3A_5 : i1 to i32
    %cond3A = arith.constant 0 : i32
    %cond3A_6 = arith.cmpi ne, %convert_element_type3A, %cond3A : i32
    scf.if %cond3A_6 {
      "tpu.region"() ({
        %run_scoped3A_25 = tpu.sem_alloc : memref<!tpu.dma_semaphore, #tpu.memory_space<semaphore_mem>>
        %dma_start3A = arith.constant 9984 : i32
        %dma_start3A_26 = arith.constant 0 : i32
        %dma_start3A_27 = tpu.memref_slice %arg10[%dma_start3A, %dma_start3A_26] : memref<10000x16xf32, #tpu.memory_space<vmem_shared>> -> memref<16x16xf32, #tpu.memory_space<vmem_shared>>
        %dma_start3A_28 = arith.constant 0 : i32
        %dma_start3A_29 = arith.constant 0 : i32
        %dma_start3A_30 = tpu.memref_slice %arg5[%dma_start3A_28, %dma_start3A_29] : memref<624x16xf32, #tpu.memory_space<hbm>> -> memref<16x16xf32, #tpu.memory_space<hbm>>
        tpu.enqueue_dma source(%dma_start3A_30 : memref<16x16xf32, #tpu.memory_space<hbm>>) target(%dma_start3A_27 : memref<16x16xf32, #tpu.memory_space<vmem_shared>>) target_semaphore(%run_scoped3A_25 : memref<!tpu.dma_semaphore, #tpu.memory_space<semaphore_mem>>)
        %dma_wait3A = arith.constant 9984 : i32
        %dma_wait3A_31 = arith.constant 0 : i32
        %dma_wait3A_32 = tpu.memref_slice %arg10[%dma_wait3A, %dma_wait3A_31] : memref<10000x16xf32, #tpu.memory_space<vmem_shared>> -> memref<16x16xf32, #tpu.memory_space<vmem_shared>>
        %dma_wait3A_33 = arith.constant 0 : i32
        %dma_wait3A_34 = arith.constant 0 : i32
        %dma_wait3A_35 = tpu.memref_slice %arg5[%dma_wait3A_33, %dma_wait3A_34] : memref<624x16xf32, #tpu.memory_space<hbm>> -> memref<16x16xf32, #tpu.memory_space<hbm>>
        tpu.wait_dma2 semaphore(%run_scoped3A_25 : memref<!tpu.dma_semaphore, #tpu.memory_space<semaphore_mem>>) src(%dma_wait3A_35 : memref<16x16xf32, #tpu.memory_space<hbm>>) dst(%dma_wait3A_32 : memref<16x16xf32, #tpu.memory_space<vmem_shared>>)
        tpu.yield
      }) : () -> ()
      "tpu.region"() ({
        %run_scoped3A_25 = tpu.sem_alloc : memref<!tpu.dma_semaphore, #tpu.memory_space<semaphore_mem>>
        %dma_start3A = arith.constant 9984 : i32
        %dma_start3A_26 = arith.constant 0 : i32
        %dma_start3A_27 = tpu.memref_slice %arg11[%dma_start3A, %dma_start3A_26] : memref<10000x16xf32, #tpu.memory_space<vmem_shared>> -> memref<16x16xf32, #tpu.memory_space<vmem_shared>>
        %dma_start3A_28 = arith.constant 0 : i32
        %dma_start3A_29 = arith.constant 0 : i32
        %dma_start3A_30 = tpu.memref_slice %arg5[%dma_start3A_28, %dma_start3A_29] : memref<624x16xf32, #tpu.memory_space<hbm>> -> memref<16x16xf32, #tpu.memory_space<hbm>>
        tpu.enqueue_dma source(%dma_start3A_30 : memref<16x16xf32, #tpu.memory_space<hbm>>) target(%dma_start3A_27 : memref<16x16xf32, #tpu.memory_space<vmem_shared>>) target_semaphore(%run_scoped3A_25 : memref<!tpu.dma_semaphore, #tpu.memory_space<semaphore_mem>>)
        %dma_wait3A = arith.constant 9984 : i32
        %dma_wait3A_31 = arith.constant 0 : i32
        %dma_wait3A_32 = tpu.memref_slice %arg11[%dma_wait3A, %dma_wait3A_31] : memref<10000x16xf32, #tpu.memory_space<vmem_shared>> -> memref<16x16xf32, #tpu.memory_space<vmem_shared>>
        %dma_wait3A_33 = arith.constant 0 : i32
        %dma_wait3A_34 = arith.constant 0 : i32
        %dma_wait3A_35 = tpu.memref_slice %arg5[%dma_wait3A_33, %dma_wait3A_34] : memref<624x16xf32, #tpu.memory_space<hbm>> -> memref<16x16xf32, #tpu.memory_space<hbm>>
        tpu.wait_dma2 semaphore(%run_scoped3A_25 : memref<!tpu.dma_semaphore, #tpu.memory_space<semaphore_mem>>) src(%dma_wait3A_35 : memref<16x16xf32, #tpu.memory_space<hbm>>) dst(%dma_wait3A_32 : memref<16x16xf32, #tpu.memory_space<vmem_shared>>)
        tpu.yield
      }) : () -> ()
    } else {
    }
    %barrier3A = arith.constant 0 : index
    tpu.barrier barrier_id(%barrier3A)
    %scan3A = arith.constant 0 : i32
    %scan3A_7 = arith.constant 0 : i32
    %scan3A_8 = arith.constant 125 : i32
    %scan3A_9 = arith.addi %scan3A_7, %scan3A_8 : i32
    %scan3A_10 = arith.constant 1 : i32
    scf.for %scan3A_25 = %scan3A_7 to %scan3A_9 step %scan3A_10  : i32 {
      %dma_start3A = arith.constant 0 : i32
      %dma_start3A_26 = tpu.memref_slice %arg7[%scan3A_25, %dma_start3A] : memref<125x80xi32, #tpu.memory_space<vmem>> -> memref<1x80xi32, #tpu.memory_space<vmem>>
      %dma_start3A_27 = tpu.memref_squeeze %dma_start3A_26 : memref<1x80xi32, #tpu.memory_space<vmem>> -> memref<80xi32, #tpu.memory_space<vmem>>
      %dma_start3A_28 = arith.constant 0 : i32
      %dma_start3A_29 = arith.constant 0 : i32
      %dma_start3A_30 = tpu.memref_slice %arg10[%dma_start3A_28, %dma_start3A_29] : memref<10000x16xf32, #tpu.memory_space<vmem_shared>> -> memref<10000x16xf32, #tpu.memory_space<vmem_shared>>
      tpu.enqueue_indirect_dma source(%arg9 : memref<80x16xf32, #tpu.memory_space<vmem>>) target(%dma_start3A_30 : memref<10000x16xf32, #tpu.memory_space<vmem_shared>>) offsets(%dma_start3A_27 : memref<80xi32, #tpu.memory_space<vmem>>) semaphore(%arg12 : memref<!tpu.dma_semaphore, #tpu.memory_space<semaphore_mem>>) {add = true}
      %dma_start3A_31 = arith.constant 0 : i32
      %dma_start3A_32 = tpu.memref_slice %arg8[%scan3A_25, %dma_start3A_31] : memref<125x80xi32, #tpu.memory_space<vmem>> -> memref<1x80xi32, #tpu.memory_space<vmem>>
      %dma_start3A_33 = tpu.memref_squeeze %dma_start3A_32 : memref<1x80xi32, #tpu.memory_space<vmem>> -> memref<80xi32, #tpu.memory_space<vmem>>
      %dma_start3A_34 = arith.constant 0 : i32
      %dma_start3A_35 = arith.constant 0 : i32
      %dma_start3A_36 = tpu.memref_slice %arg11[%dma_start3A_34, %dma_start3A_35] : memref<10000x16xf32, #tpu.memory_space<vmem_shared>> -> memref<10000x16xf32, #tpu.memory_space<vmem_shared>>
      tpu.enqueue_indirect_dma source(%arg9 : memref<80x16xf32, #tpu.memory_space<vmem>>) target(%dma_start3A_36 : memref<10000x16xf32, #tpu.memory_space<vmem_shared>>) offsets(%dma_start3A_33 : memref<80xi32, #tpu.memory_space<vmem>>) semaphore(%arg12 : memref<!tpu.dma_semaphore, #tpu.memory_space<semaphore_mem>>) {add = true}
    }
    %scan3A_11 = arith.constant 125 : i32
    %scan3A_12 = arith.constant 0 : i32
    %scan3A_13 = arith.constant 0 : i32
    %scan3A_14 = arith.constant 125 : i32
    %scan3A_15 = arith.addi %scan3A_13, %scan3A_14 : i32
    %scan3A_16 = arith.constant 1 : i32
    scf.for %scan3A_25 = %scan3A_13 to %scan3A_15 step %scan3A_16  : i32 {
      %dma_wait3A = arith.constant 0 : i32
      %dma_wait3A_26 = tpu.memref_slice %arg7[%scan3A_25, %dma_wait3A] : memref<125x80xi32, #tpu.memory_space<vmem>> -> memref<1x80xi32, #tpu.memory_space<vmem>>
      %dma_wait3A_27 = tpu.memref_squeeze %dma_wait3A_26 : memref<1x80xi32, #tpu.memory_space<vmem>> -> memref<80xi32, #tpu.memory_space<vmem>>
      %dma_wait3A_28 = arith.constant 0 : i32
      %dma_wait3A_29 = arith.constant 0 : i32
      %dma_wait3A_30 = tpu.memref_slice %arg10[%dma_wait3A_28, %dma_wait3A_29] : memref<10000x16xf32, #tpu.memory_space<vmem_shared>> -> memref<10000x16xf32, #tpu.memory_space<vmem_shared>>
      tpu.wait_indirect_dma semaphore(%arg12 : memref<!tpu.dma_semaphore, #tpu.memory_space<semaphore_mem>>) src(%arg9 : memref<80x16xf32, #tpu.memory_space<vmem>>) dst(%dma_wait3A_30 : memref<10000x16xf32, #tpu.memory_space<vmem_shared>>)
      %dma_wait3A_31 = arith.constant 0 : i32
      %dma_wait3A_32 = tpu.memref_slice %arg8[%scan3A_25, %dma_wait3A_31] : memref<125x80xi32, #tpu.memory_space<vmem>> -> memref<1x80xi32, #tpu.memory_space<vmem>>
      %dma_wait3A_33 = tpu.memref_squeeze %dma_wait3A_32 : memref<1x80xi32, #tpu.memory_space<vmem>> -> memref<80xi32, #tpu.memory_space<vmem>>
      %dma_wait3A_34 = arith.constant 0 : i32
      %dma_wait3A_35 = arith.constant 0 : i32
      %dma_wait3A_36 = tpu.memref_slice %arg11[%dma_wait3A_34, %dma_wait3A_35] : memref<10000x16xf32, #tpu.memory_space<vmem_shared>> -> memref<10000x16xf32, #tpu.memory_space<vmem_shared>>
      tpu.wait_indirect_dma semaphore(%arg12 : memref<!tpu.dma_semaphore, #tpu.memory_space<semaphore_mem>>) src(%arg9 : memref<80x16xf32, #tpu.memory_space<vmem>>) dst(%dma_wait3A_36 : memref<10000x16xf32, #tpu.memory_space<vmem_shared>>)
    }
    %scan3A_17 = arith.constant 125 : i32
    %barrier3A_18 = arith.constant 0 : index
    tpu.barrier barrier_id(%barrier3A_18)
    %run_scoped3A = arith.constant 0 : i32
    "tpu.region"() ({
      %run_scoped3A_25 = tpu.sem_alloc : memref<!tpu.dma_semaphore, #tpu.memory_space<semaphore_mem>>
      %dma_start3A = arith.constant 0 : i32
      %dma_start3A_26 = tpu.memref_slice %arg6[%arg0, %run_scoped3A, %mul3A_4, %dma_start3A] : memref<2x2x10000x16xf32, #tpu.memory_space<hbm>> -> memref<1x1x624x16xf32, #tpu.memory_space<hbm>>
      %dma_start3A_27 = tpu.memref_squeeze %dma_start3A_26 : memref<1x1x624x16xf32, #tpu.memory_space<hbm>> -> memref<624x16xf32, #tpu.memory_space<hbm>>
      %dma_start3A_28 = arith.constant 0 : i32
      %dma_start3A_29 = tpu.memref_slice %arg10[%mul3A_4, %dma_start3A_28] : memref<10000x16xf32, #tpu.memory_space<vmem_shared>> -> memref<624x16xf32, #tpu.memory_space<vmem_shared>>
      tpu.enqueue_dma source(%dma_start3A_29 : memref<624x16xf32, #tpu.memory_space<vmem_shared>>) target(%dma_start3A_27 : memref<624x16xf32, #tpu.memory_space<hbm>>) target_semaphore(%run_scoped3A_25 : memref<!tpu.dma_semaphore, #tpu.memory_space<semaphore_mem>>)
      %dma_wait3A = arith.constant 0 : i32
      %dma_wait3A_30 = tpu.memref_slice %arg6[%arg0, %run_scoped3A, %mul3A_4, %dma_wait3A] : memref<2x2x10000x16xf32, #tpu.memory_space<hbm>> -> memref<1x1x624x16xf32, #tpu.memory_space<hbm>>
      %dma_wait3A_31 = tpu.memref_squeeze %dma_wait3A_30 : memref<1x1x624x16xf32, #tpu.memory_space<hbm>> -> memref<624x16xf32, #tpu.memory_space<hbm>>
      %dma_wait3A_32 = arith.constant 0 : i32
      %dma_wait3A_33 = tpu.memref_slice %arg10[%mul3A_4, %dma_wait3A_32] : memref<10000x16xf32, #tpu.memory_space<vmem_shared>> -> memref<624x16xf32, #tpu.memory_space<vmem_shared>>
      tpu.wait_dma2 semaphore(%run_scoped3A_25 : memref<!tpu.dma_semaphore, #tpu.memory_space<semaphore_mem>>) src(%dma_wait3A_33 : memref<624x16xf32, #tpu.memory_space<vmem_shared>>) dst(%dma_wait3A_31 : memref<624x16xf32, #tpu.memory_space<hbm>>)
      tpu.yield
    }) : () -> ()
    %run_scoped3A_19 = arith.constant 1 : i32
    "tpu.region"() ({
      %run_scoped3A_25 = tpu.sem_alloc : memref<!tpu.dma_semaphore, #tpu.memory_space<semaphore_mem>>
      %dma_start3A = arith.constant 0 : i32
      %dma_start3A_26 = tpu.memref_slice %arg6[%arg0, %run_scoped3A_19, %mul3A_4, %dma_start3A] : memref<2x2x10000x16xf32, #tpu.memory_space<hbm>> -> memref<1x1x624x16xf32, #tpu.memory_space<hbm>>
      %dma_start3A_27 = tpu.memref_squeeze %dma_start3A_26 : memref<1x1x624x16xf32, #tpu.memory_space<hbm>> -> memref<624x16xf32, #tpu.memory_space<hbm>>
      %dma_start3A_28 = arith.constant 0 : i32
      %dma_start3A_29 = tpu.memref_slice %arg11[%mul3A_4, %dma_start3A_28] : memref<10000x16xf32, #tpu.memory_space<vmem_shared>> -> memref<624x16xf32, #tpu.memory_space<vmem_shared>>
      tpu.enqueue_dma source(%dma_start3A_29 : memref<624x16xf32, #tpu.memory_space<vmem_shared>>) target(%dma_start3A_27 : memref<624x16xf32, #tpu.memory_space<hbm>>) target_semaphore(%run_scoped3A_25 : memref<!tpu.dma_semaphore, #tpu.memory_space<semaphore_mem>>)
      %dma_wait3A = arith.constant 0 : i32
      %dma_wait3A_30 = tpu.memref_slice %arg6[%arg0, %run_scoped3A_19, %mul3A_4, %dma_wait3A] : memref<2x2x10000x16xf32, #tpu.memory_space<hbm>> -> memref<1x1x624x16xf32, #tpu.memory_space<hbm>>
      %dma_wait3A_31 = tpu.memref_squeeze %dma_wait3A_30 : memref<1x1x624x16xf32, #tpu.memory_space<hbm>> -> memref<624x16xf32, #tpu.memory_space<hbm>>
      %dma_wait3A_32 = arith.constant 0 : i32
      %dma_wait3A_33 = tpu.memref_slice %arg11[%mul3A_4, %dma_wait3A_32] : memref<10000x16xf32, #tpu.memory_space<vmem_shared>> -> memref<624x16xf32, #tpu.memory_space<vmem_shared>>
      tpu.wait_dma2 semaphore(%run_scoped3A_25 : memref<!tpu.dma_semaphore, #tpu.memory_space<semaphore_mem>>) src(%dma_wait3A_33 : memref<624x16xf32, #tpu.memory_space<vmem_shared>>) dst(%dma_wait3A_31 : memref<624x16xf32, #tpu.memory_space<hbm>>)
      tpu.yield
    }) : () -> ()
    %eq3A_20 = arith.constant 0 : i32
    %eq3A_21 = arith.cmpi eq, %arg1, %eq3A_20 : i32
    %convert_element_type3A_22 = arith.extui %eq3A_21 : i1 to i32
    %cond3A_23 = arith.constant 0 : i32
    %cond3A_24 = arith.cmpi ne, %convert_element_type3A_22, %cond3A_23 : i32
    scf.if %cond3A_24 {
      %run_scoped3A_25 = arith.constant 0 : i32
      "tpu.region"() ({
        %run_scoped3A_27 = tpu.sem_alloc : memref<!tpu.dma_semaphore, #tpu.memory_space<semaphore_mem>>
        %dma_start3A = arith.constant 9984 : i32
        %dma_start3A_28 = arith.constant 0 : i32
        %dma_start3A_29 = tpu.memref_slice %arg6[%arg0, %run_scoped3A_25, %dma_start3A, %dma_start3A_28] : memref<2x2x10000x16xf32, #tpu.memory_space<hbm>> -> memref<1x1x16x16xf32, #tpu.memory_space<hbm>>
        %dma_start3A_30 = tpu.memref_squeeze %dma_start3A_29 : memref<1x1x16x16xf32, #tpu.memory_space<hbm>> -> memref<16x16xf32, #tpu.memory_space<hbm>>
        %dma_start3A_31 = arith.constant 9984 : i32
        %dma_start3A_32 = arith.constant 0 : i32
        %dma_start3A_33 = tpu.memref_slice %arg10[%dma_start3A_31, %dma_start3A_32] : memref<10000x16xf32, #tpu.memory_space<vmem_shared>> -> memref<16x16xf32, #tpu.memory_space<vmem_shared>>
        tpu.enqueue_dma source(%dma_start3A_33 : memref<16x16xf32, #tpu.memory_space<vmem_shared>>) target(%dma_start3A_30 : memref<16x16xf32, #tpu.memory_space<hbm>>) target_semaphore(%run_scoped3A_27 : memref<!tpu.dma_semaphore, #tpu.memory_space<semaphore_mem>>)
        %dma_wait3A = arith.constant 9984 : i32
        %dma_wait3A_34 = arith.constant 0 : i32
        %dma_wait3A_35 = tpu.memref_slice %arg6[%arg0, %run_scoped3A_25, %dma_wait3A, %dma_wait3A_34] : memref<2x2x10000x16xf32, #tpu.memory_space<hbm>> -> memref<1x1x16x16xf32, #tpu.memory_space<hbm>>
        %dma_wait3A_36 = tpu.memref_squeeze %dma_wait3A_35 : memref<1x1x16x16xf32, #tpu.memory_space<hbm>> -> memref<16x16xf32, #tpu.memory_space<hbm>>
        %dma_wait3A_37 = arith.constant 9984 : i32
        %dma_wait3A_38 = arith.constant 0 : i32
        %dma_wait3A_39 = tpu.memref_slice %arg10[%dma_wait3A_37, %dma_wait3A_38] : memref<10000x16xf32, #tpu.memory_space<vmem_shared>> -> memref<16x16xf32, #tpu.memory_space<vmem_shared>>
        tpu.wait_dma2 semaphore(%run_scoped3A_27 : memref<!tpu.dma_semaphore, #tpu.memory_space<semaphore_mem>>) src(%dma_wait3A_39 : memref<16x16xf32, #tpu.memory_space<vmem_shared>>) dst(%dma_wait3A_36 : memref<16x16xf32, #tpu.memory_space<hbm>>)
        tpu.yield
      }) : () -> ()
      %run_scoped3A_26 = arith.constant 1 : i32
      "tpu.region"() ({
        %run_scoped3A_27 = tpu.sem_alloc : memref<!tpu.dma_semaphore, #tpu.memory_space<semaphore_mem>>
        %dma_start3A = arith.constant 9984 : i32
        %dma_start3A_28 = arith.constant 0 : i32
        %dma_start3A_29 = tpu.memref_slice %arg6[%arg0, %run_scoped3A_26, %dma_start3A, %dma_start3A_28] : memref<2x2x10000x16xf32, #tpu.memory_space<hbm>> -> memref<1x1x16x16xf32, #tpu.memory_space<hbm>>
        %dma_start3A_30 = tpu.memref_squeeze %dma_start3A_29 : memref<1x1x16x16xf32, #tpu.memory_space<hbm>> -> memref<16x16xf32, #tpu.memory_space<hbm>>
        %dma_start3A_31 = arith.constant 9984 : i32
        %dma_start3A_32 = arith.constant 0 : i32
        %dma_start3A_33 = tpu.memref_slice %arg11[%dma_start3A_31, %dma_start3A_32] : memref<10000x16xf32, #tpu.memory_space<vmem_shared>> -> memref<16x16xf32, #tpu.memory_space<vmem_shared>>
        tpu.enqueue_dma source(%dma_start3A_33 : memref<16x16xf32, #tpu.memory_space<vmem_shared>>) target(%dma_start3A_30 : memref<16x16xf32, #tpu.memory_space<hbm>>) target_semaphore(%run_scoped3A_27 : memref<!tpu.dma_semaphore, #tpu.memory_space<semaphore_mem>>)
        %dma_wait3A = arith.constant 9984 : i32
        %dma_wait3A_34 = arith.constant 0 : i32
        %dma_wait3A_35 = tpu.memref_slice %arg6[%arg0, %run_scoped3A_26, %dma_wait3A, %dma_wait3A_34] : memref<2x2x10000x16xf32, #tpu.memory_space<hbm>> -> memref<1x1x16x16xf32, #tpu.memory_space<hbm>>
        %dma_wait3A_36 = tpu.memref_squeeze %dma_wait3A_35 : memref<1x1x16x16xf32, #tpu.memory_space<hbm>> -> memref<16x16xf32, #tpu.memory_space<hbm>>
        %dma_wait3A_37 = arith.constant 9984 : i32
        %dma_wait3A_38 = arith.constant 0 : i32
        %dma_wait3A_39 = tpu.memref_slice %arg11[%dma_wait3A_37, %dma_wait3A_38] : memref<10000x16xf32, #tpu.memory_space<vmem_shared>> -> memref<16x16xf32, #tpu.memory_space<vmem_shared>>
        tpu.wait_dma2 semaphore(%run_scoped3A_27 : memref<!tpu.dma_semaphore, #tpu.memory_space<semaphore_mem>>) src(%dma_wait3A_39 : memref<16x16xf32, #tpu.memory_space<vmem_shared>>) dst(%dma_wait3A_36 : memref<16x16xf32, #tpu.memory_space<hbm>>)
        tpu.yield
      }) : () -> ()
    } else {
    }
    return
  }
}

module attributes {stable_mosaic.version = 14 : i64} {
  func.func @_tc_matmul_body(%arg0: i32, %arg1: memref<2000x128xf32, #tpu.memory_space<vmem>>, %arg2: memref<128x128xf32, #tpu.memory_space<vmem>>, %arg3: memref<2000x128xf32, #tpu.memory_space<vmem>>) attributes {dimension_semantics = [#tpu.dimension_semantics<arbitrary>], iteration_bounds = array<i64: 5>, scalar_prefetch = 0 : i64, scratch_operands = 0 : i64, tpu.core_type = #tpu.core_type<tc>, window_params = [{transform_indices = @transform_0, window_bounds = array<i64: 2000, 128>}, {pipeline_mode = #tpu.pipeline_mode<synchronous>, transform_indices = @transform_1, window_bounds = array<i64: 128, 128>}, {transform_indices = @transform_2, window_bounds = array<i64: 2000, 128>}]} {
    %get3A = arith.constant 0 : index
    %get3A_0 = arith.constant 0 : index
    %get3A_1 = vector.load %arg1[%get3A, %get3A_0] : memref<2000x128xf32, #tpu.memory_space<vmem>>, vector<2000x128xf32>
    %get3A_2 = arith.constant 0 : index
    %get3A_3 = arith.constant 0 : index
    %get3A_4 = vector.load %arg2[%get3A_2, %get3A_3] : memref<128x128xf32, #tpu.memory_space<vmem>>, vector<128x128xf32>
    %dot_general3A = arith.constant dense<0.000000e+00> : vector<2000x128xf32>
    %dot_general3A_5 = tpu.matmul %get3A_1, %get3A_4, %dot_general3A {dimension_numbers = #tpu.dot_dimension_numbers<[1], [0], [0], [1], [0, 0, 1, 1], [], []>, transpose_lhs_hint = false} : vector<2000x128xf32>, vector<128x128xf32>, vector<2000x128xf32> -> vector<2000x128xf32>
    %swap3A = arith.constant 0 : index
    %swap3A_6 = arith.constant 0 : index
    %swap3A_7 = vector.load %arg3[%swap3A, %swap3A_6] : memref<2000x128xf32, #tpu.memory_space<vmem>>, vector<2000x128xf32>
    tpu.vector_store %arg3[%swap3A, %swap3A_6], %dot_general3A_5 {strides = array<i32>} : memref<2000x128xf32, #tpu.memory_space<vmem>>, vector<2000x128xf32>,
    return
  }
  func.func @transform_0(%arg0: i32) -> (i32, i32) {
    %c0_i32 = arith.constant 0 : i32
    %c0_i32_0 = arith.constant 0 : i32
    return %arg0, %c0_i32 : i32, i32
  }
  func.func @transform_1(%arg0: i32) -> (i32, i32) {
    %c0_i32 = arith.constant 0 : i32
    %c0_i32_0 = arith.constant 0 : i32
    %c0_i32_1 = arith.constant 0 : i32
    return %c0_i32, %c0_i32_0 : i32, i32
  }
  func.func @transform_2(%arg0: i32) -> (i32, i32) {
    %c0_i32 = arith.constant 0 : i32
    %c0_i32_0 = arith.constant 0 : i32
    return %arg0, %c0_i32 : i32, i32
  }
}

module attributes {stable_mosaic.version = 14 : i64} {
  func.func @_tc_norms_scale_body(%arg0: i32, %arg1: memref<2x2x2000x16xf32, #tpu.memory_space<vmem>>, %arg2: memref<2000x128xf32, #tpu.memory_space<vmem>>, %arg3: memref<2x2000x64xf32, #tpu.memory_space<vmem>>, %arg4: memref<2000x1xf32, #tpu.memory_space<vmem>>, %arg5: memref<2000x1xf32, #tpu.memory_space<vmem>>) attributes {dimension_semantics = [#tpu.dimension_semantics<arbitrary>], iteration_bounds = array<i64: 5>, scalar_prefetch = 0 : i64, scratch_operands = 0 : i64, tpu.core_type = #tpu.core_type<tc>, window_params = [{transform_indices = @transform_0, window_bounds = array<i64: 2, 2, 2000, 16>}, {transform_indices = @transform_1, window_bounds = array<i64: 2000, 128>}, {transform_indices = @transform_2, window_bounds = array<i64: 2, 2000, 64>}, {transform_indices = @transform_3, window_bounds = array<i64: 2000, 1>}, {transform_indices = @transform_4, window_bounds = array<i64: 2000, 1>}]} {
    %get3A = arith.constant 0 : index
    %get3A_0 = arith.constant 0 : index
    %get3A_1 = arith.constant 0 : index
    %get3A_2 = arith.constant 0 : index
    %get3A_3 = vector.load %arg1[%get3A, %get3A_0, %get3A_1, %get3A_2] : memref<2x2x2000x16xf32, #tpu.memory_space<vmem>>, vector<1x1x2000x1xf32>
    %get3A_4 = vector.shape_cast %get3A_3 : vector<1x1x2000x1xf32> to vector<2000x1xf32>
    %get3A_5 = arith.constant 1 : index
    %get3A_6 = arith.constant 0 : index
    %get3A_7 = arith.constant 0 : index
    %get3A_8 = arith.constant 0 : index
    %get3A_9 = vector.load %arg1[%get3A_5, %get3A_6, %get3A_7, %get3A_8] : memref<2x2x2000x16xf32, #tpu.memory_space<vmem>>, vector<1x1x2000x1xf32>
    %get3A_10 = vector.shape_cast %get3A_9 : vector<1x1x2000x1xf32> to vector<2000x1xf32>
    %add3A = arith.addf %get3A_4, %get3A_10 : vector<2000x1xf32>
    %get3A_11 = arith.constant 0 : index
    %get3A_12 = arith.constant 1 : index
    %get3A_13 = arith.constant 0 : index
    %get3A_14 = arith.constant 0 : index
    %get3A_15 = vector.load %arg1[%get3A_11, %get3A_12, %get3A_13, %get3A_14] : memref<2x2x2000x16xf32, #tpu.memory_space<vmem>>, vector<1x1x2000x1xf32>
    %get3A_16 = vector.shape_cast %get3A_15 : vector<1x1x2000x1xf32> to vector<2000x1xf32>
    %get3A_17 = arith.constant 1 : index
    %get3A_18 = arith.constant 1 : index
    %get3A_19 = arith.constant 0 : index
    %get3A_20 = arith.constant 0 : index
    %get3A_21 = vector.load %arg1[%get3A_17, %get3A_18, %get3A_19, %get3A_20] : memref<2x2x2000x16xf32, #tpu.memory_space<vmem>>, vector<1x1x2000x1xf32>
    %get3A_22 = vector.shape_cast %get3A_21 : vector<1x1x2000x1xf32> to vector<2000x1xf32>
    %add3A_23 = arith.addf %get3A_16, %get3A_22 : vector<2000x1xf32>
    %gt3A = arith.constant 0.000000e+00 : f32
    %gt3A_24 = vector.broadcast %gt3A : f32 to vector<2000x1xf32>
    %gt3A_25 = arith.cmpf ogt, %add3A, %gt3A_24 : vector<2000x1xf32>
    %max3A = arith.constant 1.000000e+00 : f32
    %max3A_26 = vector.broadcast %max3A : f32 to vector<2000x1xf32>
    %max3A_27 = arith.maximumf %add3A, %max3A_26 : vector<2000x1xf32>
    %rsqrt3A = math.rsqrt %max3A_27 : vector<2000x1xf32>
    %jit3A = arith.constant 0.000000e+00 : f32
    %broadcast_in_dim3A = vector.broadcast %jit3A : f32 to vector<2000x1xf32>
    %select_n3A = arith.select %gt3A_25, %rsqrt3A, %broadcast_in_dim3A : vector<2000x1xi1>, vector<2000x1xf32>
    %gt3A_28 = arith.constant 0.000000e+00 : f32
    %gt3A_29 = vector.broadcast %gt3A_28 : f32 to vector<2000x1xf32>
    %gt3A_30 = arith.cmpf ogt, %add3A_23, %gt3A_29 : vector<2000x1xf32>
    %max3A_31 = arith.constant 1.000000e+00 : f32
    %max3A_32 = vector.broadcast %max3A_31 : f32 to vector<2000x1xf32>
    %max3A_33 = arith.maximumf %add3A_23, %max3A_32 : vector<2000x1xf32>
    %rsqrt3A_34 = math.rsqrt %max3A_33 : vector<2000x1xf32>
    %jit3A_35 = arith.constant 0.000000e+00 : f32
    %broadcast_in_dim3A_36 = vector.broadcast %jit3A_35 : f32 to vector<2000x1xf32>
    %select_n3A_37 = arith.select %gt3A_30, %rsqrt3A_34, %broadcast_in_dim3A_36 : vector<2000x1xi1>, vector<2000x1xf32>
    %get3A_38 = arith.constant 0 : index
    %get3A_39 = arith.constant 0 : index
    %get3A_40 = vector.load %arg2[%get3A_38, %get3A_39] : memref<2000x128xf32, #tpu.memory_space<vmem>>, vector<2000x128xf32>
    %mul3A = vector.broadcast %select_n3A : vector<2000x1xf32> to vector<2000x128xf32>
    %mul3A_41 = arith.mulf %get3A_40, %mul3A : vector<2000x128xf32>
    %slice3A = vector.extract_strided_slice %mul3A_41 {offsets = [0, 0], sizes = [2000, 64], strides = [1, 1]} : vector<2000x128xf32> to vector<2000x64xf32>
    %swap3A = arith.constant 0 : index
    %swap3A_42 = arith.constant 0 : index
    %swap3A_43 = arith.constant 0 : index
    %swap3A_44 = vector.load %arg3[%swap3A, %swap3A_42, %swap3A_43] : memref<2x2000x64xf32, #tpu.memory_space<vmem>>, vector<1x2000x64xf32>
    %swap3A_45 = vector.shape_cast %swap3A_44 : vector<1x2000x64xf32> to vector<2000x64xf32>
    %swap3A_46 = vector.shape_cast %slice3A : vector<2000x64xf32> to vector<1x2000x64xf32>
    tpu.vector_store %arg3[%swap3A, %swap3A_42, %swap3A_43], %swap3A_46 {strides = array<i32>} : memref<2x2000x64xf32, #tpu.memory_space<vmem>>, vector<1x2000x64xf32>,
    %slice3A_47 = vector.extract_strided_slice %mul3A_41 {offsets = [0, 64], sizes = [2000, 64], strides = [1, 1]} : vector<2000x128xf32> to vector<2000x64xf32>
    %swap3A_48 = arith.constant 1 : index
    %swap3A_49 = arith.constant 0 : index
    %swap3A_50 = arith.constant 0 : index
    %swap3A_51 = vector.load %arg3[%swap3A_48, %swap3A_49, %swap3A_50] : memref<2x2000x64xf32, #tpu.memory_space<vmem>>, vector<1x2000x64xf32>
    %swap3A_52 = vector.shape_cast %swap3A_51 : vector<1x2000x64xf32> to vector<2000x64xf32>
    %swap3A_53 = vector.shape_cast %slice3A_47 : vector<2000x64xf32> to vector<1x2000x64xf32>
    tpu.vector_store %arg3[%swap3A_48, %swap3A_49, %swap3A_50], %swap3A_53 {strides = array<i32>} : memref<2x2000x64xf32, #tpu.memory_space<vmem>>, vector<1x2000x64xf32>,
    %swap3A_54 = arith.constant 0 : index
    %swap3A_55 = arith.constant 0 : index
    %swap3A_56 = vector.load %arg4[%swap3A_54, %swap3A_55] : memref<2000x1xf32, #tpu.memory_space<vmem>>, vector<2000x1xf32>
    tpu.vector_store %arg4[%swap3A_54, %swap3A_55], %select_n3A {strides = array<i32>} : memref<2000x1xf32, #tpu.memory_space<vmem>>, vector<2000x1xf32>,
    %swap3A_57 = arith.constant 0 : index
    %swap3A_58 = arith.constant 0 : index
    %swap3A_59 = vector.load %arg5[%swap3A_57, %swap3A_58] : memref<2000x1xf32, #tpu.memory_space<vmem>>, vector<2000x1xf32>
    tpu.vector_store %arg5[%swap3A_57, %swap3A_58], %select_n3A_37 {strides = array<i32>} : memref<2000x1xf32, #tpu.memory_space<vmem>>, vector<2000x1xf32>,
    return
  }
  func.func @transform_0(%arg0: i32) -> (i32, i32, i32, i32) {
    %c0_i32 = arith.constant 0 : i32
    %c0_i32_0 = arith.constant 0 : i32
    %c0_i32_1 = arith.constant 0 : i32
    %c0_i32_2 = arith.constant 0 : i32
    return %c0_i32, %c0_i32_0, %arg0, %c0_i32_1 : i32, i32, i32, i32
  }
  func.func @transform_1(%arg0: i32) -> (i32, i32) {
    %c0_i32 = arith.constant 0 : i32
    %c0_i32_0 = arith.constant 0 : i32
    return %arg0, %c0_i32 : i32, i32
  }
  func.func @transform_2(%arg0: i32) -> (i32, i32, i32) {
    %c0_i32 = arith.constant 0 : i32
    %c0_i32_0 = arith.constant 0 : i32
    %c0_i32_1 = arith.constant 0 : i32
    return %c0_i32, %arg0, %c0_i32_0 : i32, i32, i32
  }
  func.func @transform_3(%arg0: i32) -> (i32, i32) {
    %c0_i32 = arith.constant 0 : i32
    %c0_i32_0 = arith.constant 0 : i32
    return %arg0, %c0_i32 : i32, i32
  }
  func.func @transform_4(%arg0: i32) -> (i32, i32) {
    %c0_i32 = arith.constant 0 : i32
    %c0_i32_0 = arith.constant 0 : i32
    return %arg0, %c0_i32 : i32, i32
  }
}

module attributes {stable_mosaic.version = 14 : i64} {
  func.func @_tc_mid_body(%arg0: i32, %arg1: memref<2x2000x64xf32, #tpu.memory_space<vmem>>, %arg2: memref<2000x1xf32, #tpu.memory_space<vmem>>, %arg3: memref<2000x1xf32, #tpu.memory_space<vmem>>, %arg4: memref<128x128xf32, #tpu.memory_space<vmem>>, %arg5: memref<1x128xf32, #tpu.memory_space<vmem>>, %arg6: memref<2x2000x64xf32, #tpu.memory_space<vmem>>) attributes {dimension_semantics = [#tpu.dimension_semantics<arbitrary>], iteration_bounds = array<i64: 5>, scalar_prefetch = 0 : i64, scratch_operands = 0 : i64, tpu.core_type = #tpu.core_type<tc>, window_params = [{transform_indices = @transform_0, window_bounds = array<i64: 2, 2000, 64>}, {transform_indices = @transform_1, window_bounds = array<i64: 2000, 1>}, {transform_indices = @transform_2, window_bounds = array<i64: 2000, 1>}, {pipeline_mode = #tpu.pipeline_mode<synchronous>, transform_indices = @transform_3, window_bounds = array<i64: 128, 128>}, {pipeline_mode = #tpu.pipeline_mode<synchronous>, transform_indices = @transform_4, window_bounds = array<i64: 1, 128>}, {transform_indices = @transform_5, window_bounds = array<i64: 2, 2000, 64>}]} {
    %get3A = arith.constant 0 : index
    %get3A_0 = arith.constant 0 : index
    %get3A_1 = arith.constant 0 : index
    %get3A_2 = vector.load %arg1[%get3A, %get3A_0, %get3A_1] : memref<2x2000x64xf32, #tpu.memory_space<vmem>>, vector<1x2000x64xf32>
    %get3A_3 = vector.shape_cast %get3A_2 : vector<1x2000x64xf32> to vector<2000x64xf32>
    %get3A_4 = arith.constant 1 : index
    %get3A_5 = arith.constant 0 : index
    %get3A_6 = arith.constant 0 : index
    %get3A_7 = vector.load %arg1[%get3A_4, %get3A_5, %get3A_6] : memref<2x2000x64xf32, #tpu.memory_space<vmem>>, vector<1x2000x64xf32>
    %get3A_8 = vector.shape_cast %get3A_7 : vector<1x2000x64xf32> to vector<2000x64xf32>
    %concatenate3A = tpu.concatenate %get3A_3, %get3A_8 in 1 : vector<2000x64xf32>, vector<2000x64xf32> -> vector<2000x128xf32>
    %get3A_9 = arith.constant 0 : index
    %get3A_10 = arith.constant 0 : index
    %get3A_11 = vector.load %arg2[%get3A_9, %get3A_10] : memref<2000x1xf32, #tpu.memory_space<vmem>>, vector<2000x1xf32>
    %mul3A = vector.broadcast %get3A_11 : vector<2000x1xf32> to vector<2000x128xf32>
    %mul3A_12 = arith.mulf %concatenate3A, %mul3A : vector<2000x128xf32>
    %get3A_13 = arith.constant 0 : index
    %get3A_14 = arith.constant 0 : index
    %get3A_15 = vector.load %arg5[%get3A_13, %get3A_14] : memref<1x128xf32, #tpu.memory_space<vmem>>, vector<1x128xf32>
    %add3A = vector.broadcast %get3A_15 : vector<1x128xf32> to vector<2000x128xf32>
    %add3A_16 = arith.addf %mul3A_12, %add3A : vector<2000x128xf32>
    %max3A = arith.constant 0.000000e+00 : f32
    %max3A_17 = vector.broadcast %max3A : f32 to vector<2000x128xf32>
    %max3A_18 = arith.maximumf %add3A_16, %max3A_17 : vector<2000x128xf32>
    %get3A_19 = arith.constant 0 : index
    %get3A_20 = arith.constant 0 : index
    %get3A_21 = vector.load %arg3[%get3A_19, %get3A_20] : memref<2000x1xf32, #tpu.memory_space<vmem>>, vector<2000x1xf32>
    %mul3A_22 = vector.broadcast %get3A_21 : vector<2000x1xf32> to vector<2000x128xf32>
    %mul3A_23 = arith.mulf %max3A_18, %mul3A_22 : vector<2000x128xf32>
    %get3A_24 = arith.constant 0 : index
    %get3A_25 = arith.constant 0 : index
    %get3A_26 = vector.load %arg4[%get3A_24, %get3A_25] : memref<128x128xf32, #tpu.memory_space<vmem>>, vector<128x128xf32>
    %dot_general3A = arith.constant dense<0.000000e+00> : vector<2000x128xf32>
    %dot_general3A_27 = tpu.matmul %mul3A_23, %get3A_26, %dot_general3A {dimension_numbers = #tpu.dot_dimension_numbers<[1], [0], [0], [1], [0, 0, 1, 1], [], []>, transpose_lhs_hint = false} : vector<2000x128xf32>, vector<128x128xf32>, vector<2000x128xf32> -> vector<2000x128xf32>
    %slice3A = vector.extract_strided_slice %dot_general3A_27 {offsets = [0, 0], sizes = [2000, 64], strides = [1, 1]} : vector<2000x128xf32> to vector<2000x64xf32>
    %swap3A = arith.constant 0 : index
    %swap3A_28 = arith.constant 0 : index
    %swap3A_29 = arith.constant 0 : index
    %swap3A_30 = vector.load %arg6[%swap3A, %swap3A_28, %swap3A_29] : memref<2x2000x64xf32, #tpu.memory_space<vmem>>, vector<1x2000x64xf32>
    %swap3A_31 = vector.shape_cast %swap3A_30 : vector<1x2000x64xf32> to vector<2000x64xf32>
    %swap3A_32 = vector.shape_cast %slice3A : vector<2000x64xf32> to vector<1x2000x64xf32>
    tpu.vector_store %arg6[%swap3A, %swap3A_28, %swap3A_29], %swap3A_32 {strides = array<i32>} : memref<2x2000x64xf32, #tpu.memory_space<vmem>>, vector<1x2000x64xf32>,
    %slice3A_33 = vector.extract_strided_slice %dot_general3A_27 {offsets = [0, 64], sizes = [2000, 64], strides = [1, 1]} : vector<2000x128xf32> to vector<2000x64xf32>
    %swap3A_34 = arith.constant 1 : index
    %swap3A_35 = arith.constant 0 : index
    %swap3A_36 = arith.constant 0 : index
    %swap3A_37 = vector.load %arg6[%swap3A_34, %swap3A_35, %swap3A_36] : memref<2x2000x64xf32, #tpu.memory_space<vmem>>, vector<1x2000x64xf32>
    %swap3A_38 = vector.shape_cast %swap3A_37 : vector<1x2000x64xf32> to vector<2000x64xf32>
    %swap3A_39 = vector.shape_cast %slice3A_33 : vector<2000x64xf32> to vector<1x2000x64xf32>
    tpu.vector_store %arg6[%swap3A_34, %swap3A_35, %swap3A_36], %swap3A_39 {strides = array<i32>} : memref<2x2000x64xf32, #tpu.memory_space<vmem>>, vector<1x2000x64xf32>,
    return
  }
  func.func @transform_0(%arg0: i32) -> (i32, i32, i32) {
    %c0_i32 = arith.constant 0 : i32
    %c0_i32_0 = arith.constant 0 : i32
    %c0_i32_1 = arith.constant 0 : i32
    return %c0_i32, %arg0, %c0_i32_0 : i32, i32, i32
  }
  func.func @transform_1(%arg0: i32) -> (i32, i32) {
    %c0_i32 = arith.constant 0 : i32
    %c0_i32_0 = arith.constant 0 : i32
    return %arg0, %c0_i32 : i32, i32
  }
  func.func @transform_2(%arg0: i32) -> (i32, i32) {
    %c0_i32 = arith.constant 0 : i32
    %c0_i32_0 = arith.constant 0 : i32
    return %arg0, %c0_i32 : i32, i32
  }
  func.func @transform_3(%arg0: i32) -> (i32, i32) {
    %c0_i32 = arith.constant 0 : i32
    %c0_i32_0 = arith.constant 0 : i32
    %c0_i32_1 = arith.constant 0 : i32
    return %c0_i32, %c0_i32_0 : i32, i32
  }
  func.func @transform_4(%arg0: i32) -> (i32, i32) {
    %c0_i32 = arith.constant 0 : i32
    %c0_i32_0 = arith.constant 0 : i32
    %c0_i32_1 = arith.constant 0 : i32
    return %c0_i32, %c0_i32_0 : i32, i32
  }
  func.func @transform_5(%arg0: i32) -> (i32, i32, i32) {
    %c0_i32 = arith.constant 0 : i32
    %c0_i32_0 = arith.constant 0 : i32
    %c0_i32_1 = arith.constant 0 : i32
    return %c0_i32, %arg0, %c0_i32_0 : i32, i32, i32
  }
}

module attributes {stable_mosaic.version = 14 : i64} {
  func.func @_tc_final_body(%arg0: i32, %arg1: memref<2x2000x64xf32, #tpu.memory_space<vmem>>, %arg2: memref<2000x1xf32, #tpu.memory_space<vmem>>, %arg3: memref<1x128xf32, #tpu.memory_space<vmem>>, %arg4: memref<2000x128xf32, #tpu.memory_space<vmem>>) attributes {dimension_semantics = [#tpu.dimension_semantics<arbitrary>], iteration_bounds = array<i64: 5>, scalar_prefetch = 0 : i64, scratch_operands = 0 : i64, tpu.core_type = #tpu.core_type<tc>, window_params = [{transform_indices = @transform_0, window_bounds = array<i64: 2, 2000, 64>}, {transform_indices = @transform_1, window_bounds = array<i64: 2000, 1>}, {pipeline_mode = #tpu.pipeline_mode<synchronous>, transform_indices = @transform_2, window_bounds = array<i64: 1, 128>}, {transform_indices = @transform_3, window_bounds = array<i64: 2000, 128>}]} {
    %get3A = arith.constant 0 : index
    %get3A_0 = arith.constant 0 : index
    %get3A_1 = arith.constant 0 : index
    %get3A_2 = vector.load %arg1[%get3A, %get3A_0, %get3A_1] : memref<2x2000x64xf32, #tpu.memory_space<vmem>>, vector<1x2000x64xf32>
    %get3A_3 = vector.shape_cast %get3A_2 : vector<1x2000x64xf32> to vector<2000x64xf32>
    %get3A_4 = arith.constant 1 : index
    %get3A_5 = arith.constant 0 : index
    %get3A_6 = arith.constant 0 : index
    %get3A_7 = vector.load %arg1[%get3A_4, %get3A_5, %get3A_6] : memref<2x2000x64xf32, #tpu.memory_space<vmem>>, vector<1x2000x64xf32>
    %get3A_8 = vector.shape_cast %get3A_7 : vector<1x2000x64xf32> to vector<2000x64xf32>
    %concatenate3A = tpu.concatenate %get3A_3, %get3A_8 in 1 : vector<2000x64xf32>, vector<2000x64xf32> -> vector<2000x128xf32>
    %get3A_9 = arith.constant 0 : index
    %get3A_10 = arith.constant 0 : index
    %get3A_11 = vector.load %arg2[%get3A_9, %get3A_10] : memref<2000x1xf32, #tpu.memory_space<vmem>>, vector<2000x1xf32>
    %mul3A = vector.broadcast %get3A_11 : vector<2000x1xf32> to vector<2000x128xf32>
    %mul3A_12 = arith.mulf %concatenate3A, %mul3A : vector<2000x128xf32>
    %get3A_13 = arith.constant 0 : index
    %get3A_14 = arith.constant 0 : index
    %get3A_15 = vector.load %arg3[%get3A_13, %get3A_14] : memref<1x128xf32, #tpu.memory_space<vmem>>, vector<1x128xf32>
    %add3A = vector.broadcast %get3A_15 : vector<1x128xf32> to vector<2000x128xf32>
    %add3A_16 = arith.addf %mul3A_12, %add3A : vector<2000x128xf32>
    %swap3A = arith.constant 0 : index
    %swap3A_17 = arith.constant 0 : index
    %swap3A_18 = vector.load %arg4[%swap3A, %swap3A_17] : memref<2000x128xf32, #tpu.memory_space<vmem>>, vector<2000x128xf32>
    tpu.vector_store %arg4[%swap3A, %swap3A_17], %add3A_16 {strides = array<i32>} : memref<2000x128xf32, #tpu.memory_space<vmem>>, vector<2000x128xf32>,
    return
  }
  func.func @transform_0(%arg0: i32) -> (i32, i32, i32) {
    %c0_i32 = arith.constant 0 : i32
    %c0_i32_0 = arith.constant 0 : i32
    %c0_i32_1 = arith.constant 0 : i32
    return %c0_i32, %arg0, %c0_i32_0 : i32, i32, i32
  }
  func.func @transform_1(%arg0: i32) -> (i32, i32) {
    %c0_i32 = arith.constant 0 : i32
    %c0_i32_0 = arith.constant 0 : i32
    return %arg0, %c0_i32 : i32, i32
  }
  func.func @transform_2(%arg0: i32) -> (i32, i32) {
    %c0_i32 = arith.constant 0 : i32
    %c0_i32_0 = arith.constant 0 : i32
    %c0_i32_1 = arith.constant 0 : i32
    return %c0_i32, %c0_i32_0 : i32, i32
  }
  func.func @transform_3(%arg0: i32) -> (i32, i32) {
    %c0_i32 = arith.constant 0 : i32
    %c0_i32_0 = arith.constant 0 : i32
    return %arg0, %c0_i32 : i32, i32
  }
}

</mosaic_0001>

<sc_bundles>
// kernel: kernel.12.cloned.1.call-start
scs
__scs_entry_jumppad:
0x0: {  	(pc) =	sbr.rel $0x88, $3  }
0x1: {  	(tag) =	ssettag $0x0;
	lr =	simm.s32 $0x1  }
0x2: {  	[smem:$0x3F9B] =	sst lr;
	_ =	strace $0xD0000000  }
0x3: {  	_ = 	snop  }
0x4: {  	_ = 	snop  }
0x5: {  	_ = 	snop  }
0x6: {  	_ = 	snop  }
0x7: {  	_ = 	snop  }
__scs_overlays_trampoline_lowered:
0x8: {  	[smem:$0x3FAA] =	sst s0  }
0x9: {  	[smem:$0x3FAB] =	sst s1  }
0xa: {  	[smem:$0x3FAC] =	sst s2  }
0xb: {  	[smem:$0x3FAD] =	sst s3  }
0xc: {  	[smem:$0x3FAE] =	sst s4  }
0xd: {  	[smem:$0x3FAF] =	sst s5  }
0xe: {  	[smem:$0x3FB0] =	sst s6  }
0xf: {  	[smem:$0x3FB1] =	sst s7  }
0x10: {  	[smem:$0x3FB2] =	sst s8  }
0x11: {  	[smem:$0x3FB3] =	sst s9;
	s0 =	simm.s32 @!p0 $0x0  }
0x12: {  	s1 =	sld [smem:$0x3F99];
	s0 =	simm.s32 @p0 $0x1  }
0x13: {  	[smem:$0x3FB4] =	sst s0;
	s0 =	simm.s32 @!p1 $0x0  }
0x14: {  	s2 =	sld [smem:$0x3F98];
	s0 =	simm.s32 @p1 $0x1  }
0x15: {  	[smem:$0x3FB5] =	sst s0;
	s0 =	simm.s32 @!p2 $0x0  }
0x16: {  	s3 =	sld [smem:$0x3FDB];
	s0 =	simm.s32 @p2 $0x1  }
0x17: {  	s4 =	simm.s32 $0x1BF5;
	[smem:$0x3FB7] =	sst s0  }
0x18: {  	s0 =	sld [smem:$0x3F9A];
	_ =	swait.ge [sflag:s4], $0x0  }
0x19: {  	s7 =	sld [smem:$0x3F9B]  }
0x1a: {  	s8 =	sadd.s32 $0xFFFFE003, lr  }
0x1b: {  	s9 =	sadd.s32 $0xFFFFFEF7, lr;
	s5 =	simm.s32 $0xFFFFFFFF;
	p2 =	slt.u32 s8, $0xFFFFF086  }
0x1c: {  	p1 =	slt.u32 s9, $0xF7A;
	s5 =	simm.s32 @!p2 $0x0  }
0x1d: {  	s5 =	simm.s32 @p1 $0x1;
	p0 =	seq.s32 s7, s2  }
0x1e: {  	s7 =	smul.u32 @!p0 $0xF7A, s2;
	p2 =	seq.s32 @!p0 s5, $0x0  }
0x1f: {  	s9 =	smul.u32 $0xF7A, s1;
	s8 =	simm.s32 @!p0 $0x1BF5;
	p2 =	por !p2, p0  }
0x20: {  	[sflag:s8] =	ssyncset.s32 @!p0 $0xFFFFF086;
	s6 =	sadd.s32 @!p0 s3, s7;
	s7 =	simm.s32 @!p0 $0x108  }
0x21: {  	s3 =	sadd.s32 s3, s9;
	s6 =	sadd.s32 @!p0 $0x88, s6;
	s7 =	simm.s32 @p2 $0x1082  }
0x22: {  	[simem:s7], [sflag:s8] =	dma.local @!p0 [hbm:s6], $0xF7A  }
0x23: {  	s9 =	sor.u32 $0xD0000000, s2;
	s6 =	simm.s32 $0x108;
	_ =	swait.ge @!p0 [sflag:s8], $0x0  }
0x24: {  	s3 =	sadd.s32 $0x88, s3;
	s6 =	simm.s32 @!p1 $0x1082;
	[sflag:s4] =	ssyncset.s32 $0xFFFFF086  }
0x25: {  	[simem:s6], [sflag:s4] =	dma.local [hbm:s3], $0xF7A  }
0x26: {  	[smem:$0x3F9B] =	sst s1;
	(tag) =	ssettag s2;
	_ =	strace s9  }
0x27: {  	s1 =	sld [smem:$0x3FAB]  }
0x28: {  	s2 =	sld [smem:$0x3FAC]  }
0x29: {  	s4 =	sld [smem:$0x3FAE]  }
0x2a: {  	p0 =	seq.s32 s5, $0x0;
	s5 =	sld [smem:$0x3FAF]  }
0x2b: {  	s6 =	sld [smem:$0x3FB0]  }
0x2c: {  	s7 =	sld [smem:$0x3FB1]  }
0x2d: {  	s3 =	simm.s32 $0x108;
	s8 =	sld [smem:$0x3FB2]  }
0x2e: {  	s3 =	simm.s32 @!p0 $0x1082;
	s9 =	sld [smem:$0x3FB3]  }
0x2f: {  	lr =	sadd.s32 s0, s3;
	s0 =	sld [smem:$0x3FAA]  }
0x30: {  	s3 =	sld [smem:$0x3FAD]  }
0x31: {  	[smem:$0x3FB6] =	sst s10  }
0x32: {  	s10 =	sld [smem:$0x3FB4];
	_ =	sdelay $0x3  }
0x33: {  	p0 =	seq.s32 s10, $0x1;
	s10 =	sld [smem:$0x3FB6];
	_ =	sdelay $0x3  }
0x34: {  	[smem:$0x3FB6] =	sst s10  }
0x35: {  	s10 =	sld [smem:$0x3FB5];
	_ =	sdelay $0x3  }
0x36: {  	p1 =	seq.s32 s10, $0x1;
	s10 =	sld [smem:$0x3FB6];
	_ =	sdelay $0x3  }
0x37: {  	[smem:$0x3FB6] =	sst s10  }
0x38: {  	s10 =	sld [smem:$0x3FB7]  }
0x39: {  	_ = 	snop;
	(pc) =	sbr.ind lr, $3  }
0x3a: {  	_ = 	snop  }
0x3b: {  	_ = 	snop  }
0x3c: {  	p2 =	seq.s32 s10, $0x1;
	s10 =	sld [smem:$0x3FB6]  }
0x3d: {  	_ =	shalt  }
0x3e: {  	_ =	shalt  }
0x3f: {  	_ =	shalt  }
0x40: {  	_ =	shalt  }
0x41: {  	_ =	shalt  }
0x42: {  	_ =	shalt  }
0x43: {  	_ =	shalt  }
0x44: {  	_ =	shalt  }
0x45: {  	_ =	shalt  }
0x46: {  	_ =	shalt  }
0x47: {  	_ =	shalt  }
0x48: {  	_ =	shalt  }
0x49: {  	_ =	shalt  }
0x4a: {  	_ =	shalt  }
0x4b: {  	_ =	shalt  }
0x4c: {  	_ =	shalt  }
0x4d: {  	_ =	shalt  }
0x4e: {  	_ =	shalt  }
0x4f: {  	_ =	shalt  }
0x50: {  	_ =	shalt  }
0x51: {  	_ =	shalt  }
0x52: {  	_ =	shalt  }
0x53: {  	_ =	shalt  }
0x54: {  	_ =	shalt  }
0x55: {  	_ =	shalt  }
0x56: {  	_ =	shalt  }
0x57: {  	_ =	shalt  }
0x58: {  	_ =	shalt  }
0x59: {  	_ =	shalt  }
0x5a: {  	_ =	shalt  }
0x5b: {  	_ =	shalt  }
0x5c: {  	_ =	shalt  }
0x5d: {  	_ =	shalt  }
0x5e: {  	_ =	shalt  }
0x5f: {  	_ =	shalt  }
0x60: {  	_ =	shalt  }
0x61: {  	_ =	shalt  }
0x62: {  	_ =	shalt  }
0x63: {  	_ =	shalt  }
0x64: {  	_ =	shalt  }
0x65: {  	_ =	shalt  }
0x66: {  	_ =	shalt  }
0x67: {  	_ =	shalt  }
0x68: {  	_ =	shalt  }
0x69: {  	_ =	shalt  }
0x6a: {  	_ =	shalt  }
0x6b: {  	_ =	shalt  }
0x6c: {  	_ =	shalt  }
0x6d: {  	_ =	shalt  }
0x6e: {  	_ =	shalt  }
0x6f: {  	_ =	shalt  }
0x70: {  	_ =	shalt  }
0x71: {  	_ =	shalt  }
0x72: {  	_ =	shalt  }
0x73: {  	_ =	shalt  }
0x74: {  	_ =	shalt  }
0x75: {  	_ =	shalt  }
0x76: {  	_ =	shalt  }
0x77: {  	_ =	shalt  }
0x78: {  	_ =	shalt  }
0x79: {  	_ =	shalt  }
0x7a: {  	_ =	shalt  }
0x7b: {  	_ =	shalt  }
0x7c: {  	_ =	shalt  }
0x7d: {  	_ =	shalt  }
0x7e: {  	_ =	shalt  }
0x7f: {  	_ =	shalt  }
0x80: {  	_ =	shalt  }
0x81: {  	_ =	shalt  }
0x82: {  	_ =	shalt  }
0x83: {  	_ =	shalt  }
0x84: {  	_ =	shalt  }
0x85: {  	_ =	shalt  }
0x86: {  	_ =	shalt  }
0x87: {  	_ =	shalt  }
.Lfunc_end0:
.L_simem_size_0:
called_computation.1_lowered:
.L_overlay_start_0:
0x88: {  	s2 =	sld [smem:$0x3FD9]  }
0x89: {  	s3 =	sld [smem:$0x3FFE];
	_ =	sdelay $0x1  }
0x8a: {  	s1 =	srdreg.scid  }
0x8b: {  	s0 =	sand.u32 $0x1, s1  }
0x8c: {  	s17 =	sshll.u32 s0, $0xA;
	s2 =	sadd.s32 s3, s2  }
0x8d: {  	s2 =	sadd.s32 s2, s17  }
0x8e: {  	[smem:$0x3FC2] =	sst s2  }
0x8f: {  	_ = 	snop  }
0x90: {  	s2 =	sld [smem:$0x3FD0];
	(tm) =	ssettm $0x1  }
0x91: {  	s18 =	sld [smem:$0x3FFB];
	_ =	sdelay $0x3  }
0x92: {  	_ =	strace s18  }
0x93: {  	s3 =	sld [smem:$0x3FFC];
	_ =	sdelay $0x3  }
0x94: {  	_ =	strace s3  }
0x95: {  	s3 =	sld [smem:$0x3FFD];
	_ =	sdelay $0x3  }
0x96: {  	_ =	strace s3  }
0x97: {  	_ =	strace $0x8FFFFFFF  }
0x98: {  	s19 =	sld [smem:$0x3FDB];
	_ =	sdelay $0x1  }
0x99: {  	s4 =	simm.s32 $_scs_section_size  }
0x9a: {  	s5 =	simm.s32 $_size__tile_overlayer_lowered;
	s6 =	simm.s32 $_tile_overlayer_lowered  }
0x9b: {  	s22 =	simm.s32 $0x1BFF;
	s21 =	sshll.u32 s6, $0x1;
	s3 =	sadd.s32 s4, s19  }
0x9c: {  	s7 =	simm.s32 $0x0;
	s20 =	sshll.u32 s5, $0x1;
	s5 =	sadd.s32 s21, s3  }
0x9d: {  	[timem:s7], [sflag:s22] =	dma.local [hbm:s5], s20  }
0x9e: {  	_ =	swait.ge [sflag:s22], s20  }
0x9f: {  	s4 =	ssub.s32 $0x0, s20;
	[sflag:s22] =	ssyncset.done $0x0  }
0xa0: {  	[sflag:s22] =	ssyncadd.s32 s4;
	_ =	sdelay $0x1  }
0xa1: {  	s23 =	simm.s32 $0x1B8B  }
0xa2: {  	_ =	swait.ge [sflag:s23], $0x1  }
0xa3: {  	[sflag:s23] =	ssyncset.done $0x0  }
0xa4: {  	s25 =	simm.s32 $0x1B8E;
	s24 =	sld [smem:$0x3FFE];
	[sflag:s23] =	ssyncadd.s32 $0xFFFFFFFF  }
0xa5: {  	s26 =	simm.s32 $execute0_lowered;
	[smem:$0x3FD2] =	sst s25  }
0xa6: {  	s5 =	sshll.u32 s26, $0x1;
	_ =	strace $0x80000049;
	[dreg:$0x1] =	wrdreg $0xFFFFFFFF  }
0xa7: {  	s28 =	simm.s32 $_size_execute0_lowered;
	s3 =	sadd.s32 s3, s5;
	[dreg:$0x0] =	wrdreg $0x0  }
0xa8: {  	s5 =	sshll.u32 s28, $0x1;
	[dreg:$0x2] =	wrdreg s3  }
0xa9: {  	[dreg:$0x3] =	wrdreg s5  }
0xaa: {  	[dreg:$0x4] =	wrdreg $0xC0  }
0xab: {  	_ =	task [dreg:s7], $0x5FFFF  }
0xac: {  	[dreg:$0x1] =	wrdreg $0xFFFFFFFF  }
0xad: {  	[dreg:$0x0] =	wrdreg $0x60  }
0xae: {  	[dreg:$0x2] =	wrdreg s2  }
0xaf: {  	[dreg:$0x3] =	wrdreg s24  }
0xb0: {  	[dreg:$0x4] =	wrdreg $0xEC400  }
0xb1: {  	[dreg:$0x5] =	wrdreg $0x9  }
0xb2: {  	_ =	task.clear_ibuf [dreg:s7], $0x6FFFF;
	_ =	strace $0x90000049  }
0xb3: {  	s29 =	simm.s32 $0x9;
	_ =	strace $0x8000004B  }
0xb4: {  	_ =	swait.ge [sflag:s29], $0x1  }
0xb5: {  	[sflag:s29] =	ssyncadd.s32 $0xFFFFFFFF  }
0xb6: {  	_ =	strace $0x9000004B  }
0xb7: {  	_ =	sfence  }
0xb8: {  	s30 =	sld [smem:$0x0];
	_ =	sdelay $0x2  }
0xb9: {  	s31 =	sshll.u32 s1, $0xD;
	s1 =	sshrl.u32 s1, $0x2  }
0xba: {  	s3 =	sand.u32 $0x4000, s31;
	s1 =	sadd.s32 s1, s30  }
0xbb: {  	s0 =	sor.u32 s3, s0;
	s1 =	sshll.u32 s1, $0x11  }
0xbc: {  	s0 =	sor.u32 s1, s0  }
0xbd: {  	s0 =	sadd.s32 $0x8F2B, s0  }
0xbe: {  	[sflag:s0] =	ssyncadd.remote.s32 $0x1  }
0xbf: {  	_ =	sfence.sel $0xFFFF  }
0xc0: {  	[dreg:$0x0] =	wrdreg $0xFFFFFFFF;
	(pc) =	sbr.abs _section_cstart, $3  }
0xc1: {  	[dreg:$0x1] =	wrdreg $0xFFFFFFFF  }
0xc2: {  	_ =	task.clear_ibuf [dreg:s7], $0x2FFFF;
	_ =	strace $0x9FFFFFFF  }
0xc3: {  	(tm) =	ssettm $0x7FFFFFFF  }
tec
execute0_lowered:
.L_overlay_start_1:
0x0: {  	(tag) =	ssettag $0x1  }
0x1: {  	s0 =	rddreg [dreg:$0x0]  }
0x2: {  	s4 =	rddreg [dreg:$0x1]  }
0x3: {  	s1 =	rddreg [dreg:$0x2]  }
0x4: {  	s11 =	stileid.u32;
	s2 =	simm.s32 $0x0;
	s5 =	srdreg.scid  }
0x5: {  	s15 =	simm.s32 $0x50;
	s16 =	simm.s32 $0x9C40;
	s17 =	simm.s32 $0xB040  }
0x6: {  	s18 =	simm.s32 $0x1;
	s20 =	simm.s32 $0xC440;
	s28 =	simm.s32 $0x4F10  }
0x7: {  	s29 =	simm.s32 $0x190;
	s30 =	simm.s32 $0x9BA0;
	s31 =	simm.s32 $0x9BF0  }
0x8: {  	s3 =	smul.u32 $0x9C4, s11;
	[smem:$0x7FF] =	sst s2;
	s5 =	sand.u32 $0x1, s5  }
0x9: {  	s9 =	smul.u32 $0x9C00, s11;
	s10 =	sadd.s32 $0x16600, s4;
	s14 =	sadd.s32 $0x9C000, s1  }
0xa: {  	p0 =	sne.s32 s11, $0x0;
	s26 =	sshll.u32 s11, $0x6;
	s11 =	simm.s32 $0x4E20  }
0xb: {  	_ =	strace $0x8000004A;
	s7 =	ssub.s32 $0x2, s5;
	s23 =	smul.u32 $0x9C400, s5  }
0xc: {  	s14 =	sshrl.u32 @!p0 s14, $0x3;
	s6 =	sadd.s32 s3, s4;
	s8 =	sshrl.u32 s7, $0x1  }
0xd: {  	s3 =	sadd.s32 $0x15200, s4;
	s13 =	sadd.s32 s9, s1;
	s12 =	ssub.s32 s7, s8  }
0xe: {  	s4 =	sadd.s32 $0xB400, s6;
	s5 =	sadd.s32 $0x1600, s6;
	s24 =	sshrl.u32 s23, $0x3  }
0xf: {  	s7 =	sadd.s32 s9, s23;
	s13 =	sshrl.u32 s13, $0x3;
	s23 =	simm.s32 $0xD840  }
0x10: {  	s6 =	sadd.s32 s0, s24;
	s25 =	sshrl.u32 s7, $0x3;
	s8 =	sadd.s32 s10, s24  }
0x11: {  	s9 =	smax.u32 s12, $0x1;
	s12 =	sor.u32 $0x1C03, s26;
	s24 =	simm.s32 $0x4EC0  }
0x12: {  	s26 =	simm.s32 $0x140;
	s0 =	simm.s32 $0x0;
	s7 =	sadd.s32 s10, s25  }
0x13: {  	s8 =	sadd.s32 $0x13800, s8;
	s10 =	simm.s32 $0x3;
	s25 =	simm.s32 $0x2  }
.LBB2_1:
0x14: {  	[tilespmem:s2], [sflag:$0x3] =	stream.linear.gather [hbm4b:s4+s2], $0x4E20, $0x38;
	[tilespmem:$0x18880] =	vst v63  }
0x15: {  	_ =	swait.ge [sflag:s10], $0x4E20  }
0x16: {  	[sflag:s10] =	ssyncset.done $0x0  }
0x17: {  	[sflag:s10] =	ssyncadd.s32 $0xFFFFB1E0  }
0x18: {  	[tilespmem:s11], [sflag:$0x3] =	stream.linear.gather [hbm4b:s5+s2], $0x4E20, $0x38;
	[tilespmem:$0x18880] =	vst v63  }
0x19: {  	_ =	swait.ge [sflag:s10], $0x4E20  }
0x1a: {  	[sflag:s10] =	ssyncset.done $0x0  }
0x1b: {  	[sflag:s10] =	ssyncadd.s32 $0xFFFFB1E0  }
0x1c: {  	[spmem:s13], [sflag:s12] =	dma.local [hbm:s3], $0x1380  }
0x1d: {  	_ =	swait.ge [sflag:s10], $0x1380  }
0x1e: {  	[sflag:s10] =	ssyncset.done $0x0  }
0x1f: {  	s19 =	simm.s32 @!p0 $0x3;
	[sflag:s10] =	ssyncadd.s32 $0xFFFFEC80  }
0x20: {  	[spmem:s14], [sflag:s12] =	dma.local @!p0 [hbm:s3], $0x80  }
0x21: {  	_ =	swait.ge @!p0 [sflag:s19], $0x80  }
0x22: {  	[sflag:s19] =	ssyncset.done @!p0 $0x0  }
0x23: {  	[sflag:s19] =	ssyncadd.s32 @!p0 $0xFFFFFF80  }
0x24: {  	[bflag:$0x0] =	sbarrier.arrive $0xFFFF  }
0x25: {  	[tilespmem:s16], [sflag:$0x1] =	stream.indirect.gather [hbm4b:s6+s15], $0x40, s2, s15, $0xb8;
	[tilespmem:$0x18880] =	vst v63  }
0x26: {  	_ = 	snop  }
0x27: {  	[tilespmem:s17], [sflag:$0x1] =	stream.indirect.gather [hbm4b:s6+s15], $0x40, s15, s15, $0xb8;
	[tilespmem:$0x18880] =	vst v63  }
0x28: {  	_ =	swait.ge [sflag:s18], $0x1400  }
0x29: {  	[sflag:s18] =	ssyncset.done $0x0  }
0x2a: {  	[sflag:s18] =	ssyncadd.s32 $0xFFFFEC00  }
0x2b: {  	[spmem:s1] =	stream.indirect.scatter.add.f32 [tilespmem:s16], [sflag:$0x2], $0x40, s11, s15, $0xb8;
	[tilespmem:$0x18880] =	vst v63  }
0x2c: {  	s21 =	simm.s32 $0xA0  }
0x2d: {  	[tilespmem:s20], [sflag:$0x1] =	stream.indirect.gather [hbm4b:s6+s15], $0x40, s21, s15, $0xb8;
	[tilespmem:$0x18880] =	vst v63  }
0x2e: {  	_ =	swait.ge [sflag:s18], $0x1400  }
0x2f: {  	[sflag:s18] =	ssyncset.done $0x0  }
0x30: {  	s22 =	simm.s32 $0x4E70;
	[sflag:s18] =	ssyncadd.s32 $0xFFFFEC00  }
0x31: {  	[spmem:s1] =	stream.indirect.scatter.add.f32 [tilespmem:s17], [sflag:$0x2], $0x40, s22, s15, $0xb8;
	[tilespmem:$0x18880] =	vst v63  }
0x32: {  	s21 =	simm.s32 $0xF0  }
0x33: {  	[tilespmem:s23], [sflag:$0x1] =	stream.indirect.gather [hbm4b:s6+s15], $0x40, s21, s15, $0xb8;
	[tilespmem:$0x18880] =	vst v63  }
0x34: {  	_ =	swait.ge [sflag:s18], $0x1400  }
0x35: {  	[sflag:s18] =	ssyncset.done $0x0  }
0x36: {  	[sflag:s18] =	ssyncadd.s32 $0xFFFFEC00  }
0x37: {  	[spmem:s1] =	stream.indirect.scatter.add.f32 [tilespmem:s20], [sflag:$0x2], $0x40, s24, s15, $0xb8;
	[tilespmem:$0x18880] =	vst v63  }
0x38: {  	_ =	swait.ge [sflag:s25], $0x1400  }
0x39: {  	[sflag:s25] =	ssyncset.done $0x0  }
0x3a: {  	[sflag:s25] =	ssyncadd.s32 $0xFFFFEC00  }
0x3b: {  	[tilespmem:s16], [sflag:$0x1] =	stream.indirect.gather [hbm4b:s6+s15], $0x40, s26, s15, $0xb8;
	[tilespmem:$0x18880] =	vst v63  }
0x3c: {  	_ =	swait.ge [sflag:s18], $0x1400  }
0x3d: {  	[sflag:s18] =	ssyncset.done $0x0  }
0x3e: {  	[sflag:s18] =	ssyncadd.s32 $0xFFFFEC00  }
0x3f: {  	[spmem:s1] =	stream.indirect.scatter.add.f32 [tilespmem:s23], [sflag:$0x2], $0x40, s28, s15, $0xb8;
	[tilespmem:$0x18880] =	vst v63  }
0x40: {  	_ =	swait.ge [sflag:s25], $0x1400  }
0x41: {  	[sflag:s25] =	ssyncset.done $0x0  }
0x42: {  	[sflag:s25] =	ssyncadd.s32 $0xFFFFEC00  }
0x43: {  	[tilespmem:s17], [sflag:$0x1] =	stream.indirect.gather [hbm4b:s6+s15], $0x40, s29, s15, $0xb8;
	[tilespmem:$0x18880] =	vst v63  }
0x44: {  	_ =	swait.ge [sflag:s18], $0x1400  }
0x45: {  	[sflag:s18] =	ssyncset.done $0x0  }
0x46: {  	s22 =	simm.s32 $0x4F60;
	[sflag:s18] =	ssyncadd.s32 $0xFFFFEC00  }
0x47: {  	[spmem:s1] =	stream.indirect.scatter.add.f32 [tilespmem:s16], [sflag:$0x2], $0x40, s22, s15, $0xb8;
	[tilespmem:$0x18880] =	vst v63  }
0x48: {  	_ =	swait.ge [sflag:s25], $0x1400  }
0x49: {  	[sflag:s25] =	ssyncset.done $0x0  }
0x4a: {  	s21 =	simm.s32 $0x1E0;
	[sflag:s25] =	ssyncadd.s32 $0xFFFFEC00  }
0x4b: {  	[tilespmem:s20], [sflag:$0x1] =	stream.indirect.gather [hbm4b:s6+s15], $0x40, s21, s15, $0xb8;
	[tilespmem:$0x18880] =	vst v63  }
0x4c: {  	_ =	swait.ge [sflag:s18], $0x1400  }
0x4d: {  	[sflag:s18] =	ssyncset.done $0x0  }
0x4e: {  	s22 =	simm.s32 $0x4FB0;
	[sflag:s18] =	ssyncadd.s32 $0xFFFFEC00  }
0x4f: {  	[spmem:s1] =	stream.indirect.scatter.add.f32 [tilespmem:s17], [sflag:$0x2], $0x40, s22, s15, $0xb8;
	[tilespmem:$0x18880] =	vst v63  }
0x50: {  	_ =	swait.ge [sflag:s25], $0x1400  }
0x51: {  	[sflag:s25] =	ssyncset.done $0x0  }
0x52: {  	s21 =	simm.s32 $0x230;
	[sflag:s25] =	ssyncadd.s32 $0xFFFFEC00  }
0x53: {  	[tilespmem:s23], [sflag:$0x1] =	stream.indirect.gather [hbm4b:s6+s15], $0x40, s21, s15, $0xb8;
	[tilespmem:$0x18880] =	vst v63  }
0x54: {  	_ =	swait.ge [sflag:s18], $0x1400  }
0x55: {  	[sflag:s18] =	ssyncset.done $0x0  }
0x56: {  	s22 =	simm.s32 $0x5000;
	[sflag:s18] =	ssyncadd.s32 $0xFFFFEC00  }
0x57: {  	[spmem:s1] =	stream.indirect.scatter.add.f32 [tilespmem:s20], [sflag:$0x2], $0x40, s22, s15, $0xb8;
	[tilespmem:$0x18880] =	vst v63  }
0x58: {  	_ =	swait.ge [sflag:s25], $0x1400  }
0x59: {  	[sflag:s25] =	ssyncset.done $0x0  }
0x5a: {  	s21 =	simm.s32 $0x280;
	[sflag:s25] =	ssyncadd.s32 $0xFFFFEC00  }
0x5b: {  	[tilespmem:s16], [sflag:$0x1] =	stream.indirect.gather [hbm4b:s6+s15], $0x40, s21, s15, $0xb8;
	[tilespmem:$0x18880] =	vst v63  }
0x5c: {  	_ =	swait.ge [sflag:s18], $0x1400  }
0x5d: {  	[sflag:s18] =	ssyncset.done $0x0  }
0x5e: {  	s22 =	simm.s32 $0x5050;
	[sflag:s18] =	ssyncadd.s32 $0xFFFFEC00  }
0x5f: {  	[spmem:s1] =	stream.indirect.scatter.add.f32 [tilespmem:s23], [sflag:$0x2], $0x40, s22, s15, $0xb8;
	[tilespmem:$0x18880] =	vst v63  }
0x60: {  	_ =	swait.ge [sflag:s25], $0x1400  }
0x61: {  	[sflag:s25] =	ssyncset.done $0x0  }
0x62: {  	s19 =	simm.s32 $0x500;
	s21 =	simm.s32 $0x2D0;
	[sflag:s25] =	ssyncadd.s32 $0xFFFFEC00  }
.LBB2_2:
0x63: {  	[tilespmem:s17], [sflag:$0x1] =	stream.indirect.gather [hbm4b:s6+s15], $0x40, s21, s15, $0xb8;
	[tilespmem:$0x18880] =	vst v63  }
0x64: {  	s21 =	smov.u32 s19  }
0x65: {  	p1 =	sne.s32 s19, $0x12C00;
	s19 =	sadd.s32 $0x500, s19;
	_ =	swait.ge [sflag:s18], $0x1400  }
0x66: {  	s21 =	sshra.s32 s21, $0x2;
	[sflag:s18] =	ssyncset.done $0x0  }
0x67: {  	s22 =	sadd.s32 $0x4F60, s21;
	[sflag:s18] =	ssyncadd.s32 $0xFFFFEC00  }
0x68: {  	[spmem:s1] =	stream.indirect.scatter.add.f32 [tilespmem:s16], [sflag:$0x2], $0x40, s22, s15, $0xb8;
	[tilespmem:$0x18880] =	vst v63  }
0x69: {  	_ =	swait.ge [sflag:s25], $0x1400  }
0x6a: {  	[sflag:s25] =	ssyncset.done $0x0  }
0x6b: {  	s22 =	sadd.s32 $0x1E0, s21;
	[sflag:s25] =	ssyncadd.s32 $0xFFFFEC00  }
0x6c: {  	[tilespmem:s20], [sflag:$0x1] =	stream.indirect.gather [hbm4b:s6+s15], $0x40, s22, s15, $0xb8;
	[tilespmem:$0x18880] =	vst v63  }
0x6d: {  	_ =	swait.ge [sflag:s18], $0x1400  }
0x6e: {  	[sflag:s18] =	ssyncset.done $0x0  }
0x6f: {  	s22 =	sadd.s32 $0x4FB0, s21;
	[sflag:s18] =	ssyncadd.s32 $0xFFFFEC00  }
0x70: {  	[spmem:s1] =	stream.indirect.scatter.add.f32 [tilespmem:s17], [sflag:$0x2], $0x40, s22, s15, $0xb8;
	[tilespmem:$0x18880] =	vst v63  }
0x71: {  	_ =	swait.ge [sflag:s25], $0x1400  }
0x72: {  	[sflag:s25] =	ssyncset.done $0x0  }
0x73: {  	s22 =	sadd.s32 $0x230, s21;
	[sflag:s25] =	ssyncadd.s32 $0xFFFFEC00  }
0x74: {  	[tilespmem:s23], [sflag:$0x1] =	stream.indirect.gather [hbm4b:s6+s15], $0x40, s22, s15, $0xb8;
	[tilespmem:$0x18880] =	vst v63  }
0x75: {  	_ =	swait.ge [sflag:s18], $0x1400  }
0x76: {  	[sflag:s18] =	ssyncset.done $0x0  }
0x77: {  	s22 =	sadd.s32 $0x5000, s21;
	[sflag:s18] =	ssyncadd.s32 $0xFFFFEC00  }
0x78: {  	[spmem:s1] =	stream.indirect.scatter.add.f32 [tilespmem:s20], [sflag:$0x2], $0x40, s22, s15, $0xb8;
	[tilespmem:$0x18880] =	vst v63  }
0x79: {  	_ =	swait.ge [sflag:s25], $0x1400  }
0x7a: {  	[sflag:s25] =	ssyncset.done $0x0  }
0x7b: {  	s22 =	sadd.s32 $0x280, s21;
	[sflag:s25] =	ssyncadd.s32 $0xFFFFEC00  }
0x7c: {  	[tilespmem:s16], [sflag:$0x1] =	stream.indirect.gather [hbm4b:s6+s15], $0x40, s22, s15, $0xb8;
	[tilespmem:$0x18880] =	vst v63  }
0x7d: {  	_ =	swait.ge [sflag:s18], $0x1400  }
0x7e: {  	[sflag:s18] =	ssyncset.done $0x0  }
.Ltmp0:
0x7f: {  	s22 =	sadd.s32 $0x5050, s21;
	[sflag:s18] =	ssyncadd.s32 $0xFFFFEC00;
	(pc) =	sbr.rel @p1 .LBB2_2-.Ltmp0, $4  }
0x80: {  	[spmem:s1] =	stream.indirect.scatter.add.f32 [tilespmem:s23], [sflag:$0x2], $0x40, s22, s15, $0xb8;
	[tilespmem:$0x18880] =	vst v63  }
0x81: {  	_ =	swait.ge [sflag:s25], $0x1400  }
0x82: {  	[sflag:s25] =	ssyncset.done $0x0  }
0x83: {  	s21 =	sadd.s32 $0x2D0, s21;
	[sflag:s25] =	ssyncadd.s32 $0xFFFFEC00  }
0x84: {  	[tilespmem:s17], [sflag:$0x1] =	stream.indirect.gather [hbm4b:s6+s15], $0x40, s21, s15, $0xb8;
	[tilespmem:$0x18880] =	vst v63  }
0x85: {  	_ =	swait.ge [sflag:s18], $0x1400  }
0x86: {  	[sflag:s18] =	ssyncset.done $0x0  }
0x87: {  	[sflag:s18] =	ssyncadd.s32 $0xFFFFEC00  }
0x88: {  	[spmem:s1] =	stream.indirect.scatter.add.f32 [tilespmem:s16], [sflag:$0x2], $0x40, s30, s15, $0xb8;
	[tilespmem:$0x18880] =	vst v63  }
0x89: {  	_ =	swait.ge [sflag:s25], $0x1400  }
0x8a: {  	[sflag:s25] =	ssyncset.done $0x0  }
0x8b: {  	[sflag:s25] =	ssyncadd.s32 $0xFFFFEC00  }
0x8c: {  	_ =	swait.ge [sflag:s18], $0x1400  }
0x8d: {  	[sflag:s18] =	ssyncset.done $0x0  }
0x8e: {  	[sflag:s18] =	ssyncadd.s32 $0xFFFFEC00  }
0x8f: {  	[spmem:s1] =	stream.indirect.scatter.add.f32 [tilespmem:s17], [sflag:$0x2], $0x40, s31, s15, $0xb8;
	[tilespmem:$0x18880] =	vst v63  }
0x90: {  	_ =	swait.ge [sflag:s25], $0x1400  }
0x91: {  	[sflag:s25] =	ssyncset.done $0x0  }
0x92: {  	[sflag:s25] =	ssyncadd.s32 $0xFFFFEC00  }
0x93: {  	_ =	swait.ge [sflag:s25], $0x1400  }
0x94: {  	[sflag:s25] =	ssyncset.done $0x0  }
0x95: {  	[sflag:s25] =	ssyncadd.s32 $0xFFFFEC00  }
0x96: {  	_ =	swait.ge [sflag:s25], $0x1400  }
0x97: {  	[sflag:s25] =	ssyncset.done $0x0  }
0x98: {  	[sflag:s25] =	ssyncadd.s32 $0xFFFFEC00  }
0x99: {  	[bflag:$0x0] =	sbarrier.arrive $0xFFFF  }
0x9a: {  	[hbm:s7], [sflag:s12] =	dma.local [spmem:s13], $0x1380  }
0x9b: {  	s0 =	sadd.s32 $0x1, s0;
	_ =	swait.ge [sflag:s10], $0x1380  }
0x9c: {  	p1 =	sne.s32 s0, s9;
	[sflag:s10] =	ssyncset.done $0x0  }
.Ltmp1:
0x9d: {  	s19 =	simm.s32 @!p0 $0x3;
	[sflag:s10] =	ssyncadd.s32 $0xFFFFEC80;
	(pc) =	sbr.rel @p1 .LBB2_1-.Ltmp1, $4  }
0x9e: {  	[hbm:s8], [sflag:s12] =	dma.local @!p0 [spmem:s14], $0x80  }
0x9f: {  	_ =	swait.ge @!p0 [sflag:s19], $0x80  }
0xa0: {  	[sflag:s19] =	ssyncset.done @!p0 $0x0  }
0xa1: {  	[sflag:s19] =	ssyncadd.s32 @!p0 $0xFFFFFF80  }
0xa2: {  	_ =	sfence.sel $0x180000  }
0xa3: {  	[bflag:$0x0] =	sbarrier.arrive $0xFFFF  }
0xa4: {  	_ =	strace $0x9000004A  }
0xa5: {  	[bflag:$0x2] =	sbarrier.arrive $0xFFFF  }
0xa6: {  	s0 =	rddreg [dreg:$0x3]  }
0xa7: {  	s0 =	sadd.s32 @!p0 $0x100000, s0  }
0xa8: {  	[sflag:s0] =	ssyncadd.tile.s32 @!p0 $0x1;
	_ =	shalt  }
.Lfunc_end2:
_tile_overlayer_lowered:
.L_overlay_start_2:
0xa9: {  	(tag) =	ssettag $0x2  }
0xaa: {  	s0 =	rddreg [dreg:$0x0];
	s2 =	stileid.u32  }
0xab: {  	s1 =	rddreg [dreg:$0x1];
	p0 =	sne.s32 s2, $0x0  }
0xac: {  	s3 =	rddreg [dreg:$0x2];
	[bflag:$0x3] =	sbarrier.arrive $0xFFFF;
	s2 =	simm.s32 @!p0 $0x1C03  }
0xad: {  	[timem:s3], [sflag:s2] =	dma.local @!p0 [hbm:s0], s1  }
0xae: {  	s0 =	simm.s32 @!p0 $0x3  }
0xaf: {  	_ =	swait.ge @!p0 [sflag:s0], s1  }
0xb0: {  	s1 =	ssub.s32 @!p0 $0x0, s1;
	[sflag:s0] =	ssyncset.done @!p0 $0x0  }
0xb1: {  	[sflag:s0] =	ssyncadd.s32 @!p0 s1  }
0xb2: {  	[bflag:$0x3] =	sbarrier.arrive $0xFFFF  }
0xb3: {  	_ =	shalt  }

// kernel: kernel.15.cloned.1.call-start
scs
__scs_entry_jumppad:
0x0: {  	(pc) =	sbr.rel $0x88, $3  }
0x1: {  	(tag) =	ssettag $0x0;
	lr =	simm.s32 $0x1  }
0x2: {  	[smem:$0x3F9B] =	sst lr;
	_ =	strace $0xD0000000  }
0x3: {  	_ = 	snop  }
0x4: {  	_ = 	snop  }
0x5: {  	_ = 	snop  }
0x6: {  	_ = 	snop  }
0x7: {  	_ = 	snop  }
__scs_overlays_trampoline_lowered:
0x8: {  	[smem:$0x3FAA] =	sst s0  }
0x9: {  	[smem:$0x3FAB] =	sst s1  }
0xa: {  	[smem:$0x3FAC] =	sst s2  }
0xb: {  	[smem:$0x3FAD] =	sst s3  }
0xc: {  	[smem:$0x3FAE] =	sst s4  }
0xd: {  	[smem:$0x3FAF] =	sst s5  }
0xe: {  	[smem:$0x3FB0] =	sst s6  }
0xf: {  	[smem:$0x3FB1] =	sst s7  }
0x10: {  	[smem:$0x3FB2] =	sst s8  }
0x11: {  	[smem:$0x3FB3] =	sst s9;
	s0 =	simm.s32 @!p0 $0x0  }
0x12: {  	s1 =	sld [smem:$0x3F99];
	s0 =	simm.s32 @p0 $0x1  }
0x13: {  	[smem:$0x3FB4] =	sst s0;
	s0 =	simm.s32 @!p1 $0x0  }
0x14: {  	s2 =	sld [smem:$0x3F98];
	s0 =	simm.s32 @p1 $0x1  }
0x15: {  	[smem:$0x3FB5] =	sst s0;
	s0 =	simm.s32 @!p2 $0x0  }
0x16: {  	s3 =	sld [smem:$0x3FDB];
	s0 =	simm.s32 @p2 $0x1  }
0x17: {  	s4 =	simm.s32 $0x1BF5;
	[smem:$0x3FB7] =	sst s0  }
0x18: {  	s0 =	sld [smem:$0x3F9A];
	_ =	swait.ge [sflag:s4], $0x0  }
0x19: {  	s7 =	sld [smem:$0x3F9B]  }
0x1a: {  	s8 =	sadd.s32 $0xFFFFE003, lr  }
0x1b: {  	s9 =	sadd.s32 $0xFFFFFEF7, lr;
	s5 =	simm.s32 $0xFFFFFFFF;
	p2 =	slt.u32 s8, $0xFFFFF086  }
0x1c: {  	p1 =	slt.u32 s9, $0xF7A;
	s5 =	simm.s32 @!p2 $0x0  }
0x1d: {  	s5 =	simm.s32 @p1 $0x1;
	p0 =	seq.s32 s7, s2  }
0x1e: {  	s7 =	smul.u32 @!p0 $0xF7A, s2;
	p2 =	seq.s32 @!p0 s5, $0x0  }
0x1f: {  	s9 =	smul.u32 $0xF7A, s1;
	s8 =	simm.s32 @!p0 $0x1BF5;
	p2 =	por !p2, p0  }
0x20: {  	[sflag:s8] =	ssyncset.s32 @!p0 $0xFFFFF086;
	s6 =	sadd.s32 @!p0 s3, s7;
	s7 =	simm.s32 @!p0 $0x108  }
0x21: {  	s3 =	sadd.s32 s3, s9;
	s6 =	sadd.s32 @!p0 $0x88, s6;
	s7 =	simm.s32 @p2 $0x1082  }
0x22: {  	[simem:s7], [sflag:s8] =	dma.local @!p0 [hbm:s6], $0xF7A  }
0x23: {  	s9 =	sor.u32 $0xD0000000, s2;
	s6 =	simm.s32 $0x108;
	_ =	swait.ge @!p0 [sflag:s8], $0x0  }
0x24: {  	s3 =	sadd.s32 $0x88, s3;
	s6 =	simm.s32 @!p1 $0x1082;
	[sflag:s4] =	ssyncset.s32 $0xFFFFF086  }
0x25: {  	[simem:s6], [sflag:s4] =	dma.local [hbm:s3], $0xF7A  }
0x26: {  	[smem:$0x3F9B] =	sst s1;
	(tag) =	ssettag s2;
	_ =	strace s9  }
0x27: {  	s1 =	sld [smem:$0x3FAB]  }
0x28: {  	s2 =	sld [smem:$0x3FAC]  }
0x29: {  	s4 =	sld [smem:$0x3FAE]  }
0x2a: {  	p0 =	seq.s32 s5, $0x0;
	s5 =	sld [smem:$0x3FAF]  }
0x2b: {  	s6 =	sld [smem:$0x3FB0]  }
0x2c: {  	s7 =	sld [smem:$0x3FB1]  }
0x2d: {  	s3 =	simm.s32 $0x108;
	s8 =	sld [smem:$0x3FB2]  }
0x2e: {  	s3 =	simm.s32 @!p0 $0x1082;
	s9 =	sld [smem:$0x3FB3]  }
0x2f: {  	lr =	sadd.s32 s0, s3;
	s0 =	sld [smem:$0x3FAA]  }
0x30: {  	s3 =	sld [smem:$0x3FAD]  }
0x31: {  	[smem:$0x3FB6] =	sst s10  }
0x32: {  	s10 =	sld [smem:$0x3FB4];
	_ =	sdelay $0x3  }
0x33: {  	p0 =	seq.s32 s10, $0x1;
	s10 =	sld [smem:$0x3FB6];
	_ =	sdelay $0x3  }
0x34: {  	[smem:$0x3FB6] =	sst s10  }
0x35: {  	s10 =	sld [smem:$0x3FB5];
	_ =	sdelay $0x3  }
0x36: {  	p1 =	seq.s32 s10, $0x1;
	s10 =	sld [smem:$0x3FB6];
	_ =	sdelay $0x3  }
0x37: {  	[smem:$0x3FB6] =	sst s10  }
0x38: {  	s10 =	sld [smem:$0x3FB7]  }
0x39: {  	_ = 	snop;
	(pc) =	sbr.ind lr, $3  }
0x3a: {  	_ = 	snop  }
0x3b: {  	_ = 	snop  }
0x3c: {  	p2 =	seq.s32 s10, $0x1;
	s10 =	sld [smem:$0x3FB6]  }
0x3d: {  	_ =	shalt  }
0x3e: {  	_ =	shalt  }
0x3f: {  	_ =	shalt  }
0x40: {  	_ =	shalt  }
0x41: {  	_ =	shalt  }
0x42: {  	_ =	shalt  }
0x43: {  	_ =	shalt  }
0x44: {  	_ =	shalt  }
0x45: {  	_ =	shalt  }
0x46: {  	_ =	shalt  }
0x47: {  	_ =	shalt  }
0x48: {  	_ =	shalt  }
0x49: {  	_ =	shalt  }
0x4a: {  	_ =	shalt  }
0x4b: {  	_ =	shalt  }
0x4c: {  	_ =	shalt  }
0x4d: {  	_ =	shalt  }
0x4e: {  	_ =	shalt  }
0x4f: {  	_ =	shalt  }
0x50: {  	_ =	shalt  }
0x51: {  	_ =	shalt  }
0x52: {  	_ =	shalt  }
0x53: {  	_ =	shalt  }
0x54: {  	_ =	shalt  }
0x55: {  	_ =	shalt  }
0x56: {  	_ =	shalt  }
0x57: {  	_ =	shalt  }
0x58: {  	_ =	shalt  }
0x59: {  	_ =	shalt  }
0x5a: {  	_ =	shalt  }
0x5b: {  	_ =	shalt  }
0x5c: {  	_ =	shalt  }
0x5d: {  	_ =	shalt  }
0x5e: {  	_ =	shalt  }
0x5f: {  	_ =	shalt  }
0x60: {  	_ =	shalt  }
0x61: {  	_ =	shalt  }
0x62: {  	_ =	shalt  }
0x63: {  	_ =	shalt  }
0x64: {  	_ =	shalt  }
0x65: {  	_ =	shalt  }
0x66: {  	_ =	shalt  }
0x67: {  	_ =	shalt  }
0x68: {  	_ =	shalt  }
0x69: {  	_ =	shalt  }
0x6a: {  	_ =	shalt  }
0x6b: {  	_ =	shalt  }
0x6c: {  	_ =	shalt  }
0x6d: {  	_ =	shalt  }
0x6e: {  	_ =	shalt  }
0x6f: {  	_ =	shalt  }
0x70: {  	_ =	shalt  }
0x71: {  	_ =	shalt  }
0x72: {  	_ =	shalt  }
0x73: {  	_ =	shalt  }
0x74: {  	_ =	shalt  }
0x75: {  	_ =	shalt  }
0x76: {  	_ =	shalt  }
0x77: {  	_ =	shalt  }
0x78: {  	_ =	shalt  }
0x79: {  	_ =	shalt  }
0x7a: {  	_ =	shalt  }
0x7b: {  	_ =	shalt  }
0x7c: {  	_ =	shalt  }
0x7d: {  	_ =	shalt  }
0x7e: {  	_ =	shalt  }
0x7f: {  	_ =	shalt  }
0x80: {  	_ =	shalt  }
0x81: {  	_ =	shalt  }
0x82: {  	_ =	shalt  }
0x83: {  	_ =	shalt  }
0x84: {  	_ =	shalt  }
0x85: {  	_ =	shalt  }
0x86: {  	_ =	shalt  }
0x87: {  	_ =	shalt  }
.Lfunc_end0:
.L_simem_size_0:
called_computation.2_lowered:
.L_overlay_start_0:
0x88: {  	s2 =	sld [smem:$0x3FD9]  }
0x89: {  	s3 =	sld [smem:$0x3FFE];
	_ =	sdelay $0x1  }
0x8a: {  	s1 =	srdreg.scid  }
0x8b: {  	s0 =	sand.u32 $0x1, s1  }
0x8c: {  	s17 =	sshll.u32 s0, $0xA;
	s2 =	sadd.s32 s3, s2  }
0x8d: {  	s2 =	sadd.s32 s2, s17  }
0x8e: {  	[smem:$0x3FC2] =	sst s2  }
0x8f: {  	_ = 	snop  }
0x90: {  	s2 =	sld [smem:$0x3FD0];
	(tm) =	ssettm $0x1  }
0x91: {  	s18 =	sld [smem:$0x3FFB];
	_ =	sdelay $0x3  }
0x92: {  	_ =	strace s18  }
0x93: {  	s3 =	sld [smem:$0x3FFC];
	_ =	sdelay $0x3  }
0x94: {  	_ =	strace s3  }
0x95: {  	s3 =	sld [smem:$0x3FFD];
	_ =	sdelay $0x3  }
0x96: {  	_ =	strace s3  }
0x97: {  	_ =	strace $0x8FFFFFFF  }
0x98: {  	s19 =	sld [smem:$0x3FDB];
	_ =	sdelay $0x1  }
0x99: {  	s4 =	simm.s32 $_scs_section_size  }
0x9a: {  	s5 =	simm.s32 $_size__tile_overlayer_lowered;
	s6 =	simm.s32 $_tile_overlayer_lowered  }
0x9b: {  	s22 =	simm.s32 $0x1BFF;
	s21 =	sshll.u32 s6, $0x1;
	s3 =	sadd.s32 s4, s19  }
0x9c: {  	s7 =	simm.s32 $0x0;
	s20 =	sshll.u32 s5, $0x1;
	s5 =	sadd.s32 s21, s3  }
0x9d: {  	[timem:s7], [sflag:s22] =	dma.local [hbm:s5], s20  }
0x9e: {  	_ =	swait.ge [sflag:s22], s20  }
0x9f: {  	s4 =	ssub.s32 $0x0, s20;
	[sflag:s22] =	ssyncset.done $0x0  }
0xa0: {  	[sflag:s22] =	ssyncadd.s32 s4;
	_ =	sdelay $0x1  }
0xa1: {  	s23 =	simm.s32 $0x1B8B  }
0xa2: {  	_ =	swait.ge [sflag:s23], $0x1  }
0xa3: {  	[sflag:s23] =	ssyncset.done $0x0  }
0xa4: {  	s25 =	simm.s32 $0x1B8E;
	s24 =	sld [smem:$0x3FFE];
	[sflag:s23] =	ssyncadd.s32 $0xFFFFFFFF  }
0xa5: {  	s26 =	simm.s32 $execute0_lowered;
	[smem:$0x3FD2] =	sst s25  }
0xa6: {  	s5 =	sshll.u32 s26, $0x1;
	_ =	strace $0x8000004C;
	[dreg:$0x1] =	wrdreg $0xFFFFFFFF  }
0xa7: {  	s28 =	simm.s32 $_size_execute0_lowered;
	s3 =	sadd.s32 s3, s5;
	[dreg:$0x0] =	wrdreg $0x0  }
0xa8: {  	s5 =	sshll.u32 s28, $0x1;
	[dreg:$0x2] =	wrdreg s3  }
0xa9: {  	[dreg:$0x3] =	wrdreg s5  }
0xaa: {  	[dreg:$0x4] =	wrdreg $0xC0  }
0xab: {  	_ =	task [dreg:s7], $0x5FFFF  }
0xac: {  	[dreg:$0x1] =	wrdreg $0xFFFFFFFF  }
0xad: {  	[dreg:$0x0] =	wrdreg $0x60  }
0xae: {  	[dreg:$0x2] =	wrdreg s2  }
0xaf: {  	[dreg:$0x3] =	wrdreg s24  }
0xb0: {  	[dreg:$0x4] =	wrdreg $0xEC400  }
0xb1: {  	[dreg:$0x5] =	wrdreg $0x9  }
0xb2: {  	_ =	task.clear_ibuf [dreg:s7], $0x6FFFF;
	_ =	strace $0x9000004C  }
0xb3: {  	s29 =	simm.s32 $0x9;
	_ =	strace $0x8000004E  }
0xb4: {  	_ =	swait.ge [sflag:s29], $0x1  }
0xb5: {  	[sflag:s29] =	ssyncadd.s32 $0xFFFFFFFF  }
0xb6: {  	_ =	strace $0x9000004E  }
0xb7: {  	_ =	sfence  }
0xb8: {  	s30 =	sld [smem:$0x0];
	_ =	sdelay $0x2  }
0xb9: {  	s31 =	sshll.u32 s1, $0xD;
	s1 =	sshrl.u32 s1, $0x2  }
0xba: {  	s3 =	sand.u32 $0x4000, s31;
	s1 =	sadd.s32 s1, s30  }
0xbb: {  	s0 =	sor.u32 s3, s0;
	s1 =	sshll.u32 s1, $0x11  }
0xbc: {  	s0 =	sor.u32 s1, s0  }
0xbd: {  	s0 =	sadd.s32 $0x8F2B, s0  }
0xbe: {  	[sflag:s0] =	ssyncadd.remote.s32 $0x1  }
0xbf: {  	_ =	sfence.sel $0xFFFF  }
0xc0: {  	[dreg:$0x0] =	wrdreg $0xFFFFFFFF;
	(pc) =	sbr.abs _section_cstart, $3  }
0xc1: {  	[dreg:$0x1] =	wrdreg $0xFFFFFFFF  }
0xc2: {  	_ =	task.clear_ibuf [dreg:s7], $0x2FFFF;
	_ =	strace $0x9FFFFFFF  }
0xc3: {  	(tm) =	ssettm $0x7FFFFFFF  }
tec
execute0_lowered:
.L_overlay_start_1:
0x0: {  	(tag) =	ssettag $0x1  }
0x1: {  	s0 =	rddreg [dreg:$0x0]  }
0x2: {  	s4 =	rddreg [dreg:$0x1]  }
0x3: {  	s1 =	rddreg [dreg:$0x2]  }
0x4: {  	s11 =	stileid.u32;
	s2 =	simm.s32 $0x0;
	s5 =	srdreg.scid  }
0x5: {  	s15 =	simm.s32 $0x50;
	s16 =	simm.s32 $0x9C40;
	s17 =	simm.s32 $0xB040  }
0x6: {  	s18 =	simm.s32 $0x1;
	s20 =	simm.s32 $0xC440;
	s28 =	simm.s32 $0x4F10  }
0x7: {  	s29 =	simm.s32 $0x190;
	s30 =	simm.s32 $0x9BA0;
	s31 =	simm.s32 $0x9BF0  }
0x8: {  	s3 =	smul.u32 $0x9C4, s11;
	[smem:$0x7FF] =	sst s2;
	s5 =	sand.u32 $0x1, s5  }
0x9: {  	s9 =	smul.u32 $0x9C00, s11;
	s10 =	sadd.s32 $0x16600, s4;
	s14 =	sadd.s32 $0x9C000, s1  }
0xa: {  	p0 =	sne.s32 s11, $0x0;
	s26 =	sshll.u32 s11, $0x6;
	s11 =	simm.s32 $0x4E20  }
0xb: {  	_ =	strace $0x8000004D;
	s7 =	ssub.s32 $0x2, s5;
	s23 =	smul.u32 $0x9C400, s5  }
0xc: {  	s14 =	sshrl.u32 @!p0 s14, $0x3;
	s6 =	sadd.s32 s3, s4;
	s8 =	sshrl.u32 s7, $0x1  }
0xd: {  	s3 =	sadd.s32 $0x15200, s4;
	s13 =	sadd.s32 s9, s1;
	s12 =	ssub.s32 s7, s8  }
0xe: {  	s4 =	sadd.s32 $0xB400, s6;
	s5 =	sadd.s32 $0x1600, s6;
	s24 =	sshrl.u32 s23, $0x3  }
0xf: {  	s7 =	sadd.s32 s9, s23;
	s13 =	sshrl.u32 s13, $0x3;
	s23 =	simm.s32 $0xD840  }
0x10: {  	s6 =	sadd.s32 s0, s24;
	s25 =	sshrl.u32 s7, $0x3;
	s8 =	sadd.s32 s10, s24  }
0x11: {  	s9 =	smax.u32 s12, $0x1;
	s12 =	sor.u32 $0x1C03, s26;
	s24 =	simm.s32 $0x4EC0  }
0x12: {  	s26 =	simm.s32 $0x140;
	s0 =	simm.s32 $0x0;
	s7 =	sadd.s32 s10, s25  }
0x13: {  	s8 =	sadd.s32 $0x13800, s8;
	s10 =	simm.s32 $0x3;
	s25 =	simm.s32 $0x2  }
.LBB2_1:
0x14: {  	[tilespmem:s2], [sflag:$0x3] =	stream.linear.gather [hbm4b:s4+s2], $0x4E20, $0x38;
	[tilespmem:$0x18880] =	vst v63  }
0x15: {  	_ =	swait.ge [sflag:s10], $0x4E20  }
0x16: {  	[sflag:s10] =	ssyncset.done $0x0  }
0x17: {  	[sflag:s10] =	ssyncadd.s32 $0xFFFFB1E0  }
0x18: {  	[tilespmem:s11], [sflag:$0x3] =	stream.linear.gather [hbm4b:s5+s2], $0x4E20, $0x38;
	[tilespmem:$0x18880] =	vst v63  }
0x19: {  	_ =	swait.ge [sflag:s10], $0x4E20  }
0x1a: {  	[sflag:s10] =	ssyncset.done $0x0  }
0x1b: {  	[sflag:s10] =	ssyncadd.s32 $0xFFFFB1E0  }
0x1c: {  	[spmem:s13], [sflag:s12] =	dma.local [hbm:s3], $0x1380  }
0x1d: {  	_ =	swait.ge [sflag:s10], $0x1380  }
0x1e: {  	[sflag:s10] =	ssyncset.done $0x0  }
0x1f: {  	s19 =	simm.s32 @!p0 $0x3;
	[sflag:s10] =	ssyncadd.s32 $0xFFFFEC80  }
0x20: {  	[spmem:s14], [sflag:s12] =	dma.local @!p0 [hbm:s3], $0x80  }
0x21: {  	_ =	swait.ge @!p0 [sflag:s19], $0x80  }
0x22: {  	[sflag:s19] =	ssyncset.done @!p0 $0x0  }
0x23: {  	[sflag:s19] =	ssyncadd.s32 @!p0 $0xFFFFFF80  }
0x24: {  	[bflag:$0x0] =	sbarrier.arrive $0xFFFF  }
0x25: {  	[tilespmem:s16], [sflag:$0x1] =	stream.indirect.gather [hbm4b:s6+s15], $0x40, s2, s15, $0xb8;
	[tilespmem:$0x18880] =	vst v63  }
0x26: {  	_ = 	snop  }
0x27: {  	[tilespmem:s17], [sflag:$0x1] =	stream.indirect.gather [hbm4b:s6+s15], $0x40, s15, s15, $0xb8;
	[tilespmem:$0x18880] =	vst v63  }
0x28: {  	_ =	swait.ge [sflag:s18], $0x1400  }
0x29: {  	[sflag:s18] =	ssyncset.done $0x0  }
0x2a: {  	[sflag:s18] =	ssyncadd.s32 $0xFFFFEC00  }
0x2b: {  	[spmem:s1] =	stream.indirect.scatter.add.f32 [tilespmem:s16], [sflag:$0x2], $0x40, s11, s15, $0xb8;
	[tilespmem:$0x18880] =	vst v63  }
0x2c: {  	s21 =	simm.s32 $0xA0  }
0x2d: {  	[tilespmem:s20], [sflag:$0x1] =	stream.indirect.gather [hbm4b:s6+s15], $0x40, s21, s15, $0xb8;
	[tilespmem:$0x18880] =	vst v63  }
0x2e: {  	_ =	swait.ge [sflag:s18], $0x1400  }
0x2f: {  	[sflag:s18] =	ssyncset.done $0x0  }
0x30: {  	s22 =	simm.s32 $0x4E70;
	[sflag:s18] =	ssyncadd.s32 $0xFFFFEC00  }
0x31: {  	[spmem:s1] =	stream.indirect.scatter.add.f32 [tilespmem:s17], [sflag:$0x2], $0x40, s22, s15, $0xb8;
	[tilespmem:$0x18880] =	vst v63  }
0x32: {  	s21 =	simm.s32 $0xF0  }
0x33: {  	[tilespmem:s23], [sflag:$0x1] =	stream.indirect.gather [hbm4b:s6+s15], $0x40, s21, s15, $0xb8;
	[tilespmem:$0x18880] =	vst v63  }
0x34: {  	_ =	swait.ge [sflag:s18], $0x1400  }
0x35: {  	[sflag:s18] =	ssyncset.done $0x0  }
0x36: {  	[sflag:s18] =	ssyncadd.s32 $0xFFFFEC00  }
0x37: {  	[spmem:s1] =	stream.indirect.scatter.add.f32 [tilespmem:s20], [sflag:$0x2], $0x40, s24, s15, $0xb8;
	[tilespmem:$0x18880] =	vst v63  }
0x38: {  	_ =	swait.ge [sflag:s25], $0x1400  }
0x39: {  	[sflag:s25] =	ssyncset.done $0x0  }
0x3a: {  	[sflag:s25] =	ssyncadd.s32 $0xFFFFEC00  }
0x3b: {  	[tilespmem:s16], [sflag:$0x1] =	stream.indirect.gather [hbm4b:s6+s15], $0x40, s26, s15, $0xb8;
	[tilespmem:$0x18880] =	vst v63  }
0x3c: {  	_ =	swait.ge [sflag:s18], $0x1400  }
0x3d: {  	[sflag:s18] =	ssyncset.done $0x0  }
0x3e: {  	[sflag:s18] =	ssyncadd.s32 $0xFFFFEC00  }
0x3f: {  	[spmem:s1] =	stream.indirect.scatter.add.f32 [tilespmem:s23], [sflag:$0x2], $0x40, s28, s15, $0xb8;
	[tilespmem:$0x18880] =	vst v63  }
0x40: {  	_ =	swait.ge [sflag:s25], $0x1400  }
0x41: {  	[sflag:s25] =	ssyncset.done $0x0  }
0x42: {  	[sflag:s25] =	ssyncadd.s32 $0xFFFFEC00  }
0x43: {  	[tilespmem:s17], [sflag:$0x1] =	stream.indirect.gather [hbm4b:s6+s15], $0x40, s29, s15, $0xb8;
	[tilespmem:$0x18880] =	vst v63  }
0x44: {  	_ =	swait.ge [sflag:s18], $0x1400  }
0x45: {  	[sflag:s18] =	ssyncset.done $0x0  }
0x46: {  	s22 =	simm.s32 $0x4F60;
	[sflag:s18] =	ssyncadd.s32 $0xFFFFEC00  }
0x47: {  	[spmem:s1] =	stream.indirect.scatter.add.f32 [tilespmem:s16], [sflag:$0x2], $0x40, s22, s15, $0xb8;
	[tilespmem:$0x18880] =	vst v63  }
0x48: {  	_ =	swait.ge [sflag:s25], $0x1400  }
0x49: {  	[sflag:s25] =	ssyncset.done $0x0  }
0x4a: {  	s21 =	simm.s32 $0x1E0;
	[sflag:s25] =	ssyncadd.s32 $0xFFFFEC00  }
0x4b: {  	[tilespmem:s20], [sflag:$0x1] =	stream.indirect.gather [hbm4b:s6+s15], $0x40, s21, s15, $0xb8;
	[tilespmem:$0x18880] =	vst v63  }
0x4c: {  	_ =	swait.ge [sflag:s18], $0x1400  }
0x4d: {  	[sflag:s18] =	ssyncset.done $0x0  }
0x4e: {  	s22 =	simm.s32 $0x4FB0;
	[sflag:s18] =	ssyncadd.s32 $0xFFFFEC00  }
0x4f: {  	[spmem:s1] =	stream.indirect.scatter.add.f32 [tilespmem:s17], [sflag:$0x2], $0x40, s22, s15, $0xb8;
	[tilespmem:$0x18880] =	vst v63  }
0x50: {  	_ =	swait.ge [sflag:s25], $0x1400  }
0x51: {  	[sflag:s25] =	ssyncset.done $0x0  }
0x52: {  	s21 =	simm.s32 $0x230;
	[sflag:s25] =	ssyncadd.s32 $0xFFFFEC00  }
0x53: {  	[tilespmem:s23], [sflag:$0x1] =	stream.indirect.gather [hbm4b:s6+s15], $0x40, s21, s15, $0xb8;
	[tilespmem:$0x18880] =	vst v63  }
0x54: {  	_ =	swait.ge [sflag:s18], $0x1400  }
0x55: {  	[sflag:s18] =	ssyncset.done $0x0  }
0x56: {  	s22 =	simm.s32 $0x5000;
	[sflag:s18] =	ssyncadd.s32 $0xFFFFEC00  }
0x57: {  	[spmem:s1] =	stream.indirect.scatter.add.f32 [tilespmem:s20], [sflag:$0x2], $0x40, s22, s15, $0xb8;
	[tilespmem:$0x18880] =	vst v63  }
0x58: {  	_ =	swait.ge [sflag:s25], $0x1400  }
0x59: {  	[sflag:s25] =	ssyncset.done $0x0  }
0x5a: {  	s21 =	simm.s32 $0x280;
	[sflag:s25] =	ssyncadd.s32 $0xFFFFEC00  }
0x5b: {  	[tilespmem:s16], [sflag:$0x1] =	stream.indirect.gather [hbm4b:s6+s15], $0x40, s21, s15, $0xb8;
	[tilespmem:$0x18880] =	vst v63  }
0x5c: {  	_ =	swait.ge [sflag:s18], $0x1400  }
0x5d: {  	[sflag:s18] =	ssyncset.done $0x0  }
0x5e: {  	s22 =	simm.s32 $0x5050;
	[sflag:s18] =	ssyncadd.s32 $0xFFFFEC00  }
0x5f: {  	[spmem:s1] =	stream.indirect.scatter.add.f32 [tilespmem:s23], [sflag:$0x2], $0x40, s22, s15, $0xb8;
	[tilespmem:$0x18880] =	vst v63  }
0x60: {  	_ =	swait.ge [sflag:s25], $0x1400  }
0x61: {  	[sflag:s25] =	ssyncset.done $0x0  }
0x62: {  	s19 =	simm.s32 $0x500;
	s21 =	simm.s32 $0x2D0;
	[sflag:s25] =	ssyncadd.s32 $0xFFFFEC00  }
.LBB2_2:
0x63: {  	[tilespmem:s17], [sflag:$0x1] =	stream.indirect.gather [hbm4b:s6+s15], $0x40, s21, s15, $0xb8;
	[tilespmem:$0x18880] =	vst v63  }
0x64: {  	s21 =	smov.u32 s19  }
0x65: {  	p1 =	sne.s32 s19, $0x12C00;
	s19 =	sadd.s32 $0x500, s19;
	_ =	swait.ge [sflag:s18], $0x1400  }
0x66: {  	s21 =	sshra.s32 s21, $0x2;
	[sflag:s18] =	ssyncset.done $0x0  }
0x67: {  	s22 =	sadd.s32 $0x4F60, s21;
	[sflag:s18] =	ssyncadd.s32 $0xFFFFEC00  }
0x68: {  	[spmem:s1] =	stream.indirect.scatter.add.f32 [tilespmem:s16], [sflag:$0x2], $0x40, s22, s15, $0xb8;
	[tilespmem:$0x18880] =	vst v63  }
0x69: {  	_ =	swait.ge [sflag:s25], $0x1400  }
0x6a: {  	[sflag:s25] =	ssyncset.done $0x0  }
0x6b: {  	s22 =	sadd.s32 $0x1E0, s21;
	[sflag:s25] =	ssyncadd.s32 $0xFFFFEC00  }
0x6c: {  	[tilespmem:s20], [sflag:$0x1] =	stream.indirect.gather [hbm4b:s6+s15], $0x40, s22, s15, $0xb8;
	[tilespmem:$0x18880] =	vst v63  }
0x6d: {  	_ =	swait.ge [sflag:s18], $0x1400  }
0x6e: {  	[sflag:s18] =	ssyncset.done $0x0  }
0x6f: {  	s22 =	sadd.s32 $0x4FB0, s21;
	[sflag:s18] =	ssyncadd.s32 $0xFFFFEC00  }
0x70: {  	[spmem:s1] =	stream.indirect.scatter.add.f32 [tilespmem:s17], [sflag:$0x2], $0x40, s22, s15, $0xb8;
	[tilespmem:$0x18880] =	vst v63  }
0x71: {  	_ =	swait.ge [sflag:s25], $0x1400  }
0x72: {  	[sflag:s25] =	ssyncset.done $0x0  }
0x73: {  	s22 =	sadd.s32 $0x230, s21;
	[sflag:s25] =	ssyncadd.s32 $0xFFFFEC00  }
0x74: {  	[tilespmem:s23], [sflag:$0x1] =	stream.indirect.gather [hbm4b:s6+s15], $0x40, s22, s15, $0xb8;
	[tilespmem:$0x18880] =	vst v63  }
0x75: {  	_ =	swait.ge [sflag:s18], $0x1400  }
0x76: {  	[sflag:s18] =	ssyncset.done $0x0  }
0x77: {  	s22 =	sadd.s32 $0x5000, s21;
	[sflag:s18] =	ssyncadd.s32 $0xFFFFEC00  }
0x78: {  	[spmem:s1] =	stream.indirect.scatter.add.f32 [tilespmem:s20], [sflag:$0x2], $0x40, s22, s15, $0xb8;
	[tilespmem:$0x18880] =	vst v63  }
0x79: {  	_ =	swait.ge [sflag:s25], $0x1400  }
0x7a: {  	[sflag:s25] =	ssyncset.done $0x0  }
0x7b: {  	s22 =	sadd.s32 $0x280, s21;
	[sflag:s25] =	ssyncadd.s32 $0xFFFFEC00  }
0x7c: {  	[tilespmem:s16], [sflag:$0x1] =	stream.indirect.gather [hbm4b:s6+s15], $0x40, s22, s15, $0xb8;
	[tilespmem:$0x18880] =	vst v63  }
0x7d: {  	_ =	swait.ge [sflag:s18], $0x1400  }
0x7e: {  	[sflag:s18] =	ssyncset.done $0x0  }
.Ltmp0:
0x7f: {  	s22 =	sadd.s32 $0x5050, s21;
	[sflag:s18] =	ssyncadd.s32 $0xFFFFEC00;
	(pc) =	sbr.rel @p1 .LBB2_2-.Ltmp0, $4  }
0x80: {  	[spmem:s1] =	stream.indirect.scatter.add.f32 [tilespmem:s23], [sflag:$0x2], $0x40, s22, s15, $0xb8;
	[tilespmem:$0x18880] =	vst v63  }
0x81: {  	_ =	swait.ge [sflag:s25], $0x1400  }
0x82: {  	[sflag:s25] =	ssyncset.done $0x0  }
0x83: {  	s21 =	sadd.s32 $0x2D0, s21;
	[sflag:s25] =	ssyncadd.s32 $0xFFFFEC00  }
0x84: {  	[tilespmem:s17], [sflag:$0x1] =	stream.indirect.gather [hbm4b:s6+s15], $0x40, s21, s15, $0xb8;
	[tilespmem:$0x18880] =	vst v63  }
0x85: {  	_ =	swait.ge [sflag:s18], $0x1400  }
0x86: {  	[sflag:s18] =	ssyncset.done $0x0  }
0x87: {  	[sflag:s18] =	ssyncadd.s32 $0xFFFFEC00  }
0x88: {  	[spmem:s1] =	stream.indirect.scatter.add.f32 [tilespmem:s16], [sflag:$0x2], $0x40, s30, s15, $0xb8;
	[tilespmem:$0x18880] =	vst v63  }
0x89: {  	_ =	swait.ge [sflag:s25], $0x1400  }
0x8a: {  	[sflag:s25] =	ssyncset.done $0x0  }
0x8b: {  	[sflag:s25] =	ssyncadd.s32 $0xFFFFEC00  }
0x8c: {  	_ =	swait.ge [sflag:s18], $0x1400  }
0x8d: {  	[sflag:s18] =	ssyncset.done $0x0  }
0x8e: {  	[sflag:s18] =	ssyncadd.s32 $0xFFFFEC00  }
0x8f: {  	[spmem:s1] =	stream.indirect.scatter.add.f32 [tilespmem:s17], [sflag:$0x2], $0x40, s31, s15, $0xb8;
	[tilespmem:$0x18880] =	vst v63  }
0x90: {  	_ =	swait.ge [sflag:s25], $0x1400  }
0x91: {  	[sflag:s25] =	ssyncset.done $0x0  }
0x92: {  	[sflag:s25] =	ssyncadd.s32 $0xFFFFEC00  }
0x93: {  	_ =	swait.ge [sflag:s25], $0x1400  }
0x94: {  	[sflag:s25] =	ssyncset.done $0x0  }
0x95: {  	[sflag:s25] =	ssyncadd.s32 $0xFFFFEC00  }
0x96: {  	_ =	swait.ge [sflag:s25], $0x1400  }
0x97: {  	[sflag:s25] =	ssyncset.done $0x0  }
0x98: {  	[sflag:s25] =	ssyncadd.s32 $0xFFFFEC00  }
0x99: {  	[bflag:$0x0] =	sbarrier.arrive $0xFFFF  }
0x9a: {  	[hbm:s7], [sflag:s12] =	dma.local [spmem:s13], $0x1380  }
0x9b: {  	s0 =	sadd.s32 $0x1, s0;
	_ =	swait.ge [sflag:s10], $0x1380  }
0x9c: {  	p1 =	sne.s32 s0, s9;
	[sflag:s10] =	ssyncset.done $0x0  }
.Ltmp1:
0x9d: {  	s19 =	simm.s32 @!p0 $0x3;
	[sflag:s10] =	ssyncadd.s32 $0xFFFFEC80;
	(pc) =	sbr.rel @p1 .LBB2_1-.Ltmp1, $4  }
0x9e: {  	[hbm:s8], [sflag:s12] =	dma.local @!p0 [spmem:s14], $0x80  }
0x9f: {  	_ =	swait.ge @!p0 [sflag:s19], $0x80  }
0xa0: {  	[sflag:s19] =	ssyncset.done @!p0 $0x0  }
0xa1: {  	[sflag:s19] =	ssyncadd.s32 @!p0 $0xFFFFFF80  }
0xa2: {  	_ =	sfence.sel $0x180000  }
0xa3: {  	[bflag:$0x0] =	sbarrier.arrive $0xFFFF  }
0xa4: {  	_ =	strace $0x9000004D  }
0xa5: {  	[bflag:$0x2] =	sbarrier.arrive $0xFFFF  }
0xa6: {  	s0 =	rddreg [dreg:$0x3]  }
0xa7: {  	s0 =	sadd.s32 @!p0 $0x100000, s0  }
0xa8: {  	[sflag:s0] =	ssyncadd.tile.s32 @!p0 $0x1;
	_ =	shalt  }
.Lfunc_end2:
_tile_overlayer_lowered:
.L_overlay_start_2:
0xa9: {  	(tag) =	ssettag $0x2  }
0xaa: {  	s0 =	rddreg [dreg:$0x0];
	s2 =	stileid.u32  }
0xab: {  	s1 =	rddreg [dreg:$0x1];
	p0 =	sne.s32 s2, $0x0  }
0xac: {  	s3 =	rddreg [dreg:$0x2];
	[bflag:$0x3] =	sbarrier.arrive $0xFFFF;
	s2 =	simm.s32 @!p0 $0x1C03  }
0xad: {  	[timem:s3], [sflag:s2] =	dma.local @!p0 [hbm:s0], s1  }
0xae: {  	s0 =	simm.s32 @!p0 $0x3  }
0xaf: {  	_ =	swait.ge @!p0 [sflag:s0], s1  }
0xb0: {  	s1 =	ssub.s32 @!p0 $0x0, s1;
	[sflag:s0] =	ssyncset.done @!p0 $0x0  }
0xb1: {  	[sflag:s0] =	ssyncadd.s32 @!p0 s1  }
0xb2: {  	[bflag:$0x3] =	sbarrier.arrive $0xFFFF  }
0xb3: {  	_ =	shalt  }

// kernel: kernel.9.cloned.1.call-start
scs
__scs_entry_jumppad:
0x0: {  	(pc) =	sbr.rel $0x88, $3  }
0x1: {  	(tag) =	ssettag $0x0;
	lr =	simm.s32 $0x1  }
0x2: {  	[smem:$0x3F9B] =	sst lr;
	_ =	strace $0xD0000000  }
0x3: {  	_ = 	snop  }
0x4: {  	_ = 	snop  }
0x5: {  	_ = 	snop  }
0x6: {  	_ = 	snop  }
0x7: {  	_ = 	snop  }
__scs_overlays_trampoline_lowered:
0x8: {  	[smem:$0x3FAA] =	sst s0  }
0x9: {  	[smem:$0x3FAB] =	sst s1  }
0xa: {  	[smem:$0x3FAC] =	sst s2  }
0xb: {  	[smem:$0x3FAD] =	sst s3  }
0xc: {  	[smem:$0x3FAE] =	sst s4  }
0xd: {  	[smem:$0x3FAF] =	sst s5  }
0xe: {  	[smem:$0x3FB0] =	sst s6  }
0xf: {  	[smem:$0x3FB1] =	sst s7  }
0x10: {  	[smem:$0x3FB2] =	sst s8  }
0x11: {  	[smem:$0x3FB3] =	sst s9;
	s0 =	simm.s32 @!p0 $0x0  }
0x12: {  	s1 =	sld [smem:$0x3F99];
	s0 =	simm.s32 @p0 $0x1  }
0x13: {  	[smem:$0x3FB4] =	sst s0;
	s0 =	simm.s32 @!p1 $0x0  }
0x14: {  	s2 =	sld [smem:$0x3F98];
	s0 =	simm.s32 @p1 $0x1  }
0x15: {  	[smem:$0x3FB5] =	sst s0;
	s0 =	simm.s32 @!p2 $0x0  }
0x16: {  	s3 =	sld [smem:$0x3FDB];
	s0 =	simm.s32 @p2 $0x1  }
0x17: {  	s4 =	simm.s32 $0x1BF5;
	[smem:$0x3FB7] =	sst s0  }
0x18: {  	s0 =	sld [smem:$0x3F9A];
	_ =	swait.ge [sflag:s4], $0x0  }
0x19: {  	s7 =	sld [smem:$0x3F9B]  }
0x1a: {  	s8 =	sadd.s32 $0xFFFFE003, lr  }
0x1b: {  	s9 =	sadd.s32 $0xFFFFFEF7, lr;
	s5 =	simm.s32 $0xFFFFFFFF;
	p2 =	slt.u32 s8, $0xFFFFF086  }
0x1c: {  	p1 =	slt.u32 s9, $0xF7A;
	s5 =	simm.s32 @!p2 $0x0  }
0x1d: {  	s5 =	simm.s32 @p1 $0x1;
	p0 =	seq.s32 s7, s2  }
0x1e: {  	s7 =	smul.u32 @!p0 $0xF7A, s2;
	p2 =	seq.s32 @!p0 s5, $0x0  }
0x1f: {  	s9 =	smul.u32 $0xF7A, s1;
	s8 =	simm.s32 @!p0 $0x1BF5;
	p2 =	por !p2, p0  }
0x20: {  	[sflag:s8] =	ssyncset.s32 @!p0 $0xFFFFF086;
	s6 =	sadd.s32 @!p0 s3, s7;
	s7 =	simm.s32 @!p0 $0x108  }
0x21: {  	s3 =	sadd.s32 s3, s9;
	s6 =	sadd.s32 @!p0 $0x88, s6;
	s7 =	simm.s32 @p2 $0x1082  }
0x22: {  	[simem:s7], [sflag:s8] =	dma.local @!p0 [hbm:s6], $0xF7A  }
0x23: {  	s9 =	sor.u32 $0xD0000000, s2;
	s6 =	simm.s32 $0x108;
	_ =	swait.ge @!p0 [sflag:s8], $0x0  }
0x24: {  	s3 =	sadd.s32 $0x88, s3;
	s6 =	simm.s32 @!p1 $0x1082;
	[sflag:s4] =	ssyncset.s32 $0xFFFFF086  }
0x25: {  	[simem:s6], [sflag:s4] =	dma.local [hbm:s3], $0xF7A  }
0x26: {  	[smem:$0x3F9B] =	sst s1;
	(tag) =	ssettag s2;
	_ =	strace s9  }
0x27: {  	s1 =	sld [smem:$0x3FAB]  }
0x28: {  	s2 =	sld [smem:$0x3FAC]  }
0x29: {  	s4 =	sld [smem:$0x3FAE]  }
0x2a: {  	p0 =	seq.s32 s5, $0x0;
	s5 =	sld [smem:$0x3FAF]  }
0x2b: {  	s6 =	sld [smem:$0x3FB0]  }
0x2c: {  	s7 =	sld [smem:$0x3FB1]  }
0x2d: {  	s3 =	simm.s32 $0x108;
	s8 =	sld [smem:$0x3FB2]  }
0x2e: {  	s3 =	simm.s32 @!p0 $0x1082;
	s9 =	sld [smem:$0x3FB3]  }
0x2f: {  	lr =	sadd.s32 s0, s3;
	s0 =	sld [smem:$0x3FAA]  }
0x30: {  	s3 =	sld [smem:$0x3FAD]  }
0x31: {  	[smem:$0x3FB6] =	sst s10  }
0x32: {  	s10 =	sld [smem:$0x3FB4];
	_ =	sdelay $0x3  }
0x33: {  	p0 =	seq.s32 s10, $0x1;
	s10 =	sld [smem:$0x3FB6];
	_ =	sdelay $0x3  }
0x34: {  	[smem:$0x3FB6] =	sst s10  }
0x35: {  	s10 =	sld [smem:$0x3FB5];
	_ =	sdelay $0x3  }
0x36: {  	p1 =	seq.s32 s10, $0x1;
	s10 =	sld [smem:$0x3FB6];
	_ =	sdelay $0x3  }
0x37: {  	[smem:$0x3FB6] =	sst s10  }
0x38: {  	s10 =	sld [smem:$0x3FB7]  }
0x39: {  	_ = 	snop;
	(pc) =	sbr.ind lr, $3  }
0x3a: {  	_ = 	snop  }
0x3b: {  	_ = 	snop  }
0x3c: {  	p2 =	seq.s32 s10, $0x1;
	s10 =	sld [smem:$0x3FB6]  }
0x3d: {  	_ =	shalt  }
0x3e: {  	_ =	shalt  }
0x3f: {  	_ =	shalt  }
0x40: {  	_ =	shalt  }
0x41: {  	_ =	shalt  }
0x42: {  	_ =	shalt  }
0x43: {  	_ =	shalt  }
0x44: {  	_ =	shalt  }
0x45: {  	_ =	shalt  }
0x46: {  	_ =	shalt  }
0x47: {  	_ =	shalt  }
0x48: {  	_ =	shalt  }
0x49: {  	_ =	shalt  }
0x4a: {  	_ =	shalt  }
0x4b: {  	_ =	shalt  }
0x4c: {  	_ =	shalt  }
0x4d: {  	_ =	shalt  }
0x4e: {  	_ =	shalt  }
0x4f: {  	_ =	shalt  }
0x50: {  	_ =	shalt  }
0x51: {  	_ =	shalt  }
0x52: {  	_ =	shalt  }
0x53: {  	_ =	shalt  }
0x54: {  	_ =	shalt  }
0x55: {  	_ =	shalt  }
0x56: {  	_ =	shalt  }
0x57: {  	_ =	shalt  }
0x58: {  	_ =	shalt  }
0x59: {  	_ =	shalt  }
0x5a: {  	_ =	shalt  }
0x5b: {  	_ =	shalt  }
0x5c: {  	_ =	shalt  }
0x5d: {  	_ =	shalt  }
0x5e: {  	_ =	shalt  }
0x5f: {  	_ =	shalt  }
0x60: {  	_ =	shalt  }
0x61: {  	_ =	shalt  }
0x62: {  	_ =	shalt  }
0x63: {  	_ =	shalt  }
0x64: {  	_ =	shalt  }
0x65: {  	_ =	shalt  }
0x66: {  	_ =	shalt  }
0x67: {  	_ =	shalt  }
0x68: {  	_ =	shalt  }
0x69: {  	_ =	shalt  }
0x6a: {  	_ =	shalt  }
0x6b: {  	_ =	shalt  }
0x6c: {  	_ =	shalt  }
0x6d: {  	_ =	shalt  }
0x6e: {  	_ =	shalt  }
0x6f: {  	_ =	shalt  }
0x70: {  	_ =	shalt  }
0x71: {  	_ =	shalt  }
0x72: {  	_ =	shalt  }
0x73: {  	_ =	shalt  }
0x74: {  	_ =	shalt  }
0x75: {  	_ =	shalt  }
0x76: {  	_ =	shalt  }
0x77: {  	_ =	shalt  }
0x78: {  	_ =	shalt  }
0x79: {  	_ =	shalt  }
0x7a: {  	_ =	shalt  }
0x7b: {  	_ =	shalt  }
0x7c: {  	_ =	shalt  }
0x7d: {  	_ =	shalt  }
0x7e: {  	_ =	shalt  }
0x7f: {  	_ =	shalt  }
0x80: {  	_ =	shalt  }
0x81: {  	_ =	shalt  }
0x82: {  	_ =	shalt  }
0x83: {  	_ =	shalt  }
0x84: {  	_ =	shalt  }
0x85: {  	_ =	shalt  }
0x86: {  	_ =	shalt  }
0x87: {  	_ =	shalt  }
.Lfunc_end0:
.L_simem_size_0:
called_computation_lowered:
.L_overlay_start_0:
0x88: {  	s2 =	sld [smem:$0x3FD9]  }
0x89: {  	s3 =	sld [smem:$0x3FFE];
	_ =	sdelay $0x1  }
0x8a: {  	s1 =	srdreg.scid  }
0x8b: {  	s0 =	sand.u32 $0x1, s1  }
0x8c: {  	s17 =	sshll.u32 s0, $0xA;
	s2 =	sadd.s32 s3, s2  }
0x8d: {  	s2 =	sadd.s32 s2, s17  }
0x8e: {  	[smem:$0x3FC2] =	sst s2  }
0x8f: {  	_ = 	snop  }
0x90: {  	s2 =	sld [smem:$0x3FD0];
	(tm) =	ssettm $0x1  }
0x91: {  	s18 =	sld [smem:$0x3FFB];
	_ =	sdelay $0x3  }
0x92: {  	_ =	strace s18  }
0x93: {  	s3 =	sld [smem:$0x3FFC];
	_ =	sdelay $0x3  }
0x94: {  	_ =	strace s3  }
0x95: {  	s3 =	sld [smem:$0x3FFD];
	_ =	sdelay $0x3  }
0x96: {  	_ =	strace s3  }
0x97: {  	_ =	strace $0x8FFFFFFF  }
0x98: {  	s19 =	sld [smem:$0x3FDB];
	_ =	sdelay $0x1  }
0x99: {  	s4 =	simm.s32 $_scs_section_size  }
0x9a: {  	s5 =	simm.s32 $_size__tile_overlayer_lowered;
	s6 =	simm.s32 $_tile_overlayer_lowered  }
0x9b: {  	s22 =	simm.s32 $0x1BFF;
	s21 =	sshll.u32 s6, $0x1;
	s3 =	sadd.s32 s4, s19  }
0x9c: {  	s7 =	simm.s32 $0x0;
	s20 =	sshll.u32 s5, $0x1;
	s5 =	sadd.s32 s21, s3  }
0x9d: {  	[timem:s7], [sflag:s22] =	dma.local [hbm:s5], s20  }
0x9e: {  	_ =	swait.ge [sflag:s22], s20  }
0x9f: {  	s4 =	ssub.s32 $0x0, s20;
	[sflag:s22] =	ssyncset.done $0x0  }
0xa0: {  	[sflag:s22] =	ssyncadd.s32 s4;
	_ =	sdelay $0x1  }
0xa1: {  	s23 =	simm.s32 $0x1B8B  }
0xa2: {  	_ =	swait.ge [sflag:s23], $0x1  }
0xa3: {  	[sflag:s23] =	ssyncset.done $0x0  }
0xa4: {  	s25 =	simm.s32 $0x1B8E;
	s24 =	sld [smem:$0x3FFE];
	[sflag:s23] =	ssyncadd.s32 $0xFFFFFFFF  }
0xa5: {  	s26 =	simm.s32 $execute0_lowered;
	[smem:$0x3FD2] =	sst s25  }
0xa6: {  	s5 =	sshll.u32 s26, $0x1;
	_ =	strace $0x80000046;
	[dreg:$0x1] =	wrdreg $0xFFFFFFFF  }
0xa7: {  	s28 =	simm.s32 $_size_execute0_lowered;
	s3 =	sadd.s32 s3, s5;
	[dreg:$0x0] =	wrdreg $0x0  }
0xa8: {  	s5 =	sshll.u32 s28, $0x1;
	[dreg:$0x2] =	wrdreg s3  }
0xa9: {  	[dreg:$0x3] =	wrdreg s5  }
0xaa: {  	[dreg:$0x4] =	wrdreg $0xC0  }
0xab: {  	_ =	task [dreg:s7], $0x5FFFF  }
0xac: {  	[dreg:$0x1] =	wrdreg $0xFFFFFFFF  }
0xad: {  	[dreg:$0x0] =	wrdreg $0x60  }
0xae: {  	[dreg:$0x2] =	wrdreg s24  }
0xaf: {  	[dreg:$0x3] =	wrdreg s2  }
0xb0: {  	[dreg:$0x4] =	wrdreg $0x53200  }
0xb1: {  	[dreg:$0x5] =	wrdreg $0x7A300  }
0xb2: {  	[dreg:$0x6] =	wrdreg $0x9  }
0xb3: {  	_ =	task.clear_ibuf [dreg:s7], $0x7FFFF;
	_ =	strace $0x90000046  }
0xb4: {  	s29 =	simm.s32 $0x9;
	_ =	strace $0x80000048  }
0xb5: {  	_ =	swait.ge [sflag:s29], $0x1  }
0xb6: {  	[sflag:s29] =	ssyncadd.s32 $0xFFFFFFFF  }
0xb7: {  	_ =	strace $0x90000048  }
0xb8: {  	_ =	sfence  }
0xb9: {  	s30 =	sld [smem:$0x0];
	_ =	sdelay $0x2  }
0xba: {  	s31 =	sshll.u32 s1, $0xD;
	s1 =	sshrl.u32 s1, $0x2  }
0xbb: {  	s3 =	sand.u32 $0x4000, s31;
	s1 =	sadd.s32 s1, s30  }
0xbc: {  	s0 =	sor.u32 s3, s0;
	s1 =	sshll.u32 s1, $0x11  }
0xbd: {  	s0 =	sor.u32 s1, s0  }
0xbe: {  	s0 =	sadd.s32 $0x8F2B, s0  }
0xbf: {  	[sflag:s0] =	ssyncadd.remote.s32 $0x1  }
0xc0: {  	_ =	sfence.sel $0xFFFF  }
0xc1: {  	[dreg:$0x0] =	wrdreg $0xFFFFFFFF;
	(pc) =	sbr.abs _section_cstart, $3  }
0xc2: {  	[dreg:$0x1] =	wrdreg $0xFFFFFFFF  }
0xc3: {  	_ =	task.clear_ibuf [dreg:s7], $0x2FFFF;
	_ =	strace $0x9FFFFFFF  }
0xc4: {  	(tm) =	ssettm $0x7FFFFFFF  }
0xc5: {  	_ =	shalt  }
tec
execute0_lowered:
.L_overlay_start_1:
0x0: {  	(tag) =	ssettag $0x1  }
0x1: {  	s5 =	rddreg [dreg:$0x0]  }
0x2: {  	s11 =	rddreg [dreg:$0x1]  }
0x3: {  	s0 =	srdreg.scid;
	s1 =	rddreg [dreg:$0x2]  }
0x4: {  	s18 =	stileid.u32;
	s2 =	rddreg [dreg:$0x3]  }
0x5: {  	s3 =	simm.s32 $0x0;
	s16 =	simm.s32 $0x2;
	s17 =	simm.s32 $0x2710  }
0x6: {  	s21 =	simm.s32 $0x50;
	s22 =	simm.s32 $0x1;
	s23 =	simm.s32 $0x0  }
0x7: {  	s6 =	sand.u32 $0x1, s0;
	s4 =	smul.u32 $0x4E20, s18;
	s0 =	rddreg [dreg:$0x4]  }
0x8: {  	[smem:$0x7FF] =	sst s3;
	s9 =	smul.u32 $0x2700, s18;
	p0 =	sne.s32 s18, $0x0  }
0x9: {  	s19 =	sshll.u32 s18, $0x6;
	s18 =	simm.s32 $0x4E20;
	s7 =	smul.u32 $0x2710, s6  }
0xa: {  	_ =	strace $0x80000047;
	s8 =	ssub.s32 $0x2, s6;
	s12 =	smul.u32 $0x4E200, s6  }
0xb: {  	s19 =	sor.u32 $0x1C02, s19;
	s10 =	sshrl.u32 s8, $0x1;
	s20 =	sadd.s32 s9, s1  }
0xc: {  	s4 =	sadd.s32 s7, s4;
	s15 =	ssub.s32 s8, s10;
	s31 =	sadd.s32 s9, s12  }
0xd: {  	s8 =	sadd.s32 s9, s2;
	s12 =	sshrl.u32 s12, $0x3;
	s9 =	sadd.s32 $0x27000, s1  }
0xe: {  	s20 =	sshrl.u32 s20, $0x3;
	s4 =	sshrl.u32 s4, $0x3;
	s10 =	sshrl.u32 s31, $0x3  }
0xf: {  	s14 =	sadd.s32 s11, s12;
	s15 =	smax.u32 s15, $0x1;
	s30 =	sadd.s32 s4, s5  }
0x10: {  	s4 =	sadd.s32 $0x15800, s5;
	s5 =	sadd.s32 $0x15200, s5;
	s10 =	sadd.s32 s11, s10  }
0x11: {  	s11 =	sadd.s32 $0x27000, s2;
	s13 =	sadd.s32 $0x4E00, s14;
	s14 =	sadd.s32 $0x9C20, s14  }
0x12: {  	s6 =	sadd.s32 $0xB400, s30;
	s7 =	sadd.s32 $0x1600, s30;
	s12 =	sadd.s32 $0x4E20, s10  }
.LBB2_1:
0x13: {  	[tilespmem:s3], [sflag:$0x2] =	stream.linear.gather [hbm4b:s6+s3], $0x2710, $0x38;
	[tilespmem:$0xA140] =	vst v63  }
0x14: {  	_ =	swait.ge [sflag:s16], $0x2710  }
0x15: {  	[sflag:s16] =	ssyncset.done $0x0  }
0x16: {  	[sflag:s16] =	ssyncadd.s32 $0xFFFFD8F0  }
0x17: {  	[tilespmem:s17], [sflag:$0x2] =	stream.linear.gather [hbm4b:s7+s3], $0x2710, $0x38;
	[tilespmem:$0xA140] =	vst v63  }
0x18: {  	_ =	swait.ge [sflag:s16], $0x2710  }
0x19: {  	[sflag:s16] =	ssyncset.done $0x0  }
0x1a: {  	[sflag:s16] =	ssyncadd.s32 $0xFFFFD8F0  }
0x1b: {  	[tilespmem:s18], [sflag:$0x2] =	stream.linear.gather [hbm4b:s4+s3], $0x500, $0x38;
	[tilespmem:$0xA140] =	vst v63  }
0x1c: {  	_ =	swait.ge [sflag:s16], $0x500  }
0x1d: {  	[sflag:s16] =	ssyncset.done $0x0  }
0x1e: {  	[sflag:s16] =	ssyncadd.s32 $0xFFFFFB00  }
0x1f: {  	[spmem:s20], [sflag:s19] =	dma.local [hbm:s5], $0x4E0  }
0x20: {  	_ =	swait.ge [sflag:s16], $0x4E0  }
0x21: {  	[sflag:s16] =	ssyncset.done $0x0  }
0x22: {  	s24 =	sshrl.u32 s8, $0x3;
	[sflag:s16] =	ssyncadd.s32 $0xFFFFFB20  }
0x23: {  	[spmem:s24], [sflag:s19] =	dma.local [hbm:s5], $0x4E0  }
0x24: {  	_ =	swait.ge [sflag:s16], $0x4E0  }
0x25: {  	[sflag:s16] =	ssyncset.done $0x0  }
0x26: {  	s25 =	sshrl.u32 @!p0 s9, $0x3;
	s28 =	simm.s32 @!p0 $0x2;
	[sflag:s16] =	ssyncadd.s32 $0xFFFFFB20  }
0x27: {  	[spmem:s25], [sflag:s19] =	dma.local @!p0 [hbm:s5], $0x20  }
0x28: {  	_ =	swait.ge @!p0 [sflag:s28], $0x20  }
0x29: {  	[sflag:s28] =	ssyncset.done @!p0 $0x0  }
0x2a: {  	s26 =	sshrl.u32 @!p0 s11, $0x3;
	[sflag:s28] =	ssyncadd.s32 @!p0 $0xFFFFFFE0  }
0x2b: {  	[spmem:s26], [sflag:s19] =	dma.local @!p0 [hbm:s5], $0x20  }
0x2c: {  	_ =	swait.ge @!p0 [sflag:s28], $0x20  }
0x2d: {  	[sflag:s28] =	ssyncset.done @!p0 $0x0  }
0x2e: {  	[sflag:s28] =	ssyncadd.s32 @!p0 $0xFFFFFFE0  }
0x2f: {  	s28 =	simm.s32 $0x0;
	[bflag:$0x0] =	sbarrier.arrive $0xFFFF  }
0x30: {  	[spmem:s1] =	stream.indirect.scatter.add.f32 [tilespmem:s18], [sflag:$0x1], $0x10, s28, s21, $0xb8;
	[tilespmem:$0xA140] =	vst v63  }
0x31: {  	s29 =	simm.s32 $0x2710;
	s28 =	simm.s32 $0x140  }
.LBB2_2:
0x32: {  	[spmem:s2] =	stream.indirect.scatter.add.f32 [tilespmem:s18], [sflag:$0x1], $0x10, s29, s21, $0xb8;
	[tilespmem:$0xA140] =	vst v63  }
0x33: {  	s29 =	smov.u32 s28;
	p1 =	sne.s32 s28, $0x9B00  }
.Ltmp0:
0x34: {  	s28 =	sadd.s32 $0x140, s28;
	(pc) =	sbr.rel @p1 .LBB2_2-.Ltmp0, $4  }
0x35: {  	_ = 	snop  }
0x36: {  	s29 =	sshra.s32 s29, $0x2  }
0x37: {  	[spmem:s1] =	stream.indirect.scatter.add.f32 [tilespmem:s18], [sflag:$0x1], $0x10, s29, s21, $0xb8;
	[tilespmem:$0xA140] =	vst v63  }
0x38: {  	s29 =	sadd.s32 $0x2710, s29  }
0x39: {  	[spmem:s2] =	stream.indirect.scatter.add.f32 [tilespmem:s18], [sflag:$0x1], $0x10, s29, s21, $0xb8;
	[tilespmem:$0xA140] =	vst v63  }
0x3a: {  	_ =	swait.ge [sflag:s22], $0x500  }
0x3b: {  	[sflag:s22] =	ssyncset.done $0x0  }
0x3c: {  	[sflag:s22] =	ssyncadd.s32 $0xFFFFFB00  }
0x3d: {  	_ =	swait.ge [sflag:s22], $0x500  }
0x3e: {  	s28 =	simm.s32 $0x7C;
	[sflag:s22] =	ssyncset.done $0x0  }
.LBB2_4:
0x3f: {  	p1 =	sne.s32 s28, $0x1;
	s28 =	sadd.s32 $0xFFFFFFFF, s28;
	[sflag:s22] =	ssyncadd.s32 $0xFFFFFB00  }
.Ltmp1:
0x40: {  	_ =	swait.ge [sflag:s22], $0x500;
	(pc) =	sbr.rel @p1 .LBB2_4-.Ltmp1, $4  }
0x41: {  	[sflag:s22] =	ssyncset.done $0x0  }
0x42: {  	[sflag:s22] =	ssyncadd.s32 $0xFFFFFB00  }
0x43: {  	_ =	swait.ge [sflag:s22], $0x500  }
0x44: {  	[sflag:s22] =	ssyncset.done $0x0  }
0x45: {  	[sflag:s22] =	ssyncadd.s32 $0xFFFFFB00  }
0x46: {  	[bflag:$0x0] =	sbarrier.arrive $0xFFFF  }
0x47: {  	[hbm:s10], [sflag:s19] =	dma.local [spmem:s20], $0x4E0  }
0x48: {  	_ =	swait.ge [sflag:s16], $0x4E0  }
0x49: {  	[sflag:s16] =	ssyncset.done $0x0  }
0x4a: {  	[sflag:s16] =	ssyncadd.s32 $0xFFFFFB20  }
0x4b: {  	[hbm:s12], [sflag:s19] =	dma.local [spmem:s24], $0x4E0  }
0x4c: {  	_ =	swait.ge [sflag:s16], $0x4E0  }
0x4d: {  	[sflag:s16] =	ssyncset.done $0x0  }
0x4e: {  	s24 =	simm.s32 @!p0 $0x2;
	[sflag:s16] =	ssyncadd.s32 $0xFFFFFB20  }
0x4f: {  	[hbm:s13], [sflag:s19] =	dma.local @!p0 [spmem:s25], $0x20  }
0x50: {  	s23 =	sadd.s32 $0x1, s23;
	_ =	swait.ge @!p0 [sflag:s24], $0x20  }
0x51: {  	p1 =	sne.s32 s23, s15;
	[sflag:s24] =	ssyncset.done @!p0 $0x0  }
.Ltmp2:
0x52: {  	[sflag:s24] =	ssyncadd.s32 @!p0 $0xFFFFFFE0;
	(pc) =	sbr.rel @p1 .LBB2_1-.Ltmp2, $4  }
0x53: {  	[hbm:s14], [sflag:s19] =	dma.local @!p0 [spmem:s26], $0x20  }
0x54: {  	_ =	swait.ge @!p0 [sflag:s24], $0x20  }
0x55: {  	[sflag:s24] =	ssyncset.done @!p0 $0x0  }
0x56: {  	[sflag:s24] =	ssyncadd.s32 @!p0 $0xFFFFFFE0  }
0x57: {  	_ =	sfence.sel $0x180000  }
0x58: {  	[bflag:$0x0] =	sbarrier.arrive $0xFFFF  }
0x59: {  	_ =	strace $0x90000047  }
0x5a: {  	s0 =	sadd.s32 @!p0 $0x100000, s0;
	[bflag:$0x2] =	sbarrier.arrive $0xFFFF  }
0x5b: {  	[sflag:s0] =	ssyncadd.tile.s32 @!p0 $0x1;
	_ =	shalt  }
.Lfunc_end2:
_tile_overlayer_lowered:
.L_overlay_start_2:
0x5c: {  	(tag) =	ssettag $0x2  }
0x5d: {  	s0 =	rddreg [dreg:$0x0];
	s2 =	stileid.u32  }
0x5e: {  	s1 =	rddreg [dreg:$0x1];
	p0 =	sne.s32 s2, $0x0  }
0x5f: {  	s3 =	rddreg [dreg:$0x2];
	[bflag:$0x3] =	sbarrier.arrive $0xFFFF;
	s2 =	simm.s32 @!p0 $0x1C02  }
0x60: {  	[timem:s3], [sflag:s2] =	dma.local @!p0 [hbm:s0], s1  }
0x61: {  	s0 =	simm.s32 @!p0 $0x2  }
0x62: {  	_ =	swait.ge @!p0 [sflag:s0], s1  }
0x63: {  	s1 =	ssub.s32 @!p0 $0x0, s1;
	[sflag:s0] =	ssyncset.done @!p0 $0x0  }
0x64: {  	[sflag:s0] =	ssyncadd.s32 @!p0 s1  }
0x65: {  	[bflag:$0x3] =	sbarrier.arrive $0xFFFF  }
0x66: {  	_ =	shalt  }

</sc_bundles>
